<compile_context>
chip_gen: v7x
topology: tpu7x:2x2x1
jax: 0.10.2.dev20260603
libtpu: 0.0.44.dev20260713+nightly
codegen_flags: <defaults>
</compile_context>

<pallas_src>
import functools

import jax
import jax.numpy as jnp
from jax import lax
from jax.experimental import pallas as pl
from jax.experimental.pallas import tpu as pltpu
from jax.experimental.pallas import tpu_sc as plsc

N_NODES = 10000
N_EDGES = 160000
SLOPE = 0.2

NC = 2
NS = 16
CH = 128
CPT = 80
SEGC = 16
E_PAD = NS * CPT * CH
N_PAD = 10112
RPT = N_PAD // NS
IDX_ROWS = E_PAD // CH

_f32 = jnp.float32


def _sc_agg_body(nchunk, with_deg, *refs):
    if with_deg:
        (tab, srcr, dstr, zrow, ones_b,
         out, dego, src_v, dst_v, rows0, rows1, acc, sem0, sem1) = refs
    else:
        (tab, srcr, dstr, zrow,
         out, src_v, dst_v, rows0, rows1, acc, sem0, sem1) = refs
    passes = nchunk // NC
    c = lax.axis_index("c")
    s = lax.axis_index("s")
    row0 = s * RPT

    def drain(buf, sem):
        pltpu.make_async_copy(tab.at[pl.ds(0, CH)], buf, sem).wait()

    def zero_acc():
        pltpu.sync_copy(zrow, rows0)
        n_full, rem = divmod(RPT, CH)
        for k in range(n_full):
            pltpu.sync_copy(rows0, acc.at[pl.ds(row0 + k * CH, CH)])
        if rem:
            pltpu.sync_copy(rows0.at[pl.ds(0, rem)],
                            acc.at[pl.ds(row0 + n_full * CH, rem)])

    if with_deg:
        zero_acc()
        plsc.subcore_barrier()
        pltpu.sync_copy(ones_b, rows0)
        half = IDX_ROWS // NC
        tile0 = half // NS
        base0 = c * half + s * tile0
        done = 0
        for n in (SEGC, SEGC, tile0 - 2 * SEGC):
            pltpu.sync_copy(dstr.at[pl.ds(base0 + done, n)],
                            dst_v.at[pl.ds(0, n)])

            @pl.loop(0, n)
            def _(j):
                pltpu.sync_copy(rows0, acc.at[dst_v.at[j]], add=True)

            done += n
        plsc.subcore_barrier()
        pltpu.sync_copy(acc.at[pl.ds(row0, RPT)],
                        dego.at[c].at[pl.ds(row0, RPT)])
        plsc.subcore_barrier()

    for p in range(passes):
        zero_acc()
        plsc.subcore_barrier()

        chunk = c * passes + p
        pltpu.sync_copy(srcr.at[chunk].at[pl.ds(s * CPT, CPT)], src_v)

        pltpu.async_copy(tab.at[src_v.at[0]], rows0, sem0)
        pltpu.async_copy(tab.at[src_v.at[1]], rows1, sem1)

        @pl.loop(0, CPT // SEGC)
        def _(g):
            base = g * SEGC
            pltpu.sync_copy(dstr.at[pl.ds(s * CPT + base, SEGC)], dst_v)

            @pl.loop(0, SEGC, step=2)
            def _(j):
                i = base + j
                drain(rows0, sem0)
                pltpu.sync_copy(rows0, acc.at[dst_v.at[j]], add=True)

                @pl.when(i + 2 < CPT)
                def _():
                    pltpu.async_copy(tab.at[src_v.at[i + 2]], rows0, sem0)

                drain(rows1, sem1)
                pltpu.sync_copy(rows1, acc.at[dst_v.at[j + 1]], add=True)

                @pl.when(i + 3 < CPT)
                def _():
                    pltpu.async_copy(tab.at[src_v.at[i + 3]], rows1, sem1)

        plsc.subcore_barrier()
        pltpu.sync_copy(acc.at[pl.ds(row0, RPT)],
                        out.at[chunk].at[pl.ds(row0, RPT)])
        if p + 1 < passes:
            plsc.subcore_barrier()


def _make_sc_agg(nchunk, with_deg=False):
    mesh = plsc.VectorSubcoreMesh(core_axis_name="c", subcore_axis_name="s")
    out_type = [jax.ShapeDtypeStruct((nchunk, N_PAD, 128), _f32)]
    if with_deg:
        out_type.append(jax.ShapeDtypeStruct((NC, N_PAD, 128), _f32))
    return pl.kernel(
        functools.partial(_sc_agg_body, nchunk, with_deg),
        out_type=out_type if with_deg else out_type[0],
        mesh=mesh,
        scratch_types=[
            pltpu.VMEM((CPT, CH), jnp.int32),
            pltpu.VMEM((SEGC, CH), jnp.int32),
            pltpu.VMEM((CH, 128), _f32),
            pltpu.VMEM((CH, 128), _f32),
            pltpu.VMEM_SHARED((N_PAD, 128), _f32),
            pltpu.SemaphoreType.DMA,
            pltpu.SemaphoreType.DMA,
        ],
    )


BN = 1000


def _split_cols(src, dst_ref, width):
    for cc in range(width // 128):
        dst_ref[cc] = src[:, cc * 128:(cc + 1) * 128]


def _tc_split_x(x):
    def body(x_ref, xs_ref):
        _split_cols(x_ref[...], xs_ref, 256)
    return pl.pallas_call(
        body,
        grid=(N_NODES // BN,),
        in_specs=[pl.BlockSpec((BN, 256), lambda i: (i, 0))],
        out_specs=pl.BlockSpec((2, BN, 128), lambda i: (0, i, 0)),
        out_shape=jax.ShapeDtypeStruct((2, N_NODES, 128), _f32),
    )(x)


def _mean(ag_refs, dg_ref):
    a = jnp.concatenate([r[...] for r in ag_refs], axis=1)
    deg = dg_ref[0][:, 0:1] + dg_ref[1][:, 0:1]
    r = 1.0 / jnp.maximum(deg, 1.0)
    return a * r


def _lrelu(h):
    return jnp.where(h > 0, h, SLOPE * h)


_bf = jnp.bfloat16


def _tc_layer1_post(aggr1, deg, x, W1r, b1, W1l, W2l):
    def body(ag_ref, dg_ref, x_ref, w1r_ref, b1_ref, w1l_ref, w2l_ref,
             y2s_ref, h1_ref):
        z1 = (jnp.dot(x_ref[...].astype(_bf), w1r_ref[...],
                      preferred_element_type=_f32) + b1_ref[...])
        a = _mean([ag_ref.at[0], ag_ref.at[1]], dg_ref).astype(_bf)
        h = _lrelu(jnp.dot(a, w1l_ref[...], preferred_element_type=_f32)
                   + z1)
        h1_ref[...] = h
        y2 = jnp.dot(h.astype(_bf), w2l_ref[...], preferred_element_type=_f32)
        _split_cols(y2, y2s_ref, 512)
    return pl.pallas_call(
        body,
        grid=(N_NODES // BN,),
        in_specs=[pl.BlockSpec((2, BN, 128), lambda i: (0, i, 0)),
                  pl.BlockSpec((2, BN, 128), lambda i: (0, i, 0)),
                  pl.BlockSpec((BN, 256), lambda i: (i, 0)),
                  pl.BlockSpec((256, 1024), lambda i: (0, 0)),
                  pl.BlockSpec((1, 1024), lambda i: (0, 0)),
                  pl.BlockSpec((256, 1024), lambda i: (0, 0)),
                  pl.BlockSpec((1024, 512), lambda i: (0, 0))],
        out_specs=[pl.BlockSpec((4, BN, 128), lambda i: (0, i, 0)),
                   pl.BlockSpec((BN, 1024), lambda i: (i, 0))],
        out_shape=[jax.ShapeDtypeStruct((4, N_NODES, 128), _f32),
                   jax.ShapeDtypeStruct((N_NODES, 1024), _f32)],
    )(aggr1, deg, x, W1r, b1.reshape(1, 1024), W1l, W2l)


def _tc_layer2_post(aggr2, deg, h1, W2r, b2, W3l):
    def body(ag_ref, dg_ref, h1_ref, w2r_ref, b2_ref, w3l_ref,
             y3s_ref, h2_ref):
        z2 = (jnp.dot(h1_ref[...].astype(_bf), w2r_ref[...],
                      preferred_element_type=_f32) + b2_ref[...])
        a = _mean([ag_ref.at[k] for k in range(4)], dg_ref)
        h = _lrelu(a + z2)
        h2_ref[...] = h
        y3 = jnp.dot(h.astype(_bf), w3l_ref[...], preferred_element_type=_f32)
        _split_cols(y3, y3s_ref, 256)
    return pl.pallas_call(
        body,
        grid=(N_NODES // BN,),
        in_specs=[pl.BlockSpec((4, BN, 128), lambda i: (0, i, 0)),
                  pl.BlockSpec((2, BN, 128), lambda i: (0, i, 0)),
                  pl.BlockSpec((BN, 1024), lambda i: (i, 0)),
                  pl.BlockSpec((1024, 512), lambda i: (0, 0)),
                  pl.BlockSpec((1, 512), lambda i: (0, 0)),
                  pl.BlockSpec((512, 256), lambda i: (0, 0))],
        out_specs=[pl.BlockSpec((2, BN, 128), lambda i: (0, i, 0)),
                   pl.BlockSpec((BN, 512), lambda i: (i, 0))],
        out_shape=[jax.ShapeDtypeStruct((2, N_NODES, 128), _f32),
                   jax.ShapeDtypeStruct((N_NODES, 512), _f32)],
    )(aggr2, deg, h1, W2r, b2.reshape(1, 512), W3l)


def _tc_layer3_post(aggr3, deg, h2, W3r, b3):
    def body(ag_ref, dg_ref, h2_ref, w3r_ref, b3_ref, o_ref):
        z3 = (jnp.dot(h2_ref[...].astype(_bf), w3r_ref[...],
                      preferred_element_type=_f32) + b3_ref[...])
        o_ref[...] = _mean([ag_ref.at[0], ag_ref.at[1]], dg_ref) + z3
    return pl.pallas_call(
        body,
        grid=(N_NODES // BN,),
        in_specs=[pl.BlockSpec((2, BN, 128), lambda i: (0, i, 0)),
                  pl.BlockSpec((2, BN, 128), lambda i: (0, i, 0)),
                  pl.BlockSpec((BN, 512), lambda i: (i, 0)),
                  pl.BlockSpec((512, 256), lambda i: (0, 0)),
                  pl.BlockSpec((1, 256), lambda i: (0, 0))],
        out_specs=pl.BlockSpec((BN, 256), lambda i: (i, 0)),
        out_shape=jax.ShapeDtypeStruct((N_NODES, 256), _f32),
    )(aggr3, deg, h2, W3r, b3.reshape(1, 256))


@jax.jit
def kernel(x, edge_index, W1l, W1r, b1, W2l, W2r, b2, W3l, W3r, b3):
    src = edge_index[0].astype(jnp.int32)
    dst = edge_index[1].astype(jnp.int32)
    pad = E_PAD - N_EDGES
    src_p = jnp.concatenate([src, jnp.zeros((pad,), jnp.int32)])
    dst_p = jnp.concatenate(
        [dst, N_NODES + (jnp.arange(pad, dtype=jnp.int32) % 8)])
    dst_r = dst_p.reshape(IDX_ROWS, CH)

    def src_tables(nchunk):
        offs = (jnp.arange(nchunk, dtype=jnp.int32) * N_NODES)[:, None]
        return (src_p[None, :] + offs).reshape(nchunk, IDX_ROWS, CH)

    src2 = src_tables(2)
    src4 = src_tables(4)
    zrow = jnp.zeros((CH, 128), _f32)
    ones_b = jnp.ones((CH, 128), _f32)

    sc_agg2d = _make_sc_agg(2, with_deg=True)
    sc_agg2 = _make_sc_agg(2)
    sc_agg4 = _make_sc_agg(4)
    bf = jnp.bfloat16
    W1l, W1r, W2l, W2r, W3l, W3r = (
        W1l.astype(bf), W1r.astype(bf), W2l.astype(bf),
        W2r.astype(bf), W3l.astype(bf), W3r.astype(bf))

    xs = _tc_split_x(x)
    aggr1, deg = sc_agg2d(
        xs.reshape(2 * N_NODES, 128), src2, dst_r, zrow, ones_b)
    y2s, h1 = _tc_layer1_post(aggr1, deg, x, W1r, b1, W1l, W2l)

    aggr2 = sc_agg4(y2s.reshape(4 * N_NODES, 128), src4, dst_r, zrow)
    y3s, h2 = _tc_layer2_post(aggr2, deg, h1, W2r, b2, W3l)

    aggr3 = sc_agg2(y3s.reshape(2 * N_NODES, 128), src2, dst_r, zrow)
    return _tc_layer3_post(aggr3, deg, h2, W3r, b3)

# --- scband reference (transcript-rebuilt; emitter-appended) ---
"""Pipeline reference for scband-gnnsageconv-6347961663818 (READ-ONLY COPY).

The authoritative reference and input builder live on the scoring server;
editing this copy changes nothing except your own understanding.
"""

import jax, jax.numpy as jnp
import numpy as np

N_NODES = 10000
N_EDGES = 160000
IN_CH = 256
OUT_CH = 256
SLOPE = 0.2


def setup_inputs(seed: int = 0) -> dict:
    key = jax.random.key(seed)
    ks = jax.random.split(key, 12)
    x = jax.random.normal(ks[0], (N_NODES, IN_CH), dtype=jnp.float32)
    edge_index = jax.random.randint(ks[1], (2, N_EDGES), 0, N_NODES, dtype=jnp.int64)
    # SAGEConv params: lin_l applies to aggregated neighbors (with bias), lin_r to root.
    d1_in, d1_out = IN_CH, OUT_CH * 4
    d2_in, d2_out = OUT_CH * 4, OUT_CH * 2
    d3_in, d3_out = OUT_CH * 2, OUT_CH
    def lin_init(k, din, dout):
        return jax.random.normal(k, (din, dout), dtype=jnp.float32) * (1.0 / np.sqrt(din))
    W1l = lin_init(ks[2], d1_in, d1_out)
    W1r = lin_init(ks[3], d1_in, d1_out)
    b1 = jnp.zeros((d1_out,), dtype=jnp.float32)
    W2l = lin_init(ks[4], d2_in, d2_out)
    W2r = lin_init(ks[5], d2_in, d2_out)
    b2 = jnp.zeros((d2_out,), dtype=jnp.float32)
    W3l = lin_init(ks[6], d3_in, d3_out)
    W3r = lin_init(ks[7], d3_in, d3_out)
    b3 = jnp.zeros((d3_out,), dtype=jnp.float32)
    return {"x": x, "edge_index": edge_index,
            "W1l": W1l, "W1r": W1r, "b1": b1,
            "W2l": W2l, "W2r": W2r, "b2": b2,
            "W3l": W3l, "W3r": W3r, "b3": b3}


def _sage_conv(x, edge_index, Wl, Wr, b):
    # PyG SAGEConv with mean aggregation:
    #   out = lin_l(mean_{j in N(i)} x_j) + lin_r(x_i)
    src = edge_index[0]
    dst = edge_index[1]
    n = x.shape[0]
    msgs = jnp.take(x, src, axis=0)
    aggr = jax.ops.segment_sum(msgs, dst, num_segments=n)
    deg = jax.ops.segment_sum(jnp.ones((edge_index.shape[1],), dtype=x.dtype), dst, num_segments=n)
    aggr = aggr / jnp.clip(deg, 1.0)[:, None]
    return aggr @ Wl + b + x @ Wr


def reference(x, edge_index, W1l, W1r, b1, W2l, W2r, b2, W3l, W3r, b3):
    h = _sage_conv(x, edge_index, W1l, W1r, b1)
    h = jax.nn.leaky_relu(h, negative_slope=SLOPE)
    h = _sage_conv(h, edge_index, W2l, W2r, b2)
    h = jax.nn.leaky_relu(h, negative_slope=SLOPE)
    h = _sage_conv(h, edge_index, W3l, W3r, b3)
    return h

if __name__ == "__main__":
    import jax
    _d = setup_inputs()
    print(jax.jit(kernel)(*tuple(_d.values())))

</pallas_src>

<mosaic_0001>
#map = affine_map<(d0, d1) -> (0, 0)>
#map1 = affine_map<(d0, d1) -> (0, 0, 0)>
module attributes {stable_mosaic.version = 14 : i64} {
  func.func @_sc_agg_body(%arg0: i32, %arg1: i32, %arg2: memref<20000x128xf32, #tpu.memory_space<hbm>>, %arg3: memref<2x1280x128xi32, #tpu.memory_space<hbm>>, %arg4: memref<1280x128xi32, #tpu.memory_space<hbm>>, %arg5: memref<128x128xf32, #tpu.memory_space<hbm>>, %arg6: memref<128x128xf32, #tpu.memory_space<hbm>>, %arg7: memref<2x10112x128xf32, #tpu.memory_space<hbm>>, %arg8: memref<2x10112x128xf32, #tpu.memory_space<hbm>>, %arg9: memref<80x128xi32, #tpu.memory_space<vmem>>, %arg10: memref<16x128xi32, #tpu.memory_space<vmem>>, %arg11: memref<128x128xf32, #tpu.memory_space<vmem>>, %arg12: memref<128x128xf32, #tpu.memory_space<vmem>>, %arg13: memref<10112x128xf32, #tpu.memory_space<vmem_shared>>, %arg14: memref<!tpu.dma_semaphore, #tpu.memory_space<semaphore_mem>>, %arg15: memref<!tpu.dma_semaphore, #tpu.memory_space<semaphore_mem>>) attributes {dimension_semantics = [#tpu.dimension_semantics<core_parallel>, #tpu.dimension_semantics<subcore_parallel>], iteration_bounds = array<i64: 2, 16>, scalar_prefetch = 0 : i64, scratch_operands = 7 : i64, tpu.core_type = #tpu.core_type<sc_vector_subcore>, window_params = [{transform_indices = #map}, {transform_indices = #map1}, {transform_indices = #map}, {transform_indices = #map}, {transform_indices = #map}, {transform_indices = #map1}, {transform_indices = #map1}]} {
    %mul3A = arith.constant 632 : i32
    %mul3A_0 = arith.muli %arg1, %mul3A : i32
    "tpu.region"() ({
      %run_scoped3A = tpu.sem_alloc : memref<!tpu.dma_semaphore, #tpu.memory_space<semaphore_mem>>
      tpu.enqueue_dma source(%arg5 : memref<128x128xf32, #tpu.memory_space<hbm>>) target(%arg11 : memref<128x128xf32, #tpu.memory_space<vmem>>) target_semaphore(%run_scoped3A : memref<!tpu.dma_semaphore, #tpu.memory_space<semaphore_mem>>)
      tpu.wait_dma2 semaphore(%run_scoped3A : memref<!tpu.dma_semaphore, #tpu.memory_space<semaphore_mem>>) src(%arg5 : memref<128x128xf32, #tpu.memory_space<hbm>>) dst(%arg11 : memref<128x128xf32, #tpu.memory_space<vmem>>)
      tpu.yield
    }) : () -> ()
    %add3A = arith.constant 0 : i32
    %add3A_1 = arith.addi %mul3A_0, %add3A : i32
    "tpu.region"() ({
      %run_scoped3A = tpu.sem_alloc : memref<!tpu.dma_semaphore, #tpu.memory_space<semaphore_mem>>
      %dma_start3A_73 = arith.constant 0 : i32
      %dma_start3A_74 = tpu.memref_slice %arg13[%add3A_1, %dma_start3A_73] : memref<10112x128xf32, #tpu.memory_space<vmem_shared>> -> memref<128x128xf32, #tpu.memory_space<vmem_shared>>
      %dma_start3A_75 = arith.constant 0 : i32
      %dma_start3A_76 = tpu.memref_slice %arg13[%add3A_1, %dma_start3A_75] : memref<10112x128xf32, #tpu.memory_space<vmem_shared>> -> memref<128x128xf32, #tpu.memory_space<vmem_shared>>
      tpu.enqueue_dma source(%arg11 : memref<128x128xf32, #tpu.memory_space<vmem>>) target(%dma_start3A_76 : memref<128x128xf32, #tpu.memory_space<vmem_shared>>) target_semaphore(%run_scoped3A : memref<!tpu.dma_semaphore, #tpu.memory_space<semaphore_mem>>)
      %dma_wait3A = arith.constant 0 : i32
      %dma_wait3A_77 = tpu.memref_slice %arg13[%add3A_1, %dma_wait3A] : memref<10112x128xf32, #tpu.memory_space<vmem_shared>> -> memref<128x128xf32, #tpu.memory_space<vmem_shared>>
      %dma_wait3A_78 = arith.constant 0 : i32
      %dma_wait3A_79 = tpu.memref_slice %arg13[%add3A_1, %dma_wait3A_78] : memref<10112x128xf32, #tpu.memory_space<vmem_shared>> -> memref<128x128xf32, #tpu.memory_space<vmem_shared>>
      tpu.wait_dma2 semaphore(%run_scoped3A : memref<!tpu.dma_semaphore, #tpu.memory_space<semaphore_mem>>) src(%arg11 : memref<128x128xf32, #tpu.memory_space<vmem>>) dst(%dma_wait3A_79 : memref<128x128xf32, #tpu.memory_space<vmem_shared>>)
      tpu.yield
    }) : () -> ()
    %add3A_2 = arith.constant 128 : i32
    %add3A_3 = arith.addi %mul3A_0, %add3A_2 : i32
    "tpu.region"() ({
      %run_scoped3A = tpu.sem_alloc : memref<!tpu.dma_semaphore, #tpu.memory_space<semaphore_mem>>
      %dma_start3A_73 = arith.constant 0 : i32
      %dma_start3A_74 = tpu.memref_slice %arg13[%add3A_3, %dma_start3A_73] : memref<10112x128xf32, #tpu.memory_space<vmem_shared>> -> memref<128x128xf32, #tpu.memory_space<vmem_shared>>
      %dma_start3A_75 = arith.constant 0 : i32
      %dma_start3A_76 = tpu.memref_slice %arg13[%add3A_3, %dma_start3A_75] : memref<10112x128xf32, #tpu.memory_space<vmem_shared>> -> memref<128x128xf32, #tpu.memory_space<vmem_shared>>
      tpu.enqueue_dma source(%arg11 : memref<128x128xf32, #tpu.memory_space<vmem>>) target(%dma_start3A_76 : memref<128x128xf32, #tpu.memory_space<vmem_shared>>) target_semaphore(%run_scoped3A : memref<!tpu.dma_semaphore, #tpu.memory_space<semaphore_mem>>)
      %dma_wait3A = arith.constant 0 : i32
      %dma_wait3A_77 = tpu.memref_slice %arg13[%add3A_3, %dma_wait3A] : memref<10112x128xf32, #tpu.memory_space<vmem_shared>> -> memref<128x128xf32, #tpu.memory_space<vmem_shared>>
      %dma_wait3A_78 = arith.constant 0 : i32
      %dma_wait3A_79 = tpu.memref_slice %arg13[%add3A_3, %dma_wait3A_78] : memref<10112x128xf32, #tpu.memory_space<vmem_shared>> -> memref<128x128xf32, #tpu.memory_space<vmem_shared>>
      tpu.wait_dma2 semaphore(%run_scoped3A : memref<!tpu.dma_semaphore, #tpu.memory_space<semaphore_mem>>) src(%arg11 : memref<128x128xf32, #tpu.memory_space<vmem>>) dst(%dma_wait3A_79 : memref<128x128xf32, #tpu.memory_space<vmem_shared>>)
      tpu.yield
    }) : () -> ()
    %add3A_4 = arith.constant 256 : i32
    %add3A_5 = arith.addi %mul3A_0, %add3A_4 : i32
    "tpu.region"() ({
      %run_scoped3A = tpu.sem_alloc : memref<!tpu.dma_semaphore, #tpu.memory_space<semaphore_mem>>
      %dma_start3A_73 = arith.constant 0 : i32
      %dma_start3A_74 = tpu.memref_slice %arg13[%add3A_5, %dma_start3A_73] : memref<10112x128xf32, #tpu.memory_space<vmem_shared>> -> memref<128x128xf32, #tpu.memory_space<vmem_shared>>
      %dma_start3A_75 = arith.constant 0 : i32
      %dma_start3A_76 = tpu.memref_slice %arg13[%add3A_5, %dma_start3A_75] : memref<10112x128xf32, #tpu.memory_space<vmem_shared>> -> memref<128x128xf32, #tpu.memory_space<vmem_shared>>
      tpu.enqueue_dma source(%arg11 : memref<128x128xf32, #tpu.memory_space<vmem>>) target(%dma_start3A_76 : memref<128x128xf32, #tpu.memory_space<vmem_shared>>) target_semaphore(%run_scoped3A : memref<!tpu.dma_semaphore, #tpu.memory_space<semaphore_mem>>)
      %dma_wait3A = arith.constant 0 : i32
      %dma_wait3A_77 = tpu.memref_slice %arg13[%add3A_5, %dma_wait3A] : memref<10112x128xf32, #tpu.memory_space<vmem_shared>> -> memref<128x128xf32, #tpu.memory_space<vmem_shared>>
      %dma_wait3A_78 = arith.constant 0 : i32
      %dma_wait3A_79 = tpu.memref_slice %arg13[%add3A_5, %dma_wait3A_78] : memref<10112x128xf32, #tpu.memory_space<vmem_shared>> -> memref<128x128xf32, #tpu.memory_space<vmem_shared>>
      tpu.wait_dma2 semaphore(%run_scoped3A : memref<!tpu.dma_semaphore, #tpu.memory_space<semaphore_mem>>) src(%arg11 : memref<128x128xf32, #tpu.memory_space<vmem>>) dst(%dma_wait3A_79 : memref<128x128xf32, #tpu.memory_space<vmem_shared>>)
      tpu.yield
    }) : () -> ()
    %add3A_6 = arith.constant 384 : i32
    %add3A_7 = arith.addi %mul3A_0, %add3A_6 : i32
    "tpu.region"() ({
      %run_scoped3A = tpu.sem_alloc : memref<!tpu.dma_semaphore, #tpu.memory_space<semaphore_mem>>
      %dma_start3A_73 = arith.constant 0 : i32
      %dma_start3A_74 = tpu.memref_slice %arg13[%add3A_7, %dma_start3A_73] : memref<10112x128xf32, #tpu.memory_space<vmem_shared>> -> memref<128x128xf32, #tpu.memory_space<vmem_shared>>
      %dma_start3A_75 = arith.constant 0 : i32
      %dma_start3A_76 = tpu.memref_slice %arg13[%add3A_7, %dma_start3A_75] : memref<10112x128xf32, #tpu.memory_space<vmem_shared>> -> memref<128x128xf32, #tpu.memory_space<vmem_shared>>
      tpu.enqueue_dma source(%arg11 : memref<128x128xf32, #tpu.memory_space<vmem>>) target(%dma_start3A_76 : memref<128x128xf32, #tpu.memory_space<vmem_shared>>) target_semaphore(%run_scoped3A : memref<!tpu.dma_semaphore, #tpu.memory_space<semaphore_mem>>)
      %dma_wait3A = arith.constant 0 : i32
      %dma_wait3A_77 = tpu.memref_slice %arg13[%add3A_7, %dma_wait3A] : memref<10112x128xf32, #tpu.memory_space<vmem_shared>> -> memref<128x128xf32, #tpu.memory_space<vmem_shared>>
      %dma_wait3A_78 = arith.constant 0 : i32
      %dma_wait3A_79 = tpu.memref_slice %arg13[%add3A_7, %dma_wait3A_78] : memref<10112x128xf32, #tpu.memory_space<vmem_shared>> -> memref<128x128xf32, #tpu.memory_space<vmem_shared>>
      tpu.wait_dma2 semaphore(%run_scoped3A : memref<!tpu.dma_semaphore, #tpu.memory_space<semaphore_mem>>) src(%arg11 : memref<128x128xf32, #tpu.memory_space<vmem>>) dst(%dma_wait3A_79 : memref<128x128xf32, #tpu.memory_space<vmem_shared>>)
      tpu.yield
    }) : () -> ()
    %add3A_8 = arith.constant 512 : i32
    %add3A_9 = arith.addi %mul3A_0, %add3A_8 : i32
    "tpu.region"() ({
      %run_scoped3A = tpu.sem_alloc : memref<!tpu.dma_semaphore, #tpu.memory_space<semaphore_mem>>
      %dma_start3A_73 = arith.constant 0 : i32
      %dma_start3A_74 = arith.constant 0 : i32
      %dma_start3A_75 = tpu.memref_slice %arg11[%dma_start3A_73, %dma_start3A_74] : memref<128x128xf32, #tpu.memory_space<vmem>> -> memref<120x128xf32, #tpu.memory_space<vmem>>
      %dma_start3A_76 = arith.constant 0 : i32
      %dma_start3A_77 = tpu.memref_slice %arg13[%add3A_9, %dma_start3A_76] : memref<10112x128xf32, #tpu.memory_space<vmem_shared>> -> memref<120x128xf32, #tpu.memory_space<vmem_shared>>
      %dma_start3A_78 = arith.constant 0 : i32
      %dma_start3A_79 = tpu.memref_slice %arg13[%add3A_9, %dma_start3A_78] : memref<10112x128xf32, #tpu.memory_space<vmem_shared>> -> memref<120x128xf32, #tpu.memory_space<vmem_shared>>
      %dma_start3A_80 = arith.constant 0 : i32
      %dma_start3A_81 = arith.constant 0 : i32
      %dma_start3A_82 = tpu.memref_slice %arg11[%dma_start3A_80, %dma_start3A_81] : memref<128x128xf32, #tpu.memory_space<vmem>> -> memref<120x128xf32, #tpu.memory_space<vmem>>
      tpu.enqueue_dma source(%dma_start3A_82 : memref<120x128xf32, #tpu.memory_space<vmem>>) target(%dma_start3A_79 : memref<120x128xf32, #tpu.memory_space<vmem_shared>>) target_semaphore(%run_scoped3A : memref<!tpu.dma_semaphore, #tpu.memory_space<semaphore_mem>>)
      %dma_wait3A = arith.constant 0 : i32
      %dma_wait3A_83 = arith.constant 0 : i32
      %dma_wait3A_84 = tpu.memref_slice %arg11[%dma_wait3A, %dma_wait3A_83] : memref<128x128xf32, #tpu.memory_space<vmem>> -> memref<120x128xf32, #tpu.memory_space<vmem>>
      %dma_wait3A_85 = arith.constant 0 : i32
      %dma_wait3A_86 = tpu.memref_slice %arg13[%add3A_9, %dma_wait3A_85] : memref<10112x128xf32, #tpu.memory_space<vmem_shared>> -> memref<120x128xf32, #tpu.memory_space<vmem_shared>>
      %dma_wait3A_87 = arith.constant 0 : i32
      %dma_wait3A_88 = tpu.memref_slice %arg13[%add3A_9, %dma_wait3A_87] : memref<10112x128xf32, #tpu.memory_space<vmem_shared>> -> memref<120x128xf32, #tpu.memory_space<vmem_shared>>
      %dma_wait3A_89 = arith.constant 0 : i32
      %dma_wait3A_90 = arith.constant 0 : i32
      %dma_wait3A_91 = tpu.memref_slice %arg11[%dma_wait3A_89, %dma_wait3A_90] : memref<128x128xf32, #tpu.memory_space<vmem>> -> memref<120x128xf32, #tpu.memory_space<vmem>>
      tpu.wait_dma2 semaphore(%run_scoped3A : memref<!tpu.dma_semaphore, #tpu.memory_space<semaphore_mem>>) src(%dma_wait3A_91 : memref<120x128xf32, #tpu.memory_space<vmem>>) dst(%dma_wait3A_88 : memref<120x128xf32, #tpu.memory_space<vmem_shared>>)
      tpu.yield
    }) : () -> ()
    %barrier3A = arith.constant 0 : index
    tpu.barrier barrier_id(%barrier3A)
    "tpu.region"() ({
      %run_scoped3A = tpu.sem_alloc : memref<!tpu.dma_semaphore, #tpu.memory_space<semaphore_mem>>
      tpu.enqueue_dma source(%arg6 : memref<128x128xf32, #tpu.memory_space<hbm>>) target(%arg11 : memref<128x128xf32, #tpu.memory_space<vmem>>) target_semaphore(%run_scoped3A : memref<!tpu.dma_semaphore, #tpu.memory_space<semaphore_mem>>)
      tpu.wait_dma2 semaphore(%run_scoped3A : memref<!tpu.dma_semaphore, #tpu.memory_space<semaphore_mem>>) src(%arg6 : memref<128x128xf32, #tpu.memory_space<hbm>>) dst(%arg11 : memref<128x128xf32, #tpu.memory_space<vmem>>)
      tpu.yield
    }) : () -> ()
    %mul3A_10 = arith.constant 640 : i32
    %mul3A_11 = arith.muli %arg0, %mul3A_10 : i32
    %mul3A_12 = arith.constant 40 : i32
    %mul3A_13 = arith.muli %arg1, %mul3A_12 : i32
    %add3A_14 = arith.addi %mul3A_11, %mul3A_13 : i32
    %add3A_15 = arith.constant 0 : i32
    %add3A_16 = arith.addi %add3A_14, %add3A_15 : i32
    "tpu.region"() ({
      %run_scoped3A = tpu.sem_alloc : memref<!tpu.dma_semaphore, #tpu.memory_space<semaphore_mem>>
      %dma_start3A_73 = arith.constant 0 : i32
      %dma_start3A_74 = arith.constant 0 : i32
      %dma_start3A_75 = tpu.memref_slice %arg10[%dma_start3A_73, %dma_start3A_74] : memref<16x128xi32, #tpu.memory_space<vmem>> -> memref<16x128xi32, #tpu.memory_space<vmem>>
      %dma_start3A_76 = arith.constant 0 : i32
      %dma_start3A_77 = tpu.memref_slice %arg4[%add3A_16, %dma_start3A_76] : memref<1280x128xi32, #tpu.memory_space<hbm>> -> memref<16x128xi32, #tpu.memory_space<hbm>>
      %dma_start3A_78 = arith.constant 0 : i32
      %dma_start3A_79 = arith.constant 0 : i32
      %dma_start3A_80 = tpu.memref_slice %arg10[%dma_start3A_78, %dma_start3A_79] : memref<16x128xi32, #tpu.memory_space<vmem>> -> memref<16x128xi32, #tpu.memory_space<vmem>>
      %dma_start3A_81 = arith.constant 0 : i32
      %dma_start3A_82 = tpu.memref_slice %arg4[%add3A_16, %dma_start3A_81] : memref<1280x128xi32, #tpu.memory_space<hbm>> -> memref<16x128xi32, #tpu.memory_space<hbm>>
      tpu.enqueue_dma source(%dma_start3A_82 : memref<16x128xi32, #tpu.memory_space<hbm>>) target(%dma_start3A_80 : memref<16x128xi32, #tpu.memory_space<vmem>>) target_semaphore(%run_scoped3A : memref<!tpu.dma_semaphore, #tpu.memory_space<semaphore_mem>>)
      %dma_wait3A = arith.constant 0 : i32
      %dma_wait3A_83 = arith.constant 0 : i32
      %dma_wait3A_84 = tpu.memref_slice %arg10[%dma_wait3A, %dma_wait3A_83] : memref<16x128xi32, #tpu.memory_space<vmem>> -> memref<16x128xi32, #tpu.memory_space<vmem>>
      %dma_wait3A_85 = arith.constant 0 : i32
      %dma_wait3A_86 = tpu.memref_slice %arg4[%add3A_16, %dma_wait3A_85] : memref<1280x128xi32, #tpu.memory_space<hbm>> -> memref<16x128xi32, #tpu.memory_space<hbm>>
      %dma_wait3A_87 = arith.constant 0 : i32
      %dma_wait3A_88 = arith.constant 0 : i32
      %dma_wait3A_89 = tpu.memref_slice %arg10[%dma_wait3A_87, %dma_wait3A_88] : memref<16x128xi32, #tpu.memory_space<vmem>> -> memref<16x128xi32, #tpu.memory_space<vmem>>
      %dma_wait3A_90 = arith.constant 0 : i32
      %dma_wait3A_91 = tpu.memref_slice %arg4[%add3A_16, %dma_wait3A_90] : memref<1280x128xi32, #tpu.memory_space<hbm>> -> memref<16x128xi32, #tpu.memory_space<hbm>>
      tpu.wait_dma2 semaphore(%run_scoped3A : memref<!tpu.dma_semaphore, #tpu.memory_space<semaphore_mem>>) src(%dma_wait3A_91 : memref<16x128xi32, #tpu.memory_space<hbm>>) dst(%dma_wait3A_89 : memref<16x128xi32, #tpu.memory_space<vmem>>)
      tpu.yield
    }) : () -> ()
    %scan3A = arith.constant 0 : i32
    %scan3A_17 = arith.constant 16 : i32
    %scan3A_18 = arith.addi %scan3A, %scan3A_17 : i32
    %scan3A_19 = arith.constant 1 : i32
    scf.for %scan3A_73 = %scan3A to %scan3A_18 step %scan3A_19  : i32 {
      %mul3A_74 = arith.constant 1 : i32
      %mul3A_75 = arith.muli %scan3A_73, %mul3A_74 : i32
      %add3A_76 = arith.constant 0 : i32
      %add3A_77 = arith.addi %add3A_76, %mul3A_75 : i32
      "tpu.region"() ({
        %run_scoped3A = tpu.sem_alloc : memref<!tpu.dma_semaphore, #tpu.memory_space<semaphore_mem>>
        %dma_start3A_78 = arith.constant 0 : i32
        %dma_start3A_79 = tpu.memref_slice %arg10[%add3A_77, %dma_start3A_78] : memref<16x128xi32, #tpu.memory_space<vmem>> -> memref<1x128xi32, #tpu.memory_space<vmem>>
        %dma_start3A_80 = tpu.memref_squeeze %dma_start3A_79 : memref<1x128xi32, #tpu.memory_space<vmem>> -> memref<128xi32, #tpu.memory_space<vmem>>
        %dma_start3A_81 = arith.constant 0 : i32
        %dma_start3A_82 = arith.constant 0 : i32
        %dma_start3A_83 = tpu.memref_slice %arg13[%dma_start3A_81, %dma_start3A_82] : memref<10112x128xf32, #tpu.memory_space<vmem_shared>> -> memref<10112x128xf32, #tpu.memory_space<vmem_shared>>
        tpu.enqueue_indirect_dma source(%arg11 : memref<128x128xf32, #tpu.memory_space<vmem>>) target(%dma_start3A_83 : memref<10112x128xf32, #tpu.memory_space<vmem_shared>>) offsets(%dma_start3A_80 : memref<128xi32, #tpu.memory_space<vmem>>) semaphore(%run_scoped3A : memref<!tpu.dma_semaphore, #tpu.memory_space<semaphore_mem>>) {add = true}
        %dma_wait3A = arith.constant 0 : i32
        %dma_wait3A_84 = tpu.memref_slice %arg10[%add3A_77, %dma_wait3A] : memref<16x128xi32, #tpu.memory_space<vmem>> -> memref<1x128xi32, #tpu.memory_space<vmem>>
        %dma_wait3A_85 = tpu.memref_squeeze %dma_wait3A_84 : memref<1x128xi32, #tpu.memory_space<vmem>> -> memref<128xi32, #tpu.memory_space<vmem>>
        %dma_wait3A_86 = arith.constant 0 : i32
        %dma_wait3A_87 = arith.constant 0 : i32
        %dma_wait3A_88 = tpu.memref_slice %arg13[%dma_wait3A_86, %dma_wait3A_87] : memref<10112x128xf32, #tpu.memory_space<vmem_shared>> -> memref<10112x128xf32, #tpu.memory_space<vmem_shared>>
        tpu.wait_indirect_dma semaphore(%run_scoped3A : memref<!tpu.dma_semaphore, #tpu.memory_space<semaphore_mem>>) src(%arg11 : memref<128x128xf32, #tpu.memory_space<vmem>>) dst(%dma_wait3A_88 : memref<10112x128xf32, #tpu.memory_space<vmem_shared>>)
        tpu.yield
      }) : () -> ()
    }
    %scan3A_20 = arith.constant 16 : i32
    %add3A_21 = arith.constant 16 : i32
    %add3A_22 = arith.addi %add3A_14, %add3A_21 : i32
    "tpu.region"() ({
      %run_scoped3A = tpu.sem_alloc : memref<!tpu.dma_semaphore, #tpu.memory_space<semaphore_mem>>
      %dma_start3A_73 = arith.constant 0 : i32
      %dma_start3A_74 = arith.constant 0 : i32
      %dma_start3A_75 = tpu.memref_slice %arg10[%dma_start3A_73, %dma_start3A_74] : memref<16x128xi32, #tpu.memory_space<vmem>> -> memref<16x128xi32, #tpu.memory_space<vmem>>
      %dma_start3A_76 = arith.constant 0 : i32
      %dma_start3A_77 = tpu.memref_slice %arg4[%add3A_22, %dma_start3A_76] : memref<1280x128xi32, #tpu.memory_space<hbm>> -> memref<16x128xi32, #tpu.memory_space<hbm>>
      %dma_start3A_78 = arith.constant 0 : i32
      %dma_start3A_79 = arith.constant 0 : i32
      %dma_start3A_80 = tpu.memref_slice %arg10[%dma_start3A_78, %dma_start3A_79] : memref<16x128xi32, #tpu.memory_space<vmem>> -> memref<16x128xi32, #tpu.memory_space<vmem>>
      %dma_start3A_81 = arith.constant 0 : i32
      %dma_start3A_82 = tpu.memref_slice %arg4[%add3A_22, %dma_start3A_81] : memref<1280x128xi32, #tpu.memory_space<hbm>> -> memref<16x128xi32, #tpu.memory_space<hbm>>
      tpu.enqueue_dma source(%dma_start3A_82 : memref<16x128xi32, #tpu.memory_space<hbm>>) target(%dma_start3A_80 : memref<16x128xi32, #tpu.memory_space<vmem>>) target_semaphore(%run_scoped3A : memref<!tpu.dma_semaphore, #tpu.memory_space<semaphore_mem>>)
      %dma_wait3A = arith.constant 0 : i32
      %dma_wait3A_83 = arith.constant 0 : i32
      %dma_wait3A_84 = tpu.memref_slice %arg10[%dma_wait3A, %dma_wait3A_83] : memref<16x128xi32, #tpu.memory_space<vmem>> -> memref<16x128xi32, #tpu.memory_space<vmem>>
      %dma_wait3A_85 = arith.constant 0 : i32
      %dma_wait3A_86 = tpu.memref_slice %arg4[%add3A_22, %dma_wait3A_85] : memref<1280x128xi32, #tpu.memory_space<hbm>> -> memref<16x128xi32, #tpu.memory_space<hbm>>
      %dma_wait3A_87 = arith.constant 0 : i32
      %dma_wait3A_88 = arith.constant 0 : i32
      %dma_wait3A_89 = tpu.memref_slice %arg10[%dma_wait3A_87, %dma_wait3A_88] : memref<16x128xi32, #tpu.memory_space<vmem>> -> memref<16x128xi32, #tpu.memory_space<vmem>>
      %dma_wait3A_90 = arith.constant 0 : i32
      %dma_wait3A_91 = tpu.memref_slice %arg4[%add3A_22, %dma_wait3A_90] : memref<1280x128xi32, #tpu.memory_space<hbm>> -> memref<16x128xi32, #tpu.memory_space<hbm>>
      tpu.wait_dma2 semaphore(%run_scoped3A : memref<!tpu.dma_semaphore, #tpu.memory_space<semaphore_mem>>) src(%dma_wait3A_91 : memref<16x128xi32, #tpu.memory_space<hbm>>) dst(%dma_wait3A_89 : memref<16x128xi32, #tpu.memory_space<vmem>>)
      tpu.yield
    }) : () -> ()
    %scan3A_23 = arith.constant 0 : i32
    %scan3A_24 = arith.constant 16 : i32
    %scan3A_25 = arith.addi %scan3A_23, %scan3A_24 : i32
    %scan3A_26 = arith.constant 1 : i32
    scf.for %scan3A_73 = %scan3A_23 to %scan3A_25 step %scan3A_26  : i32 {
      %mul3A_74 = arith.constant 1 : i32
      %mul3A_75 = arith.muli %scan3A_73, %mul3A_74 : i32
      %add3A_76 = arith.constant 0 : i32
      %add3A_77 = arith.addi %add3A_76, %mul3A_75 : i32
      "tpu.region"() ({
        %run_scoped3A = tpu.sem_alloc : memref<!tpu.dma_semaphore, #tpu.memory_space<semaphore_mem>>
        %dma_start3A_78 = arith.constant 0 : i32
        %dma_start3A_79 = tpu.memref_slice %arg10[%add3A_77, %dma_start3A_78] : memref<16x128xi32, #tpu.memory_space<vmem>> -> memref<1x128xi32, #tpu.memory_space<vmem>>
        %dma_start3A_80 = tpu.memref_squeeze %dma_start3A_79 : memref<1x128xi32, #tpu.memory_space<vmem>> -> memref<128xi32, #tpu.memory_space<vmem>>
        %dma_start3A_81 = arith.constant 0 : i32
        %dma_start3A_82 = arith.constant 0 : i32
        %dma_start3A_83 = tpu.memref_slice %arg13[%dma_start3A_81, %dma_start3A_82] : memref<10112x128xf32, #tpu.memory_space<vmem_shared>> -> memref<10112x128xf32, #tpu.memory_space<vmem_shared>>
        tpu.enqueue_indirect_dma source(%arg11 : memref<128x128xf32, #tpu.memory_space<vmem>>) target(%dma_start3A_83 : memref<10112x128xf32, #tpu.memory_space<vmem_shared>>) offsets(%dma_start3A_80 : memref<128xi32, #tpu.memory_space<vmem>>) semaphore(%run_scoped3A : memref<!tpu.dma_semaphore, #tpu.memory_space<semaphore_mem>>) {add = true}
        %dma_wait3A = arith.constant 0 : i32
        %dma_wait3A_84 = tpu.memref_slice %arg10[%add3A_77, %dma_wait3A] : memref<16x128xi32, #tpu.memory_space<vmem>> -> memref<1x128xi32, #tpu.memory_space<vmem>>
        %dma_wait3A_85 = tpu.memref_squeeze %dma_wait3A_84 : memref<1x128xi32, #tpu.memory_space<vmem>> -> memref<128xi32, #tpu.memory_space<vmem>>
        %dma_wait3A_86 = arith.constant 0 : i32
        %dma_wait3A_87 = arith.constant 0 : i32
        %dma_wait3A_88 = tpu.memref_slice %arg13[%dma_wait3A_86, %dma_wait3A_87] : memref<10112x128xf32, #tpu.memory_space<vmem_shared>> -> memref<10112x128xf32, #tpu.memory_space<vmem_shared>>
        tpu.wait_indirect_dma semaphore(%run_scoped3A : memref<!tpu.dma_semaphore, #tpu.memory_space<semaphore_mem>>) src(%arg11 : memref<128x128xf32, #tpu.memory_space<vmem>>) dst(%dma_wait3A_88 : memref<10112x128xf32, #tpu.memory_space<vmem_shared>>)
        tpu.yield
      }) : () -> ()
    }
    %scan3A_27 = arith.constant 16 : i32
    %add3A_28 = arith.constant 32 : i32
    %add3A_29 = arith.addi %add3A_14, %add3A_28 : i32
    "tpu.region"() ({
      %run_scoped3A = tpu.sem_alloc : memref<!tpu.dma_semaphore, #tpu.memory_space<semaphore_mem>>
      %dma_start3A_73 = arith.constant 0 : i32
      %dma_start3A_74 = arith.constant 0 : i32
      %dma_start3A_75 = tpu.memref_slice %arg10[%dma_start3A_73, %dma_start3A_74] : memref<16x128xi32, #tpu.memory_space<vmem>> -> memref<8x128xi32, #tpu.memory_space<vmem>>
      %dma_start3A_76 = arith.constant 0 : i32
      %dma_start3A_77 = tpu.memref_slice %arg4[%add3A_29, %dma_start3A_76] : memref<1280x128xi32, #tpu.memory_space<hbm>> -> memref<8x128xi32, #tpu.memory_space<hbm>>
      %dma_start3A_78 = arith.constant 0 : i32
      %dma_start3A_79 = arith.constant 0 : i32
      %dma_start3A_80 = tpu.memref_slice %arg10[%dma_start3A_78, %dma_start3A_79] : memref<16x128xi32, #tpu.memory_space<vmem>> -> memref<8x128xi32, #tpu.memory_space<vmem>>
      %dma_start3A_81 = arith.constant 0 : i32
      %dma_start3A_82 = tpu.memref_slice %arg4[%add3A_29, %dma_start3A_81] : memref<1280x128xi32, #tpu.memory_space<hbm>> -> memref<8x128xi32, #tpu.memory_space<hbm>>
      tpu.enqueue_dma source(%dma_start3A_82 : memref<8x128xi32, #tpu.memory_space<hbm>>) target(%dma_start3A_80 : memref<8x128xi32, #tpu.memory_space<vmem>>) target_semaphore(%run_scoped3A : memref<!tpu.dma_semaphore, #tpu.memory_space<semaphore_mem>>)
      %dma_wait3A = arith.constant 0 : i32
      %dma_wait3A_83 = arith.constant 0 : i32
      %dma_wait3A_84 = tpu.memref_slice %arg10[%dma_wait3A, %dma_wait3A_83] : memref<16x128xi32, #tpu.memory_space<vmem>> -> memref<8x128xi32, #tpu.memory_space<vmem>>
      %dma_wait3A_85 = arith.constant 0 : i32
      %dma_wait3A_86 = tpu.memref_slice %arg4[%add3A_29, %dma_wait3A_85] : memref<1280x128xi32, #tpu.memory_space<hbm>> -> memref<8x128xi32, #tpu.memory_space<hbm>>
      %dma_wait3A_87 = arith.constant 0 : i32
      %dma_wait3A_88 = arith.constant 0 : i32
      %dma_wait3A_89 = tpu.memref_slice %arg10[%dma_wait3A_87, %dma_wait3A_88] : memref<16x128xi32, #tpu.memory_space<vmem>> -> memref<8x128xi32, #tpu.memory_space<vmem>>
      %dma_wait3A_90 = arith.constant 0 : i32
      %dma_wait3A_91 = tpu.memref_slice %arg4[%add3A_29, %dma_wait3A_90] : memref<1280x128xi32, #tpu.memory_space<hbm>> -> memref<8x128xi32, #tpu.memory_space<hbm>>
      tpu.wait_dma2 semaphore(%run_scoped3A : memref<!tpu.dma_semaphore, #tpu.memory_space<semaphore_mem>>) src(%dma_wait3A_91 : memref<8x128xi32, #tpu.memory_space<hbm>>) dst(%dma_wait3A_89 : memref<8x128xi32, #tpu.memory_space<vmem>>)
      tpu.yield
    }) : () -> ()
    %scan3A_30 = arith.constant 0 : i32
    %scan3A_31 = arith.constant 8 : i32
    %scan3A_32 = arith.addi %scan3A_30, %scan3A_31 : i32
    %scan3A_33 = arith.constant 1 : i32
    scf.for %scan3A_73 = %scan3A_30 to %scan3A_32 step %scan3A_33  : i32 {
      %mul3A_74 = arith.constant 1 : i32
      %mul3A_75 = arith.muli %scan3A_73, %mul3A_74 : i32
      %add3A_76 = arith.constant 0 : i32
      %add3A_77 = arith.addi %add3A_76, %mul3A_75 : i32
      "tpu.region"() ({
        %run_scoped3A = tpu.sem_alloc : memref<!tpu.dma_semaphore, #tpu.memory_space<semaphore_mem>>
        %dma_start3A_78 = arith.constant 0 : i32
        %dma_start3A_79 = tpu.memref_slice %arg10[%add3A_77, %dma_start3A_78] : memref<16x128xi32, #tpu.memory_space<vmem>> -> memref<1x128xi32, #tpu.memory_space<vmem>>
        %dma_start3A_80 = tpu.memref_squeeze %dma_start3A_79 : memref<1x128xi32, #tpu.memory_space<vmem>> -> memref<128xi32, #tpu.memory_space<vmem>>
        %dma_start3A_81 = arith.constant 0 : i32
        %dma_start3A_82 = arith.constant 0 : i32
        %dma_start3A_83 = tpu.memref_slice %arg13[%dma_start3A_81, %dma_start3A_82] : memref<10112x128xf32, #tpu.memory_space<vmem_shared>> -> memref<10112x128xf32, #tpu.memory_space<vmem_shared>>
        tpu.enqueue_indirect_dma source(%arg11 : memref<128x128xf32, #tpu.memory_space<vmem>>) target(%dma_start3A_83 : memref<10112x128xf32, #tpu.memory_space<vmem_shared>>) offsets(%dma_start3A_80 : memref<128xi32, #tpu.memory_space<vmem>>) semaphore(%run_scoped3A : memref<!tpu.dma_semaphore, #tpu.memory_space<semaphore_mem>>) {add = true}
        %dma_wait3A = arith.constant 0 : i32
        %dma_wait3A_84 = tpu.memref_slice %arg10[%add3A_77, %dma_wait3A] : memref<16x128xi32, #tpu.memory_space<vmem>> -> memref<1x128xi32, #tpu.memory_space<vmem>>
        %dma_wait3A_85 = tpu.memref_squeeze %dma_wait3A_84 : memref<1x128xi32, #tpu.memory_space<vmem>> -> memref<128xi32, #tpu.memory_space<vmem>>
        %dma_wait3A_86 = arith.constant 0 : i32
        %dma_wait3A_87 = arith.constant 0 : i32
        %dma_wait3A_88 = tpu.memref_slice %arg13[%dma_wait3A_86, %dma_wait3A_87] : memref<10112x128xf32, #tpu.memory_space<vmem_shared>> -> memref<10112x128xf32, #tpu.memory_space<vmem_shared>>
        tpu.wait_indirect_dma semaphore(%run_scoped3A : memref<!tpu.dma_semaphore, #tpu.memory_space<semaphore_mem>>) src(%arg11 : memref<128x128xf32, #tpu.memory_space<vmem>>) dst(%dma_wait3A_88 : memref<10112x128xf32, #tpu.memory_space<vmem_shared>>)
        tpu.yield
      }) : () -> ()
    }
    %scan3A_34 = arith.constant 8 : i32
    %barrier3A_35 = arith.constant 0 : index
    tpu.barrier barrier_id(%barrier3A_35)
    "tpu.region"() ({
      %run_scoped3A = tpu.sem_alloc : memref<!tpu.dma_semaphore, #tpu.memory_space<semaphore_mem>>
      %dma_start3A_73 = arith.constant 0 : i32
      %dma_start3A_74 = arith.constant 0 : i32
      %dma_start3A_75 = tpu.memref_slice %arg8[%arg0, %dma_start3A_73, %dma_start3A_74] : memref<2x10112x128xf32, #tpu.memory_space<hbm>> -> memref<1x10112x128xf32, #tpu.memory_space<hbm>>
      %dma_start3A_76 = tpu.memref_squeeze %dma_start3A_75 : memref<1x10112x128xf32, #tpu.memory_space<hbm>> -> memref<10112x128xf32, #tpu.memory_space<hbm>>
      %dma_start3A_77 = arith.constant 0 : i32
      %dma_start3A_78 = tpu.memref_slice %dma_start3A_76[%mul3A_0, %dma_start3A_77] : memref<10112x128xf32, #tpu.memory_space<hbm>> -> memref<632x128xf32, #tpu.memory_space<hbm>>
      %dma_start3A_79 = arith.constant 0 : i32
      %dma_start3A_80 = tpu.memref_slice %arg13[%mul3A_0, %dma_start3A_79] : memref<10112x128xf32, #tpu.memory_space<vmem_shared>> -> memref<632x128xf32, #tpu.memory_space<vmem_shared>>
      tpu.enqueue_dma source(%dma_start3A_80 : memref<632x128xf32, #tpu.memory_space<vmem_shared>>) target(%dma_start3A_78 : memref<632x128xf32, #tpu.memory_space<hbm>>) target_semaphore(%run_scoped3A : memref<!tpu.dma_semaphore, #tpu.memory_space<semaphore_mem>>)
      %dma_wait3A = arith.constant 0 : i32
      %dma_wait3A_81 = arith.constant 0 : i32
      %dma_wait3A_82 = tpu.memref_slice %arg8[%arg0, %dma_wait3A, %dma_wait3A_81] : memref<2x10112x128xf32, #tpu.memory_space<hbm>> -> memref<1x10112x128xf32, #tpu.memory_space<hbm>>
      %dma_wait3A_83 = tpu.memref_squeeze %dma_wait3A_82 : memref<1x10112x128xf32, #tpu.memory_space<hbm>> -> memref<10112x128xf32, #tpu.memory_space<hbm>>
      %dma_wait3A_84 = arith.constant 0 : i32
      %dma_wait3A_85 = tpu.memref_slice %dma_wait3A_83[%mul3A_0, %dma_wait3A_84] : memref<10112x128xf32, #tpu.memory_space<hbm>> -> memref<632x128xf32, #tpu.memory_space<hbm>>
      %dma_wait3A_86 = arith.constant 0 : i32
      %dma_wait3A_87 = tpu.memref_slice %arg13[%mul3A_0, %dma_wait3A_86] : memref<10112x128xf32, #tpu.memory_space<vmem_shared>> -> memref<632x128xf32, #tpu.memory_space<vmem_shared>>
      tpu.wait_dma2 semaphore(%run_scoped3A : memref<!tpu.dma_semaphore, #tpu.memory_space<semaphore_mem>>) src(%dma_wait3A_87 : memref<632x128xf32, #tpu.memory_space<vmem_shared>>) dst(%dma_wait3A_85 : memref<632x128xf32, #tpu.memory_space<hbm>>)
      tpu.yield
    }) : () -> ()
    %barrier3A_36 = arith.constant 0 : index
    tpu.barrier barrier_id(%barrier3A_36)
    "tpu.region"() ({
      %run_scoped3A = tpu.sem_alloc : memref<!tpu.dma_semaphore, #tpu.memory_space<semaphore_mem>>
      tpu.enqueue_dma source(%arg5 : memref<128x128xf32, #tpu.memory_space<hbm>>) target(%arg11 : memref<128x128xf32, #tpu.memory_space<vmem>>) target_semaphore(%run_scoped3A : memref<!tpu.dma_semaphore, #tpu.memory_space<semaphore_mem>>)
      tpu.wait_dma2 semaphore(%run_scoped3A : memref<!tpu.dma_semaphore, #tpu.memory_space<semaphore_mem>>) src(%arg5 : memref<128x128xf32, #tpu.memory_space<hbm>>) dst(%arg11 : memref<128x128xf32, #tpu.memory_space<vmem>>)
      tpu.yield
    }) : () -> ()
    %add3A_37 = arith.constant 0 : i32
    %add3A_38 = arith.addi %mul3A_0, %add3A_37 : i32
    "tpu.region"() ({
      %run_scoped3A = tpu.sem_alloc : memref<!tpu.dma_semaphore, #tpu.memory_space<semaphore_mem>>
      %dma_start3A_73 = arith.constant 0 : i32
      %dma_start3A_74 = tpu.memref_slice %arg13[%add3A_38, %dma_start3A_73] : memref<10112x128xf32, #tpu.memory_space<vmem_shared>> -> memref<128x128xf32, #tpu.memory_space<vmem_shared>>
      %dma_start3A_75 = arith.constant 0 : i32
      %dma_start3A_76 = tpu.memref_slice %arg13[%add3A_38, %dma_start3A_75] : memref<10112x128xf32, #tpu.memory_space<vmem_shared>> -> memref<128x128xf32, #tpu.memory_space<vmem_shared>>
      tpu.enqueue_dma source(%arg11 : memref<128x128xf32, #tpu.memory_space<vmem>>) target(%dma_start3A_76 : memref<128x128xf32, #tpu.memory_space<vmem_shared>>) target_semaphore(%run_scoped3A : memref<!tpu.dma_semaphore, #tpu.memory_space<semaphore_mem>>)
      %dma_wait3A = arith.constant 0 : i32
      %dma_wait3A_77 = tpu.memref_slice %arg13[%add3A_38, %dma_wait3A] : memref<10112x128xf32, #tpu.memory_space<vmem_shared>> -> memref<128x128xf32, #tpu.memory_space<vmem_shared>>
      %dma_wait3A_78 = arith.constant 0 : i32
      %dma_wait3A_79 = tpu.memref_slice %arg13[%add3A_38, %dma_wait3A_78] : memref<10112x128xf32, #tpu.memory_space<vmem_shared>> -> memref<128x128xf32, #tpu.memory_space<vmem_shared>>
      tpu.wait_dma2 semaphore(%run_scoped3A : memref<!tpu.dma_semaphore, #tpu.memory_space<semaphore_mem>>) src(%arg11 : memref<128x128xf32, #tpu.memory_space<vmem>>) dst(%dma_wait3A_79 : memref<128x128xf32, #tpu.memory_space<vmem_shared>>)
      tpu.yield
    }) : () -> ()
    %add3A_39 = arith.constant 128 : i32
    %add3A_40 = arith.addi %mul3A_0, %add3A_39 : i32
    "tpu.region"() ({
      %run_scoped3A = tpu.sem_alloc : memref<!tpu.dma_semaphore, #tpu.memory_space<semaphore_mem>>
      %dma_start3A_73 = arith.constant 0 : i32
      %dma_start3A_74 = tpu.memref_slice %arg13[%add3A_40, %dma_start3A_73] : memref<10112x128xf32, #tpu.memory_space<vmem_shared>> -> memref<128x128xf32, #tpu.memory_space<vmem_shared>>
      %dma_start3A_75 = arith.constant 0 : i32
      %dma_start3A_76 = tpu.memref_slice %arg13[%add3A_40, %dma_start3A_75] : memref<10112x128xf32, #tpu.memory_space<vmem_shared>> -> memref<128x128xf32, #tpu.memory_space<vmem_shared>>
      tpu.enqueue_dma source(%arg11 : memref<128x128xf32, #tpu.memory_space<vmem>>) target(%dma_start3A_76 : memref<128x128xf32, #tpu.memory_space<vmem_shared>>) target_semaphore(%run_scoped3A : memref<!tpu.dma_semaphore, #tpu.memory_space<semaphore_mem>>)
      %dma_wait3A = arith.constant 0 : i32
      %dma_wait3A_77 = tpu.memref_slice %arg13[%add3A_40, %dma_wait3A] : memref<10112x128xf32, #tpu.memory_space<vmem_shared>> -> memref<128x128xf32, #tpu.memory_space<vmem_shared>>
      %dma_wait3A_78 = arith.constant 0 : i32
      %dma_wait3A_79 = tpu.memref_slice %arg13[%add3A_40, %dma_wait3A_78] : memref<10112x128xf32, #tpu.memory_space<vmem_shared>> -> memref<128x128xf32, #tpu.memory_space<vmem_shared>>
      tpu.wait_dma2 semaphore(%run_scoped3A : memref<!tpu.dma_semaphore, #tpu.memory_space<semaphore_mem>>) src(%arg11 : memref<128x128xf32, #tpu.memory_space<vmem>>) dst(%dma_wait3A_79 : memref<128x128xf32, #tpu.memory_space<vmem_shared>>)
      tpu.yield
    }) : () -> ()
    %add3A_41 = arith.constant 256 : i32
    %add3A_42 = arith.addi %mul3A_0, %add3A_41 : i32
    "tpu.region"() ({
      %run_scoped3A = tpu.sem_alloc : memref<!tpu.dma_semaphore, #tpu.memory_space<semaphore_mem>>
      %dma_start3A_73 = arith.constant 0 : i32
      %dma_start3A_74 = tpu.memref_slice %arg13[%add3A_42, %dma_start3A_73] : memref<10112x128xf32, #tpu.memory_space<vmem_shared>> -> memref<128x128xf32, #tpu.memory_space<vmem_shared>>
      %dma_start3A_75 = arith.constant 0 : i32
      %dma_start3A_76 = tpu.memref_slice %arg13[%add3A_42, %dma_start3A_75] : memref<10112x128xf32, #tpu.memory_space<vmem_shared>> -> memref<128x128xf32, #tpu.memory_space<vmem_shared>>
      tpu.enqueue_dma source(%arg11 : memref<128x128xf32, #tpu.memory_space<vmem>>) target(%dma_start3A_76 : memref<128x128xf32, #tpu.memory_space<vmem_shared>>) target_semaphore(%run_scoped3A : memref<!tpu.dma_semaphore, #tpu.memory_space<semaphore_mem>>)
      %dma_wait3A = arith.constant 0 : i32
      %dma_wait3A_77 = tpu.memref_slice %arg13[%add3A_42, %dma_wait3A] : memref<10112x128xf32, #tpu.memory_space<vmem_shared>> -> memref<128x128xf32, #tpu.memory_space<vmem_shared>>
      %dma_wait3A_78 = arith.constant 0 : i32
      %dma_wait3A_79 = tpu.memref_slice %arg13[%add3A_42, %dma_wait3A_78] : memref<10112x128xf32, #tpu.memory_space<vmem_shared>> -> memref<128x128xf32, #tpu.memory_space<vmem_shared>>
      tpu.wait_dma2 semaphore(%run_scoped3A : memref<!tpu.dma_semaphore, #tpu.memory_space<semaphore_mem>>) src(%arg11 : memref<128x128xf32, #tpu.memory_space<vmem>>) dst(%dma_wait3A_79 : memref<128x128xf32, #tpu.memory_space<vmem_shared>>)
      tpu.yield
    }) : () -> ()
    %add3A_43 = arith.constant 384 : i32
    %add3A_44 = arith.addi %mul3A_0, %add3A_43 : i32
    "tpu.region"() ({
      %run_scoped3A = tpu.sem_alloc : memref<!tpu.dma_semaphore, #tpu.memory_space<semaphore_mem>>
      %dma_start3A_73 = arith.constant 0 : i32
      %dma_start3A_74 = tpu.memref_slice %arg13[%add3A_44, %dma_start3A_73] : memref<10112x128xf32, #tpu.memory_space<vmem_shared>> -> memref<128x128xf32, #tpu.memory_space<vmem_shared>>
      %dma_start3A_75 = arith.constant 0 : i32
      %dma_start3A_76 = tpu.memref_slice %arg13[%add3A_44, %dma_start3A_75] : memref<10112x128xf32, #tpu.memory_space<vmem_shared>> -> memref<128x128xf32, #tpu.memory_space<vmem_shared>>
      tpu.enqueue_dma source(%arg11 : memref<128x128xf32, #tpu.memory_space<vmem>>) target(%dma_start3A_76 : memref<128x128xf32, #tpu.memory_space<vmem_shared>>) target_semaphore(%run_scoped3A : memref<!tpu.dma_semaphore, #tpu.memory_space<semaphore_mem>>)
      %dma_wait3A = arith.constant 0 : i32
      %dma_wait3A_77 = tpu.memref_slice %arg13[%add3A_44, %dma_wait3A] : memref<10112x128xf32, #tpu.memory_space<vmem_shared>> -> memref<128x128xf32, #tpu.memory_space<vmem_shared>>
      %dma_wait3A_78 = arith.constant 0 : i32
      %dma_wait3A_79 = tpu.memref_slice %arg13[%add3A_44, %dma_wait3A_78] : memref<10112x128xf32, #tpu.memory_space<vmem_shared>> -> memref<128x128xf32, #tpu.memory_space<vmem_shared>>
      tpu.wait_dma2 semaphore(%run_scoped3A : memref<!tpu.dma_semaphore, #tpu.memory_space<semaphore_mem>>) src(%arg11 : memref<128x128xf32, #tpu.memory_space<vmem>>) dst(%dma_wait3A_79 : memref<128x128xf32, #tpu.memory_space<vmem_shared>>)
      tpu.yield
    }) : () -> ()
    %add3A_45 = arith.constant 512 : i32
    %add3A_46 = arith.addi %mul3A_0, %add3A_45 : i32
    "tpu.region"() ({
      %run_scoped3A = tpu.sem_alloc : memref<!tpu.dma_semaphore, #tpu.memory_space<semaphore_mem>>
      %dma_start3A_73 = arith.constant 0 : i32
      %dma_start3A_74 = arith.constant 0 : i32
      %dma_start3A_75 = tpu.memref_slice %arg11[%dma_start3A_73, %dma_start3A_74] : memref<128x128xf32, #tpu.memory_space<vmem>> -> memref<120x128xf32, #tpu.memory_space<vmem>>
      %dma_start3A_76 = arith.constant 0 : i32
      %dma_start3A_77 = tpu.memref_slice %arg13[%add3A_46, %dma_start3A_76] : memref<10112x128xf32, #tpu.memory_space<vmem_shared>> -> memref<120x128xf32, #tpu.memory_space<vmem_shared>>
      %dma_start3A_78 = arith.constant 0 : i32
      %dma_start3A_79 = tpu.memref_slice %arg13[%add3A_46, %dma_start3A_78] : memref<10112x128xf32, #tpu.memory_space<vmem_shared>> -> memref<120x128xf32, #tpu.memory_space<vmem_shared>>
      %dma_start3A_80 = arith.constant 0 : i32
      %dma_start3A_81 = arith.constant 0 : i32
      %dma_start3A_82 = tpu.memref_slice %arg11[%dma_start3A_80, %dma_start3A_81] : memref<128x128xf32, #tpu.memory_space<vmem>> -> memref<120x128xf32, #tpu.memory_space<vmem>>
      tpu.enqueue_dma source(%dma_start3A_82 : memref<120x128xf32, #tpu.memory_space<vmem>>) target(%dma_start3A_79 : memref<120x128xf32, #tpu.memory_space<vmem_shared>>) target_semaphore(%run_scoped3A : memref<!tpu.dma_semaphore, #tpu.memory_space<semaphore_mem>>)
      %dma_wait3A = arith.constant 0 : i32
      %dma_wait3A_83 = arith.constant 0 : i32
      %dma_wait3A_84 = tpu.memref_slice %arg11[%dma_wait3A, %dma_wait3A_83] : memref<128x128xf32, #tpu.memory_space<vmem>> -> memref<120x128xf32, #tpu.memory_space<vmem>>
      %dma_wait3A_85 = arith.constant 0 : i32
      %dma_wait3A_86 = tpu.memref_slice %arg13[%add3A_46, %dma_wait3A_85] : memref<10112x128xf32, #tpu.memory_space<vmem_shared>> -> memref<120x128xf32, #tpu.memory_space<vmem_shared>>
      %dma_wait3A_87 = arith.constant 0 : i32
      %dma_wait3A_88 = tpu.memref_slice %arg13[%add3A_46, %dma_wait3A_87] : memref<10112x128xf32, #tpu.memory_space<vmem_shared>> -> memref<120x128xf32, #tpu.memory_space<vmem_shared>>
      %dma_wait3A_89 = arith.constant 0 : i32
      %dma_wait3A_90 = arith.constant 0 : i32
      %dma_wait3A_91 = tpu.memref_slice %arg11[%dma_wait3A_89, %dma_wait3A_90] : memref<128x128xf32, #tpu.memory_space<vmem>> -> memref<120x128xf32, #tpu.memory_space<vmem>>
      tpu.wait_dma2 semaphore(%run_scoped3A : memref<!tpu.dma_semaphore, #tpu.memory_space<semaphore_mem>>) src(%dma_wait3A_91 : memref<120x128xf32, #tpu.memory_space<vmem>>) dst(%dma_wait3A_88 : memref<120x128xf32, #tpu.memory_space<vmem_shared>>)
      tpu.yield
    }) : () -> ()
    %barrier3A_47 = arith.constant 0 : index
    tpu.barrier barrier_id(%barrier3A_47)
    %mul3A_48 = arith.constant 1 : i32
    %mul3A_49 = arith.muli %arg0, %mul3A_48 : i32
    %add3A_50 = arith.constant 0 : i32
    %add3A_51 = arith.addi %mul3A_49, %add3A_50 : i32
    %mul3A_52 = arith.constant 80 : i32
    %mul3A_53 = arith.muli %arg1, %mul3A_52 : i32
    "tpu.region"() ({
      %run_scoped3A = tpu.sem_alloc : memref<!tpu.dma_semaphore, #tpu.memory_space<semaphore_mem>>
      %dma_start3A_73 = arith.constant 0 : i32
      %dma_start3A_74 = arith.constant 0 : i32
      %dma_start3A_75 = tpu.memref_slice %arg3[%add3A_51, %dma_start3A_73, %dma_start3A_74] : memref<2x1280x128xi32, #tpu.memory_space<hbm>> -> memref<1x1280x128xi32, #tpu.memory_space<hbm>>
      %dma_start3A_76 = tpu.memref_squeeze %dma_start3A_75 : memref<1x1280x128xi32, #tpu.memory_space<hbm>> -> memref<1280x128xi32, #tpu.memory_space<hbm>>
      %dma_start3A_77 = arith.constant 0 : i32
      %dma_start3A_78 = tpu.memref_slice %dma_start3A_76[%mul3A_53, %dma_start3A_77] : memref<1280x128xi32, #tpu.memory_space<hbm>> -> memref<80x128xi32, #tpu.memory_space<hbm>>
      %dma_start3A_79 = arith.constant 0 : i32
      %dma_start3A_80 = arith.constant 0 : i32
      %dma_start3A_81 = tpu.memref_slice %arg3[%add3A_51, %dma_start3A_79, %dma_start3A_80] : memref<2x1280x128xi32, #tpu.memory_space<hbm>> -> memref<1x1280x128xi32, #tpu.memory_space<hbm>>
      %dma_start3A_82 = tpu.memref_squeeze %dma_start3A_81 : memref<1x1280x128xi32, #tpu.memory_space<hbm>> -> memref<1280x128xi32, #tpu.memory_space<hbm>>
      %dma_start3A_83 = arith.constant 0 : i32
      %dma_start3A_84 = tpu.memref_slice %dma_start3A_82[%mul3A_53, %dma_start3A_83] : memref<1280x128xi32, #tpu.memory_space<hbm>> -> memref<80x128xi32, #tpu.memory_space<hbm>>
      tpu.enqueue_dma source(%dma_start3A_84 : memref<80x128xi32, #tpu.memory_space<hbm>>) target(%arg9 : memref<80x128xi32, #tpu.memory_space<vmem>>) target_semaphore(%run_scoped3A : memref<!tpu.dma_semaphore, #tpu.memory_space<semaphore_mem>>)
      %dma_wait3A = arith.constant 0 : i32
      %dma_wait3A_85 = arith.constant 0 : i32
      %dma_wait3A_86 = tpu.memref_slice %arg3[%add3A_51, %dma_wait3A, %dma_wait3A_85] : memref<2x1280x128xi32, #tpu.memory_space<hbm>> -> memref<1x1280x128xi32, #tpu.memory_space<hbm>>
      %dma_wait3A_87 = tpu.memref_squeeze %dma_wait3A_86 : memref<1x1280x128xi32, #tpu.memory_space<hbm>> -> memref<1280x128xi32, #tpu.memory_space<hbm>>
      %dma_wait3A_88 = arith.constant 0 : i32
      %dma_wait3A_89 = tpu.memref_slice %dma_wait3A_87[%mul3A_53, %dma_wait3A_88] : memref<1280x128xi32, #tpu.memory_space<hbm>> -> memref<80x128xi32, #tpu.memory_space<hbm>>
      %dma_wait3A_90 = arith.constant 0 : i32
      %dma_wait3A_91 = arith.constant 0 : i32
      %dma_wait3A_92 = tpu.memref_slice %arg3[%add3A_51, %dma_wait3A_90, %dma_wait3A_91] : memref<2x1280x128xi32, #tpu.memory_space<hbm>> -> memref<1x1280x128xi32, #tpu.memory_space<hbm>>
      %dma_wait3A_93 = tpu.memref_squeeze %dma_wait3A_92 : memref<1x1280x128xi32, #tpu.memory_space<hbm>> -> memref<1280x128xi32, #tpu.memory_space<hbm>>
      %dma_wait3A_94 = arith.constant 0 : i32
      %dma_wait3A_95 = tpu.memref_slice %dma_wait3A_93[%mul3A_53, %dma_wait3A_94] : memref<1280x128xi32, #tpu.memory_space<hbm>> -> memref<80x128xi32, #tpu.memory_space<hbm>>
      tpu.wait_dma2 semaphore(%run_scoped3A : memref<!tpu.dma_semaphore, #tpu.memory_space<semaphore_mem>>) src(%dma_wait3A_95 : memref<80x128xi32, #tpu.memory_space<hbm>>) dst(%arg9 : memref<80x128xi32, #tpu.memory_space<vmem>>)
      tpu.yield
    }) : () -> ()
    %dma_start3A = arith.constant 0 : i32
    %dma_start3A_54 = arith.constant 0 : i32
    %dma_start3A_55 = tpu.memref_slice %arg9[%dma_start3A, %dma_start3A_54] : memref<80x128xi32, #tpu.memory_space<vmem>> -> memref<1x128xi32, #tpu.memory_space<vmem>>
    %dma_start3A_56 = tpu.memref_squeeze %dma_start3A_55 : memref<1x128xi32, #tpu.memory_space<vmem>> -> memref<128xi32, #tpu.memory_space<vmem>>
    %dma_start3A_57 = arith.constant 0 : i32
    %dma_start3A_58 = arith.constant 0 : i32
    %dma_start3A_59 = tpu.memref_slice %arg2[%dma_start3A_57, %dma_start3A_58] : memref<20000x128xf32, #tpu.memory_space<hbm>> -> memref<20000x128xf32, #tpu.memory_space<hbm>>
    tpu.enqueue_indirect_dma source(%dma_start3A_59 : memref<20000x128xf32, #tpu.memory_space<hbm>>) target(%arg11 : memref<128x128xf32, #tpu.memory_space<vmem>>) offsets(%dma_start3A_56 : memref<128xi32, #tpu.memory_space<vmem>>) semaphore(%arg14 : memref<!tpu.dma_semaphore, #tpu.memory_space<semaphore_mem>>)
    %dma_start3A_60 = arith.constant 1 : i32
    %dma_start3A_61 = arith.constant 0 : i32
    %dma_start3A_62 = tpu.memref_slice %arg9[%dma_start3A_60, %dma_start3A_61] : memref<80x128xi32, #tpu.memory_space<vmem>> -> memref<1x128xi32, #tpu.memory_space<vmem>>
    %dma_start3A_63 = tpu.memref_squeeze %dma_start3A_62 : memref<1x128xi32, #tpu.memory_space<vmem>> -> memref<128xi32, #tpu.memory_space<vmem>>
    %dma_start3A_64 = arith.constant 0 : i32
    %dma_start3A_65 = arith.constant 0 : i32
    %dma_start3A_66 = tpu.memref_slice %arg2[%dma_start3A_64, %dma_start3A_65] : memref<20000x128xf32, #tpu.memory_space<hbm>> -> memref<20000x128xf32, #tpu.memory_space<hbm>>
    tpu.enqueue_indirect_dma source(%dma_start3A_66 : memref<20000x128xf32, #tpu.memory_space<hbm>>) target(%arg12 : memref<128x128xf32, #tpu.memory_space<vmem>>) offsets(%dma_start3A_63 : memref<128xi32, #tpu.memory_space<vmem>>) semaphore(%arg15 : memref<!tpu.dma_semaphore, #tpu.memory_space<semaphore_mem>>)
    %scan3A_67 = arith.constant 0 : i32
    %scan3A_68 = arith.constant 5 : i32
    %scan3A_69 = arith.addi %scan3A_67, %scan3A_68 : i32
    %scan3A_70 = arith.constant 1 : i32
    scf.for %scan3A_73 = %scan3A_67 to %scan3A_69 step %scan3A_70  : i32 {
      %mul3A_74 = arith.constant 1 : i32
      %mul3A_75 = arith.muli %scan3A_73, %mul3A_74 : i32
      %add3A_76 = arith.constant 0 : i32
      %add3A_77 = arith.addi %add3A_76, %mul3A_75 : i32
      %mul3A_78 = arith.constant 16 : i32
      %mul3A_79 = arith.muli %add3A_77, %mul3A_78 : i32
      %mul3A_80 = arith.constant 80 : i32
      %mul3A_81 = arith.muli %arg1, %mul3A_80 : i32
      %add3A_82 = arith.addi %mul3A_81, %mul3A_79 : i32
      "tpu.region"() ({
        %run_scoped3A = tpu.sem_alloc : memref<!tpu.dma_semaphore, #tpu.memory_space<semaphore_mem>>
        %dma_start3A_88 = arith.constant 0 : i32
        %dma_start3A_89 = tpu.memref_slice %arg4[%add3A_82, %dma_start3A_88] : memref<1280x128xi32, #tpu.memory_space<hbm>> -> memref<16x128xi32, #tpu.memory_space<hbm>>
        %dma_start3A_90 = arith.constant 0 : i32
        %dma_start3A_91 = tpu.memref_slice %arg4[%add3A_82, %dma_start3A_90] : memref<1280x128xi32, #tpu.memory_space<hbm>> -> memref<16x128xi32, #tpu.memory_space<hbm>>
        tpu.enqueue_dma source(%dma_start3A_91 : memref<16x128xi32, #tpu.memory_space<hbm>>) target(%arg10 : memref<16x128xi32, #tpu.memory_space<vmem>>) target_semaphore(%run_scoped3A : memref<!tpu.dma_semaphore, #tpu.memory_space<semaphore_mem>>)
        %dma_wait3A = arith.constant 0 : i32
        %dma_wait3A_92 = tpu.memref_slice %arg4[%add3A_82, %dma_wait3A] : memref<1280x128xi32, #tpu.memory_space<hbm>> -> memref<16x128xi32, #tpu.memory_space<hbm>>
        %dma_wait3A_93 = arith.constant 0 : i32
        %dma_wait3A_94 = tpu.memref_slice %arg4[%add3A_82, %dma_wait3A_93] : memref<1280x128xi32, #tpu.memory_space<hbm>> -> memref<16x128xi32, #tpu.memory_space<hbm>>
        tpu.wait_dma2 semaphore(%run_scoped3A : memref<!tpu.dma_semaphore, #tpu.memory_space<semaphore_mem>>) src(%dma_wait3A_94 : memref<16x128xi32, #tpu.memory_space<hbm>>) dst(%arg10 : memref<16x128xi32, #tpu.memory_space<vmem>>)
        tpu.yield
      }) : () -> ()
      %scan3A_83 = arith.constant 0 : i32
      %scan3A_84 = arith.constant 8 : i32
      %scan3A_85 = arith.addi %scan3A_83, %scan3A_84 : i32
      %scan3A_86 = arith.constant 1 : i32
      scf.for %scan3A_88 = %scan3A_83 to %scan3A_85 step %scan3A_86  : i32 {
        %mul3A_89 = arith.constant 2 : i32
        %mul3A_90 = arith.muli %scan3A_88, %mul3A_89 : i32
        %add3A_91 = arith.constant 0 : i32
        %add3A_92 = arith.addi %add3A_91, %mul3A_90 : i32
        %add3A_93 = arith.addi %mul3A_79, %add3A_92 : i32
        %dma_wait3A = arith.constant 0 : i32
        %dma_wait3A_94 = arith.constant 0 : i32
        %dma_wait3A_95 = tpu.memref_slice %arg2[%dma_wait3A, %dma_wait3A_94] : memref<20000x128xf32, #tpu.memory_space<hbm>> -> memref<128x128xf32, #tpu.memory_space<hbm>>
        %dma_wait3A_96 = arith.constant 0 : i32
        %dma_wait3A_97 = arith.constant 0 : i32
        %dma_wait3A_98 = tpu.memref_slice %arg2[%dma_wait3A_96, %dma_wait3A_97] : memref<20000x128xf32, #tpu.memory_space<hbm>> -> memref<128x128xf32, #tpu.memory_space<hbm>>
        tpu.wait_dma2 semaphore(%arg14 : memref<!tpu.dma_semaphore, #tpu.memory_space<semaphore_mem>>) src(%dma_wait3A_98 : memref<128x128xf32, #tpu.memory_space<hbm>>) dst(%arg11 : memref<128x128xf32, #tpu.memory_space<vmem>>)
        "tpu.region"() ({
          %run_scoped3A = tpu.sem_alloc : memref<!tpu.dma_semaphore, #tpu.memory_space<semaphore_mem>>
          %dma_start3A_118 = arith.constant 0 : i32
          %dma_start3A_119 = tpu.memref_slice %arg10[%add3A_92, %dma_start3A_118] : memref<16x128xi32, #tpu.memory_space<vmem>> -> memref<1x128xi32, #tpu.memory_space<vmem>>
          %dma_start3A_120 = tpu.memref_squeeze %dma_start3A_119 : memref<1x128xi32, #tpu.memory_space<vmem>> -> memref<128xi32, #tpu.memory_space<vmem>>
          %dma_start3A_121 = arith.constant 0 : i32
          %dma_start3A_122 = arith.constant 0 : i32
          %dma_start3A_123 = tpu.memref_slice %arg13[%dma_start3A_121, %dma_start3A_122] : memref<10112x128xf32, #tpu.memory_space<vmem_shared>> -> memref<10112x128xf32, #tpu.memory_space<vmem_shared>>
          tpu.enqueue_indirect_dma source(%arg11 : memref<128x128xf32, #tpu.memory_space<vmem>>) target(%dma_start3A_123 : memref<10112x128xf32, #tpu.memory_space<vmem_shared>>) offsets(%dma_start3A_120 : memref<128xi32, #tpu.memory_space<vmem>>) semaphore(%run_scoped3A : memref<!tpu.dma_semaphore, #tpu.memory_space<semaphore_mem>>) {add = true}
          %dma_wait3A_124 = arith.constant 0 : i32
          %dma_wait3A_125 = tpu.memref_slice %arg10[%add3A_92, %dma_wait3A_124] : memref<16x128xi32, #tpu.memory_space<vmem>> -> memref<1x128xi32, #tpu.memory_space<vmem>>
          %dma_wait3A_126 = tpu.memref_squeeze %dma_wait3A_125 : memref<1x128xi32, #tpu.memory_space<vmem>> -> memref<128xi32, #tpu.memory_space<vmem>>
          %dma_wait3A_127 = arith.constant 0 : i32
          %dma_wait3A_128 = arith.constant 0 : i32
          %dma_wait3A_129 = tpu.memref_slice %arg13[%dma_wait3A_127, %dma_wait3A_128] : memref<10112x128xf32, #tpu.memory_space<vmem_shared>> -> memref<10112x128xf32, #tpu.memory_space<vmem_shared>>
          tpu.wait_indirect_dma semaphore(%run_scoped3A : memref<!tpu.dma_semaphore, #tpu.memory_space<semaphore_mem>>) src(%arg11 : memref<128x128xf32, #tpu.memory_space<vmem>>) dst(%dma_wait3A_129 : memref<10112x128xf32, #tpu.memory_space<vmem_shared>>)
          tpu.yield
        }) : () -> ()
        %add3A_99 = arith.constant 2 : i32
        %add3A_100 = arith.addi %add3A_93, %add3A_99 : i32
        %lt3A = arith.constant 80 : i32
        %lt3A_101 = arith.cmpi slt, %add3A_100, %lt3A : i32
        %convert_element_type3A = arith.extui %lt3A_101 : i1 to i32
        %cond3A = arith.constant 0 : i32
        %cond3A_102 = arith.cmpi ne, %convert_element_type3A, %cond3A : i32
        scf.if %cond3A_102 {
          %add3A_118 = arith.constant 2 : i32
          %add3A_119 = arith.addi %add3A_93, %add3A_118 : i32
          %dma_start3A_120 = arith.constant 0 : i32
          %dma_start3A_121 = tpu.memref_slice %arg9[%add3A_119, %dma_start3A_120] : memref<80x128xi32, #tpu.memory_space<vmem>> -> memref<1x128xi32, #tpu.memory_space<vmem>>
          %dma_start3A_122 = tpu.memref_squeeze %dma_start3A_121 : memref<1x128xi32, #tpu.memory_space<vmem>> -> memref<128xi32, #tpu.memory_space<vmem>>
          %dma_start3A_123 = arith.constant 0 : i32
          %dma_start3A_124 = arith.constant 0 : i32
          %dma_start3A_125 = tpu.memref_slice %arg2[%dma_start3A_123, %dma_start3A_124] : memref<20000x128xf32, #tpu.memory_space<hbm>> -> memref<20000x128xf32, #tpu.memory_space<hbm>>
          tpu.enqueue_indirect_dma source(%dma_start3A_125 : memref<20000x128xf32, #tpu.memory_space<hbm>>) target(%arg11 : memref<128x128xf32, #tpu.memory_space<vmem>>) offsets(%dma_start3A_122 : memref<128xi32, #tpu.memory_space<vmem>>) semaphore(%arg14 : memref<!tpu.dma_semaphore, #tpu.memory_space<semaphore_mem>>)
        } else {
        }
        %dma_wait3A_103 = arith.constant 0 : i32
        %dma_wait3A_104 = arith.constant 0 : i32
        %dma_wait3A_105 = tpu.memref_slice %arg2[%dma_wait3A_103, %dma_wait3A_104] : memref<20000x128xf32, #tpu.memory_space<hbm>> -> memref<128x128xf32, #tpu.memory_space<hbm>>
        %dma_wait3A_106 = arith.constant 0 : i32
        %dma_wait3A_107 = arith.constant 0 : i32
        %dma_wait3A_108 = tpu.memref_slice %arg2[%dma_wait3A_106, %dma_wait3A_107] : memref<20000x128xf32, #tpu.memory_space<hbm>> -> memref<128x128xf32, #tpu.memory_space<hbm>>
        tpu.wait_dma2 semaphore(%arg15 : memref<!tpu.dma_semaphore, #tpu.memory_space<semaphore_mem>>) src(%dma_wait3A_108 : memref<128x128xf32, #tpu.memory_space<hbm>>) dst(%arg12 : memref<128x128xf32, #tpu.memory_space<vmem>>)
        %add3A_109 = arith.constant 1 : i32
        %add3A_110 = arith.addi %add3A_92, %add3A_109 : i32
        "tpu.region"() ({
          %run_scoped3A = tpu.sem_alloc : memref<!tpu.dma_semaphore, #tpu.memory_space<semaphore_mem>>
          %dma_start3A_118 = arith.constant 0 : i32
          %dma_start3A_119 = tpu.memref_slice %arg10[%add3A_110, %dma_start3A_118] : memref<16x128xi32, #tpu.memory_space<vmem>> -> memref<1x128xi32, #tpu.memory_space<vmem>>
          %dma_start3A_120 = tpu.memref_squeeze %dma_start3A_119 : memref<1x128xi32, #tpu.memory_space<vmem>> -> memref<128xi32, #tpu.memory_space<vmem>>
          %dma_start3A_121 = arith.constant 0 : i32
          %dma_start3A_122 = arith.constant 0 : i32
          %dma_start3A_123 = tpu.memref_slice %arg13[%dma_start3A_121, %dma_start3A_122] : memref<10112x128xf32, #tpu.memory_space<vmem_shared>> -> memref<10112x128xf32, #tpu.memory_space<vmem_shared>>
          tpu.enqueue_indirect_dma source(%arg12 : memref<128x128xf32, #tpu.memory_space<vmem>>) target(%dma_start3A_123 : memref<10112x128xf32, #tpu.memory_space<vmem_shared>>) offsets(%dma_start3A_120 : memref<128xi32, #tpu.memory_space<vmem>>) semaphore(%run_scoped3A : memref<!tpu.dma_semaphore, #tpu.memory_space<semaphore_mem>>) {add = true}
          %dma_wait3A_124 = arith.constant 0 : i32
          %dma_wait3A_125 = tpu.memref_slice %arg10[%add3A_110, %dma_wait3A_124] : memref<16x128xi32, #tpu.memory_space<vmem>> -> memref<1x128xi32, #tpu.memory_space<vmem>>
          %dma_wait3A_126 = tpu.memref_squeeze %dma_wait3A_125 : memref<1x128xi32, #tpu.memory_space<vmem>> -> memref<128xi32, #tpu.memory_space<vmem>>
          %dma_wait3A_127 = arith.constant 0 : i32
          %dma_wait3A_128 = arith.constant 0 : i32
          %dma_wait3A_129 = tpu.memref_slice %arg13[%dma_wait3A_127, %dma_wait3A_128] : memref<10112x128xf32, #tpu.memory_space<vmem_shared>> -> memref<10112x128xf32, #tpu.memory_space<vmem_shared>>
          tpu.wait_indirect_dma semaphore(%run_scoped3A : memref<!tpu.dma_semaphore, #tpu.memory_space<semaphore_mem>>) src(%arg12 : memref<128x128xf32, #tpu.memory_space<vmem>>) dst(%dma_wait3A_129 : memref<10112x128xf32, #tpu.memory_space<vmem_shared>>)
          tpu.yield
        }) : () -> ()
        %add3A_111 = arith.constant 3 : i32
        %add3A_112 = arith.addi %add3A_93, %add3A_111 : i32
        %lt3A_113 = arith.constant 80 : i32
        %lt3A_114 = arith.cmpi slt, %add3A_112, %lt3A_113 : i32
        %convert_element_type3A_115 = arith.extui %lt3A_114 : i1 to i32
        %cond3A_116 = arith.constant 0 : i32
        %cond3A_117 = arith.cmpi ne, %convert_element_type3A_115, %cond3A_116 : i32
        scf.if %cond3A_117 {
          %add3A_118 = arith.constant 3 : i32
          %add3A_119 = arith.addi %add3A_93, %add3A_118 : i32
          %dma_start3A_120 = arith.constant 0 : i32
          %dma_start3A_121 = tpu.memref_slice %arg9[%add3A_119, %dma_start3A_120] : memref<80x128xi32, #tpu.memory_space<vmem>> -> memref<1x128xi32, #tpu.memory_space<vmem>>
          %dma_start3A_122 = tpu.memref_squeeze %dma_start3A_121 : memref<1x128xi32, #tpu.memory_space<vmem>> -> memref<128xi32, #tpu.memory_space<vmem>>
          %dma_start3A_123 = arith.constant 0 : i32
          %dma_start3A_124 = arith.constant 0 : i32
          %dma_start3A_125 = tpu.memref_slice %arg2[%dma_start3A_123, %dma_start3A_124] : memref<20000x128xf32, #tpu.memory_space<hbm>> -> memref<20000x128xf32, #tpu.memory_space<hbm>>
          tpu.enqueue_indirect_dma source(%dma_start3A_125 : memref<20000x128xf32, #tpu.memory_space<hbm>>) target(%arg12 : memref<128x128xf32, #tpu.memory_space<vmem>>) offsets(%dma_start3A_122 : memref<128xi32, #tpu.memory_space<vmem>>) semaphore(%arg15 : memref<!tpu.dma_semaphore, #tpu.memory_space<semaphore_mem>>)
        } else {
        }
      }
      %scan3A_87 = arith.constant 8 : i32
    }
    %scan3A_71 = arith.constant 5 : i32
    %barrier3A_72 = arith.constant 0 : index
    tpu.barrier barrier_id(%barrier3A_72)
    "tpu.region"() ({
      %run_scoped3A = tpu.sem_alloc : memref<!tpu.dma_semaphore, #tpu.memory_space<semaphore_mem>>
      %dma_start3A_73 = arith.constant 0 : i32
      %dma_start3A_74 = arith.constant 0 : i32
      %dma_start3A_75 = tpu.memref_slice %arg7[%add3A_51, %dma_start3A_73, %dma_start3A_74] : memref<2x10112x128xf32, #tpu.memory_space<hbm>> -> memref<1x10112x128xf32, #tpu.memory_space<hbm>>
      %dma_start3A_76 = tpu.memref_squeeze %dma_start3A_75 : memref<1x10112x128xf32, #tpu.memory_space<hbm>> -> memref<10112x128xf32, #tpu.memory_space<hbm>>
      %dma_start3A_77 = arith.constant 0 : i32
      %dma_start3A_78 = tpu.memref_slice %dma_start3A_76[%mul3A_0, %dma_start3A_77] : memref<10112x128xf32, #tpu.memory_space<hbm>> -> memref<632x128xf32, #tpu.memory_space<hbm>>
      %dma_start3A_79 = arith.constant 0 : i32
      %dma_start3A_80 = tpu.memref_slice %arg13[%mul3A_0, %dma_start3A_79] : memref<10112x128xf32, #tpu.memory_space<vmem_shared>> -> memref<632x128xf32, #tpu.memory_space<vmem_shared>>
      tpu.enqueue_dma source(%dma_start3A_80 : memref<632x128xf32, #tpu.memory_space<vmem_shared>>) target(%dma_start3A_78 : memref<632x128xf32, #tpu.memory_space<hbm>>) target_semaphore(%run_scoped3A : memref<!tpu.dma_semaphore, #tpu.memory_space<semaphore_mem>>)
      %dma_wait3A = arith.constant 0 : i32
      %dma_wait3A_81 = arith.constant 0 : i32
      %dma_wait3A_82 = tpu.memref_slice %arg7[%add3A_51, %dma_wait3A, %dma_wait3A_81] : memref<2x10112x128xf32, #tpu.memory_space<hbm>> -> memref<1x10112x128xf32, #tpu.memory_space<hbm>>
      %dma_wait3A_83 = tpu.memref_squeeze %dma_wait3A_82 : memref<1x10112x128xf32, #tpu.memory_space<hbm>> -> memref<10112x128xf32, #tpu.memory_space<hbm>>
      %dma_wait3A_84 = arith.constant 0 : i32
      %dma_wait3A_85 = tpu.memref_slice %dma_wait3A_83[%mul3A_0, %dma_wait3A_84] : memref<10112x128xf32, #tpu.memory_space<hbm>> -> memref<632x128xf32, #tpu.memory_space<hbm>>
      %dma_wait3A_86 = arith.constant 0 : i32
      %dma_wait3A_87 = tpu.memref_slice %arg13[%mul3A_0, %dma_wait3A_86] : memref<10112x128xf32, #tpu.memory_space<vmem_shared>> -> memref<632x128xf32, #tpu.memory_space<vmem_shared>>
      tpu.wait_dma2 semaphore(%run_scoped3A : memref<!tpu.dma_semaphore, #tpu.memory_space<semaphore_mem>>) src(%dma_wait3A_87 : memref<632x128xf32, #tpu.memory_space<vmem_shared>>) dst(%dma_wait3A_85 : memref<632x128xf32, #tpu.memory_space<hbm>>)
      tpu.yield
    }) : () -> ()
    return
  }
}

#map = affine_map<(d0, d1) -> (0, 0)>
#map1 = affine_map<(d0, d1) -> (0, 0, 0)>
module attributes {stable_mosaic.version = 14 : i64} {
  func.func @_sc_agg_body(%arg0: i32, %arg1: i32, %arg2: memref<20000x128xf32, #tpu.memory_space<hbm>>, %arg3: memref<2x1280x128xi32, #tpu.memory_space<hbm>>, %arg4: memref<1280x128xi32, #tpu.memory_space<hbm>>, %arg5: memref<128x128xf32, #tpu.memory_space<hbm>>, %arg6: memref<2x10112x128xf32, #tpu.memory_space<hbm>>, %arg7: memref<80x128xi32, #tpu.memory_space<vmem>>, %arg8: memref<16x128xi32, #tpu.memory_space<vmem>>, %arg9: memref<128x128xf32, #tpu.memory_space<vmem>>, %arg10: memref<128x128xf32, #tpu.memory_space<vmem>>, %arg11: memref<10112x128xf32, #tpu.memory_space<vmem_shared>>, %arg12: memref<!tpu.dma_semaphore, #tpu.memory_space<semaphore_mem>>, %arg13: memref<!tpu.dma_semaphore, #tpu.memory_space<semaphore_mem>>) attributes {dimension_semantics = [#tpu.dimension_semantics<core_parallel>, #tpu.dimension_semantics<subcore_parallel>], iteration_bounds = array<i64: 2, 16>, scalar_prefetch = 0 : i64, scratch_operands = 7 : i64, tpu.core_type = #tpu.core_type<sc_vector_subcore>, window_params = [{transform_indices = #map}, {transform_indices = #map1}, {transform_indices = #map}, {transform_indices = #map}, {transform_indices = #map1}]} {
    %mul3A = arith.constant 632 : i32
    %mul3A_0 = arith.muli %arg1, %mul3A : i32
    "tpu.region"() ({
      %run_scoped3A = tpu.sem_alloc : memref<!tpu.dma_semaphore, #tpu.memory_space<semaphore_mem>>
      tpu.enqueue_dma source(%arg5 : memref<128x128xf32, #tpu.memory_space<hbm>>) target(%arg9 : memref<128x128xf32, #tpu.memory_space<vmem>>) target_semaphore(%run_scoped3A : memref<!tpu.dma_semaphore, #tpu.memory_space<semaphore_mem>>)
      tpu.wait_dma2 semaphore(%run_scoped3A : memref<!tpu.dma_semaphore, #tpu.memory_space<semaphore_mem>>) src(%arg5 : memref<128x128xf32, #tpu.memory_space<hbm>>) dst(%arg9 : memref<128x128xf32, #tpu.memory_space<vmem>>)
      tpu.yield
    }) : () -> ()
    %add3A = arith.constant 0 : i32
    %add3A_1 = arith.addi %mul3A_0, %add3A : i32
    "tpu.region"() ({
      %run_scoped3A = tpu.sem_alloc : memref<!tpu.dma_semaphore, #tpu.memory_space<semaphore_mem>>
      %dma_start3A_34 = arith.constant 0 : i32
      %dma_start3A_35 = tpu.memref_slice %arg11[%add3A_1, %dma_start3A_34] : memref<10112x128xf32, #tpu.memory_space<vmem_shared>> -> memref<128x128xf32, #tpu.memory_space<vmem_shared>>
      %dma_start3A_36 = arith.constant 0 : i32
      %dma_start3A_37 = tpu.memref_slice %arg11[%add3A_1, %dma_start3A_36] : memref<10112x128xf32, #tpu.memory_space<vmem_shared>> -> memref<128x128xf32, #tpu.memory_space<vmem_shared>>
      tpu.enqueue_dma source(%arg9 : memref<128x128xf32, #tpu.memory_space<vmem>>) target(%dma_start3A_37 : memref<128x128xf32, #tpu.memory_space<vmem_shared>>) target_semaphore(%run_scoped3A : memref<!tpu.dma_semaphore, #tpu.memory_space<semaphore_mem>>)
      %dma_wait3A = arith.constant 0 : i32
      %dma_wait3A_38 = tpu.memref_slice %arg11[%add3A_1, %dma_wait3A] : memref<10112x128xf32, #tpu.memory_space<vmem_shared>> -> memref<128x128xf32, #tpu.memory_space<vmem_shared>>
      %dma_wait3A_39 = arith.constant 0 : i32
      %dma_wait3A_40 = tpu.memref_slice %arg11[%add3A_1, %dma_wait3A_39] : memref<10112x128xf32, #tpu.memory_space<vmem_shared>> -> memref<128x128xf32, #tpu.memory_space<vmem_shared>>
      tpu.wait_dma2 semaphore(%run_scoped3A : memref<!tpu.dma_semaphore, #tpu.memory_space<semaphore_mem>>) src(%arg9 : memref<128x128xf32, #tpu.memory_space<vmem>>) dst(%dma_wait3A_40 : memref<128x128xf32, #tpu.memory_space<vmem_shared>>)
      tpu.yield
    }) : () -> ()
    %add3A_2 = arith.constant 128 : i32
    %add3A_3 = arith.addi %mul3A_0, %add3A_2 : i32
    "tpu.region"() ({
      %run_scoped3A = tpu.sem_alloc : memref<!tpu.dma_semaphore, #tpu.memory_space<semaphore_mem>>
      %dma_start3A_34 = arith.constant 0 : i32
      %dma_start3A_35 = tpu.memref_slice %arg11[%add3A_3, %dma_start3A_34] : memref<10112x128xf32, #tpu.memory_space<vmem_shared>> -> memref<128x128xf32, #tpu.memory_space<vmem_shared>>
      %dma_start3A_36 = arith.constant 0 : i32
      %dma_start3A_37 = tpu.memref_slice %arg11[%add3A_3, %dma_start3A_36] : memref<10112x128xf32, #tpu.memory_space<vmem_shared>> -> memref<128x128xf32, #tpu.memory_space<vmem_shared>>
      tpu.enqueue_dma source(%arg9 : memref<128x128xf32, #tpu.memory_space<vmem>>) target(%dma_start3A_37 : memref<128x128xf32, #tpu.memory_space<vmem_shared>>) target_semaphore(%run_scoped3A : memref<!tpu.dma_semaphore, #tpu.memory_space<semaphore_mem>>)
      %dma_wait3A = arith.constant 0 : i32
      %dma_wait3A_38 = tpu.memref_slice %arg11[%add3A_3, %dma_wait3A] : memref<10112x128xf32, #tpu.memory_space<vmem_shared>> -> memref<128x128xf32, #tpu.memory_space<vmem_shared>>
      %dma_wait3A_39 = arith.constant 0 : i32
      %dma_wait3A_40 = tpu.memref_slice %arg11[%add3A_3, %dma_wait3A_39] : memref<10112x128xf32, #tpu.memory_space<vmem_shared>> -> memref<128x128xf32, #tpu.memory_space<vmem_shared>>
      tpu.wait_dma2 semaphore(%run_scoped3A : memref<!tpu.dma_semaphore, #tpu.memory_space<semaphore_mem>>) src(%arg9 : memref<128x128xf32, #tpu.memory_space<vmem>>) dst(%dma_wait3A_40 : memref<128x128xf32, #tpu.memory_space<vmem_shared>>)
      tpu.yield
    }) : () -> ()
    %add3A_4 = arith.constant 256 : i32
    %add3A_5 = arith.addi %mul3A_0, %add3A_4 : i32
    "tpu.region"() ({
      %run_scoped3A = tpu.sem_alloc : memref<!tpu.dma_semaphore, #tpu.memory_space<semaphore_mem>>
      %dma_start3A_34 = arith.constant 0 : i32
      %dma_start3A_35 = tpu.memref_slice %arg11[%add3A_5, %dma_start3A_34] : memref<10112x128xf32, #tpu.memory_space<vmem_shared>> -> memref<128x128xf32, #tpu.memory_space<vmem_shared>>
      %dma_start3A_36 = arith.constant 0 : i32
      %dma_start3A_37 = tpu.memref_slice %arg11[%add3A_5, %dma_start3A_36] : memref<10112x128xf32, #tpu.memory_space<vmem_shared>> -> memref<128x128xf32, #tpu.memory_space<vmem_shared>>
      tpu.enqueue_dma source(%arg9 : memref<128x128xf32, #tpu.memory_space<vmem>>) target(%dma_start3A_37 : memref<128x128xf32, #tpu.memory_space<vmem_shared>>) target_semaphore(%run_scoped3A : memref<!tpu.dma_semaphore, #tpu.memory_space<semaphore_mem>>)
      %dma_wait3A = arith.constant 0 : i32
      %dma_wait3A_38 = tpu.memref_slice %arg11[%add3A_5, %dma_wait3A] : memref<10112x128xf32, #tpu.memory_space<vmem_shared>> -> memref<128x128xf32, #tpu.memory_space<vmem_shared>>
      %dma_wait3A_39 = arith.constant 0 : i32
      %dma_wait3A_40 = tpu.memref_slice %arg11[%add3A_5, %dma_wait3A_39] : memref<10112x128xf32, #tpu.memory_space<vmem_shared>> -> memref<128x128xf32, #tpu.memory_space<vmem_shared>>
      tpu.wait_dma2 semaphore(%run_scoped3A : memref<!tpu.dma_semaphore, #tpu.memory_space<semaphore_mem>>) src(%arg9 : memref<128x128xf32, #tpu.memory_space<vmem>>) dst(%dma_wait3A_40 : memref<128x128xf32, #tpu.memory_space<vmem_shared>>)
      tpu.yield
    }) : () -> ()
    %add3A_6 = arith.constant 384 : i32
    %add3A_7 = arith.addi %mul3A_0, %add3A_6 : i32
    "tpu.region"() ({
      %run_scoped3A = tpu.sem_alloc : memref<!tpu.dma_semaphore, #tpu.memory_space<semaphore_mem>>
      %dma_start3A_34 = arith.constant 0 : i32
      %dma_start3A_35 = tpu.memref_slice %arg11[%add3A_7, %dma_start3A_34] : memref<10112x128xf32, #tpu.memory_space<vmem_shared>> -> memref<128x128xf32, #tpu.memory_space<vmem_shared>>
      %dma_start3A_36 = arith.constant 0 : i32
      %dma_start3A_37 = tpu.memref_slice %arg11[%add3A_7, %dma_start3A_36] : memref<10112x128xf32, #tpu.memory_space<vmem_shared>> -> memref<128x128xf32, #tpu.memory_space<vmem_shared>>
      tpu.enqueue_dma source(%arg9 : memref<128x128xf32, #tpu.memory_space<vmem>>) target(%dma_start3A_37 : memref<128x128xf32, #tpu.memory_space<vmem_shared>>) target_semaphore(%run_scoped3A : memref<!tpu.dma_semaphore, #tpu.memory_space<semaphore_mem>>)
      %dma_wait3A = arith.constant 0 : i32
      %dma_wait3A_38 = tpu.memref_slice %arg11[%add3A_7, %dma_wait3A] : memref<10112x128xf32, #tpu.memory_space<vmem_shared>> -> memref<128x128xf32, #tpu.memory_space<vmem_shared>>
      %dma_wait3A_39 = arith.constant 0 : i32
      %dma_wait3A_40 = tpu.memref_slice %arg11[%add3A_7, %dma_wait3A_39] : memref<10112x128xf32, #tpu.memory_space<vmem_shared>> -> memref<128x128xf32, #tpu.memory_space<vmem_shared>>
      tpu.wait_dma2 semaphore(%run_scoped3A : memref<!tpu.dma_semaphore, #tpu.memory_space<semaphore_mem>>) src(%arg9 : memref<128x128xf32, #tpu.memory_space<vmem>>) dst(%dma_wait3A_40 : memref<128x128xf32, #tpu.memory_space<vmem_shared>>)
      tpu.yield
    }) : () -> ()
    %add3A_8 = arith.constant 512 : i32
    %add3A_9 = arith.addi %mul3A_0, %add3A_8 : i32
    "tpu.region"() ({
      %run_scoped3A = tpu.sem_alloc : memref<!tpu.dma_semaphore, #tpu.memory_space<semaphore_mem>>
      %dma_start3A_34 = arith.constant 0 : i32
      %dma_start3A_35 = arith.constant 0 : i32
      %dma_start3A_36 = tpu.memref_slice %arg9[%dma_start3A_34, %dma_start3A_35] : memref<128x128xf32, #tpu.memory_space<vmem>> -> memref<120x128xf32, #tpu.memory_space<vmem>>
      %dma_start3A_37 = arith.constant 0 : i32
      %dma_start3A_38 = tpu.memref_slice %arg11[%add3A_9, %dma_start3A_37] : memref<10112x128xf32, #tpu.memory_space<vmem_shared>> -> memref<120x128xf32, #tpu.memory_space<vmem_shared>>
      %dma_start3A_39 = arith.constant 0 : i32
      %dma_start3A_40 = tpu.memref_slice %arg11[%add3A_9, %dma_start3A_39] : memref<10112x128xf32, #tpu.memory_space<vmem_shared>> -> memref<120x128xf32, #tpu.memory_space<vmem_shared>>
      %dma_start3A_41 = arith.constant 0 : i32
      %dma_start3A_42 = arith.constant 0 : i32
      %dma_start3A_43 = tpu.memref_slice %arg9[%dma_start3A_41, %dma_start3A_42] : memref<128x128xf32, #tpu.memory_space<vmem>> -> memref<120x128xf32, #tpu.memory_space<vmem>>
      tpu.enqueue_dma source(%dma_start3A_43 : memref<120x128xf32, #tpu.memory_space<vmem>>) target(%dma_start3A_40 : memref<120x128xf32, #tpu.memory_space<vmem_shared>>) target_semaphore(%run_scoped3A : memref<!tpu.dma_semaphore, #tpu.memory_space<semaphore_mem>>)
      %dma_wait3A = arith.constant 0 : i32
      %dma_wait3A_44 = arith.constant 0 : i32
      %dma_wait3A_45 = tpu.memref_slice %arg9[%dma_wait3A, %dma_wait3A_44] : memref<128x128xf32, #tpu.memory_space<vmem>> -> memref<120x128xf32, #tpu.memory_space<vmem>>
      %dma_wait3A_46 = arith.constant 0 : i32
      %dma_wait3A_47 = tpu.memref_slice %arg11[%add3A_9, %dma_wait3A_46] : memref<10112x128xf32, #tpu.memory_space<vmem_shared>> -> memref<120x128xf32, #tpu.memory_space<vmem_shared>>
      %dma_wait3A_48 = arith.constant 0 : i32
      %dma_wait3A_49 = tpu.memref_slice %arg11[%add3A_9, %dma_wait3A_48] : memref<10112x128xf32, #tpu.memory_space<vmem_shared>> -> memref<120x128xf32, #tpu.memory_space<vmem_shared>>
      %dma_wait3A_50 = arith.constant 0 : i32
      %dma_wait3A_51 = arith.constant 0 : i32
      %dma_wait3A_52 = tpu.memref_slice %arg9[%dma_wait3A_50, %dma_wait3A_51] : memref<128x128xf32, #tpu.memory_space<vmem>> -> memref<120x128xf32, #tpu.memory_space<vmem>>
      tpu.wait_dma2 semaphore(%run_scoped3A : memref<!tpu.dma_semaphore, #tpu.memory_space<semaphore_mem>>) src(%dma_wait3A_52 : memref<120x128xf32, #tpu.memory_space<vmem>>) dst(%dma_wait3A_49 : memref<120x128xf32, #tpu.memory_space<vmem_shared>>)
      tpu.yield
    }) : () -> ()
    %barrier3A = arith.constant 0 : index
    tpu.barrier barrier_id(%barrier3A)
    %mul3A_10 = arith.constant 1 : i32
    %mul3A_11 = arith.muli %arg0, %mul3A_10 : i32
    %add3A_12 = arith.constant 0 : i32
    %add3A_13 = arith.addi %mul3A_11, %add3A_12 : i32
    %mul3A_14 = arith.constant 80 : i32
    %mul3A_15 = arith.muli %arg1, %mul3A_14 : i32
    "tpu.region"() ({
      %run_scoped3A = tpu.sem_alloc : memref<!tpu.dma_semaphore, #tpu.memory_space<semaphore_mem>>
      %dma_start3A_34 = arith.constant 0 : i32
      %dma_start3A_35 = arith.constant 0 : i32
      %dma_start3A_36 = tpu.memref_slice %arg3[%add3A_13, %dma_start3A_34, %dma_start3A_35] : memref<2x1280x128xi32, #tpu.memory_space<hbm>> -> memref<1x1280x128xi32, #tpu.memory_space<hbm>>
      %dma_start3A_37 = tpu.memref_squeeze %dma_start3A_36 : memref<1x1280x128xi32, #tpu.memory_space<hbm>> -> memref<1280x128xi32, #tpu.memory_space<hbm>>
      %dma_start3A_38 = arith.constant 0 : i32
      %dma_start3A_39 = tpu.memref_slice %dma_start3A_37[%mul3A_15, %dma_start3A_38] : memref<1280x128xi32, #tpu.memory_space<hbm>> -> memref<80x128xi32, #tpu.memory_space<hbm>>
      %dma_start3A_40 = arith.constant 0 : i32
      %dma_start3A_41 = arith.constant 0 : i32
      %dma_start3A_42 = tpu.memref_slice %arg3[%add3A_13, %dma_start3A_40, %dma_start3A_41] : memref<2x1280x128xi32, #tpu.memory_space<hbm>> -> memref<1x1280x128xi32, #tpu.memory_space<hbm>>
      %dma_start3A_43 = tpu.memref_squeeze %dma_start3A_42 : memref<1x1280x128xi32, #tpu.memory_space<hbm>> -> memref<1280x128xi32, #tpu.memory_space<hbm>>
      %dma_start3A_44 = arith.constant 0 : i32
      %dma_start3A_45 = tpu.memref_slice %dma_start3A_43[%mul3A_15, %dma_start3A_44] : memref<1280x128xi32, #tpu.memory_space<hbm>> -> memref<80x128xi32, #tpu.memory_space<hbm>>
      tpu.enqueue_dma source(%dma_start3A_45 : memref<80x128xi32, #tpu.memory_space<hbm>>) target(%arg7 : memref<80x128xi32, #tpu.memory_space<vmem>>) target_semaphore(%run_scoped3A : memref<!tpu.dma_semaphore, #tpu.memory_space<semaphore_mem>>)
      %dma_wait3A = arith.constant 0 : i32
      %dma_wait3A_46 = arith.constant 0 : i32
      %dma_wait3A_47 = tpu.memref_slice %arg3[%add3A_13, %dma_wait3A, %dma_wait3A_46] : memref<2x1280x128xi32, #tpu.memory_space<hbm>> -> memref<1x1280x128xi32, #tpu.memory_space<hbm>>
      %dma_wait3A_48 = tpu.memref_squeeze %dma_wait3A_47 : memref<1x1280x128xi32, #tpu.memory_space<hbm>> -> memref<1280x128xi32, #tpu.memory_space<hbm>>
      %dma_wait3A_49 = arith.constant 0 : i32
      %dma_wait3A_50 = tpu.memref_slice %dma_wait3A_48[%mul3A_15, %dma_wait3A_49] : memref<1280x128xi32, #tpu.memory_space<hbm>> -> memref<80x128xi32, #tpu.memory_space<hbm>>
      %dma_wait3A_51 = arith.constant 0 : i32
      %dma_wait3A_52 = arith.constant 0 : i32
      %dma_wait3A_53 = tpu.memref_slice %arg3[%add3A_13, %dma_wait3A_51, %dma_wait3A_52] : memref<2x1280x128xi32, #tpu.memory_space<hbm>> -> memref<1x1280x128xi32, #tpu.memory_space<hbm>>
      %dma_wait3A_54 = tpu.memref_squeeze %dma_wait3A_53 : memref<1x1280x128xi32, #tpu.memory_space<hbm>> -> memref<1280x128xi32, #tpu.memory_space<hbm>>
      %dma_wait3A_55 = arith.constant 0 : i32
      %dma_wait3A_56 = tpu.memref_slice %dma_wait3A_54[%mul3A_15, %dma_wait3A_55] : memref<1280x128xi32, #tpu.memory_space<hbm>> -> memref<80x128xi32, #tpu.memory_space<hbm>>
      tpu.wait_dma2 semaphore(%run_scoped3A : memref<!tpu.dma_semaphore, #tpu.memory_space<semaphore_mem>>) src(%dma_wait3A_56 : memref<80x128xi32, #tpu.memory_space<hbm>>) dst(%arg7 : memref<80x128xi32, #tpu.memory_space<vmem>>)
      tpu.yield
    }) : () -> ()
    %dma_start3A = arith.constant 0 : i32
    %dma_start3A_16 = arith.constant 0 : i32
    %dma_start3A_17 = tpu.memref_slice %arg7[%dma_start3A, %dma_start3A_16] : memref<80x128xi32, #tpu.memory_space<vmem>> -> memref<1x128xi32, #tpu.memory_space<vmem>>
    %dma_start3A_18 = tpu.memref_squeeze %dma_start3A_17 : memref<1x128xi32, #tpu.memory_space<vmem>> -> memref<128xi32, #tpu.memory_space<vmem>>
    %dma_start3A_19 = arith.constant 0 : i32
    %dma_start3A_20 = arith.constant 0 : i32
    %dma_start3A_21 = tpu.memref_slice %arg2[%dma_start3A_19, %dma_start3A_20] : memref<20000x128xf32, #tpu.memory_space<hbm>> -> memref<20000x128xf32, #tpu.memory_space<hbm>>
    tpu.enqueue_indirect_dma source(%dma_start3A_21 : memref<20000x128xf32, #tpu.memory_space<hbm>>) target(%arg9 : memref<128x128xf32, #tpu.memory_space<vmem>>) offsets(%dma_start3A_18 : memref<128xi32, #tpu.memory_space<vmem>>) semaphore(%arg12 : memref<!tpu.dma_semaphore, #tpu.memory_space<semaphore_mem>>)
    %dma_start3A_22 = arith.constant 1 : i32
    %dma_start3A_23 = arith.constant 0 : i32
    %dma_start3A_24 = tpu.memref_slice %arg7[%dma_start3A_22, %dma_start3A_23] : memref<80x128xi32, #tpu.memory_space<vmem>> -> memref<1x128xi32, #tpu.memory_space<vmem>>
    %dma_start3A_25 = tpu.memref_squeeze %dma_start3A_24 : memref<1x128xi32, #tpu.memory_space<vmem>> -> memref<128xi32, #tpu.memory_space<vmem>>
    %dma_start3A_26 = arith.constant 0 : i32
    %dma_start3A_27 = arith.constant 0 : i32
    %dma_start3A_28 = tpu.memref_slice %arg2[%dma_start3A_26, %dma_start3A_27] : memref<20000x128xf32, #tpu.memory_space<hbm>> -> memref<20000x128xf32, #tpu.memory_space<hbm>>
    tpu.enqueue_indirect_dma source(%dma_start3A_28 : memref<20000x128xf32, #tpu.memory_space<hbm>>) target(%arg10 : memref<128x128xf32, #tpu.memory_space<vmem>>) offsets(%dma_start3A_25 : memref<128xi32, #tpu.memory_space<vmem>>) semaphore(%arg13 : memref<!tpu.dma_semaphore, #tpu.memory_space<semaphore_mem>>)
    %scan3A = arith.constant 0 : i32
    %scan3A_29 = arith.constant 5 : i32
    %scan3A_30 = arith.addi %scan3A, %scan3A_29 : i32
    %scan3A_31 = arith.constant 1 : i32
    scf.for %scan3A_34 = %scan3A to %scan3A_30 step %scan3A_31  : i32 {
      %mul3A_35 = arith.constant 1 : i32
      %mul3A_36 = arith.muli %scan3A_34, %mul3A_35 : i32
      %add3A_37 = arith.constant 0 : i32
      %add3A_38 = arith.addi %add3A_37, %mul3A_36 : i32
      %mul3A_39 = arith.constant 16 : i32
      %mul3A_40 = arith.muli %add3A_38, %mul3A_39 : i32
      %mul3A_41 = arith.constant 80 : i32
      %mul3A_42 = arith.muli %arg1, %mul3A_41 : i32
      %add3A_43 = arith.addi %mul3A_42, %mul3A_40 : i32
      "tpu.region"() ({
        %run_scoped3A = tpu.sem_alloc : memref<!tpu.dma_semaphore, #tpu.memory_space<semaphore_mem>>
        %dma_start3A_49 = arith.constant 0 : i32
        %dma_start3A_50 = tpu.memref_slice %arg4[%add3A_43, %dma_start3A_49] : memref<1280x128xi32, #tpu.memory_space<hbm>> -> memref<16x128xi32, #tpu.memory_space<hbm>>
        %dma_start3A_51 = arith.constant 0 : i32
        %dma_start3A_52 = tpu.memref_slice %arg4[%add3A_43, %dma_start3A_51] : memref<1280x128xi32, #tpu.memory_space<hbm>> -> memref<16x128xi32, #tpu.memory_space<hbm>>
        tpu.enqueue_dma source(%dma_start3A_52 : memref<16x128xi32, #tpu.memory_space<hbm>>) target(%arg8 : memref<16x128xi32, #tpu.memory_space<vmem>>) target_semaphore(%run_scoped3A : memref<!tpu.dma_semaphore, #tpu.memory_space<semaphore_mem>>)
        %dma_wait3A = arith.constant 0 : i32
        %dma_wait3A_53 = tpu.memref_slice %arg4[%add3A_43, %dma_wait3A] : memref<1280x128xi32, #tpu.memory_space<hbm>> -> memref<16x128xi32, #tpu.memory_space<hbm>>
        %dma_wait3A_54 = arith.constant 0 : i32
        %dma_wait3A_55 = tpu.memref_slice %arg4[%add3A_43, %dma_wait3A_54] : memref<1280x128xi32, #tpu.memory_space<hbm>> -> memref<16x128xi32, #tpu.memory_space<hbm>>
        tpu.wait_dma2 semaphore(%run_scoped3A : memref<!tpu.dma_semaphore, #tpu.memory_space<semaphore_mem>>) src(%dma_wait3A_55 : memref<16x128xi32, #tpu.memory_space<hbm>>) dst(%arg8 : memref<16x128xi32, #tpu.memory_space<vmem>>)
        tpu.yield
      }) : () -> ()
      %scan3A_44 = arith.constant 0 : i32
      %scan3A_45 = arith.constant 8 : i32
      %scan3A_46 = arith.addi %scan3A_44, %scan3A_45 : i32
      %scan3A_47 = arith.constant 1 : i32
      scf.for %scan3A_49 = %scan3A_44 to %scan3A_46 step %scan3A_47  : i32 {
        %mul3A_50 = arith.constant 2 : i32
        %mul3A_51 = arith.muli %scan3A_49, %mul3A_50 : i32
        %add3A_52 = arith.constant 0 : i32
        %add3A_53 = arith.addi %add3A_52, %mul3A_51 : i32
        %add3A_54 = arith.addi %mul3A_40, %add3A_53 : i32
        %dma_wait3A = arith.constant 0 : i32
        %dma_wait3A_55 = arith.constant 0 : i32
        %dma_wait3A_56 = tpu.memref_slice %arg2[%dma_wait3A, %dma_wait3A_55] : memref<20000x128xf32, #tpu.memory_space<hbm>> -> memref<128x128xf32, #tpu.memory_space<hbm>>
        %dma_wait3A_57 = arith.constant 0 : i32
        %dma_wait3A_58 = arith.constant 0 : i32
        %dma_wait3A_59 = tpu.memref_slice %arg2[%dma_wait3A_57, %dma_wait3A_58] : memref<20000x128xf32, #tpu.memory_space<hbm>> -> memref<128x128xf32, #tpu.memory_space<hbm>>
        tpu.wait_dma2 semaphore(%arg12 : memref<!tpu.dma_semaphore, #tpu.memory_space<semaphore_mem>>) src(%dma_wait3A_59 : memref<128x128xf32, #tpu.memory_space<hbm>>) dst(%arg9 : memref<128x128xf32, #tpu.memory_space<vmem>>)
        "tpu.region"() ({
          %run_scoped3A = tpu.sem_alloc : memref<!tpu.dma_semaphore, #tpu.memory_space<semaphore_mem>>
          %dma_start3A_79 = arith.constant 0 : i32
          %dma_start3A_80 = tpu.memref_slice %arg8[%add3A_53, %dma_start3A_79] : memref<16x128xi32, #tpu.memory_space<vmem>> -> memref<1x128xi32, #tpu.memory_space<vmem>>
          %dma_start3A_81 = tpu.memref_squeeze %dma_start3A_80 : memref<1x128xi32, #tpu.memory_space<vmem>> -> memref<128xi32, #tpu.memory_space<vmem>>
          %dma_start3A_82 = arith.constant 0 : i32
          %dma_start3A_83 = arith.constant 0 : i32
          %dma_start3A_84 = tpu.memref_slice %arg11[%dma_start3A_82, %dma_start3A_83] : memref<10112x128xf32, #tpu.memory_space<vmem_shared>> -> memref<10112x128xf32, #tpu.memory_space<vmem_shared>>
          tpu.enqueue_indirect_dma source(%arg9 : memref<128x128xf32, #tpu.memory_space<vmem>>) target(%dma_start3A_84 : memref<10112x128xf32, #tpu.memory_space<vmem_shared>>) offsets(%dma_start3A_81 : memref<128xi32, #tpu.memory_space<vmem>>) semaphore(%run_scoped3A : memref<!tpu.dma_semaphore, #tpu.memory_space<semaphore_mem>>) {add = true}
          %dma_wait3A_85 = arith.constant 0 : i32
          %dma_wait3A_86 = tpu.memref_slice %arg8[%add3A_53, %dma_wait3A_85] : memref<16x128xi32, #tpu.memory_space<vmem>> -> memref<1x128xi32, #tpu.memory_space<vmem>>
          %dma_wait3A_87 = tpu.memref_squeeze %dma_wait3A_86 : memref<1x128xi32, #tpu.memory_space<vmem>> -> memref<128xi32, #tpu.memory_space<vmem>>
          %dma_wait3A_88 = arith.constant 0 : i32
          %dma_wait3A_89 = arith.constant 0 : i32
          %dma_wait3A_90 = tpu.memref_slice %arg11[%dma_wait3A_88, %dma_wait3A_89] : memref<10112x128xf32, #tpu.memory_space<vmem_shared>> -> memref<10112x128xf32, #tpu.memory_space<vmem_shared>>
          tpu.wait_indirect_dma semaphore(%run_scoped3A : memref<!tpu.dma_semaphore, #tpu.memory_space<semaphore_mem>>) src(%arg9 : memref<128x128xf32, #tpu.memory_space<vmem>>) dst(%dma_wait3A_90 : memref<10112x128xf32, #tpu.memory_space<vmem_shared>>)
          tpu.yield
        }) : () -> ()
        %add3A_60 = arith.constant 2 : i32
        %add3A_61 = arith.addi %add3A_54, %add3A_60 : i32
        %lt3A = arith.constant 80 : i32
        %lt3A_62 = arith.cmpi slt, %add3A_61, %lt3A : i32
        %convert_element_type3A = arith.extui %lt3A_62 : i1 to i32
        %cond3A = arith.constant 0 : i32
        %cond3A_63 = arith.cmpi ne, %convert_element_type3A, %cond3A : i32
        scf.if %cond3A_63 {
          %add3A_79 = arith.constant 2 : i32
          %add3A_80 = arith.addi %add3A_54, %add3A_79 : i32
          %dma_start3A_81 = arith.constant 0 : i32
          %dma_start3A_82 = tpu.memref_slice %arg7[%add3A_80, %dma_start3A_81] : memref<80x128xi32, #tpu.memory_space<vmem>> -> memref<1x128xi32, #tpu.memory_space<vmem>>
          %dma_start3A_83 = tpu.memref_squeeze %dma_start3A_82 : memref<1x128xi32, #tpu.memory_space<vmem>> -> memref<128xi32, #tpu.memory_space<vmem>>
          %dma_start3A_84 = arith.constant 0 : i32
          %dma_start3A_85 = arith.constant 0 : i32
          %dma_start3A_86 = tpu.memref_slice %arg2[%dma_start3A_84, %dma_start3A_85] : memref<20000x128xf32, #tpu.memory_space<hbm>> -> memref<20000x128xf32, #tpu.memory_space<hbm>>
          tpu.enqueue_indirect_dma source(%dma_start3A_86 : memref<20000x128xf32, #tpu.memory_space<hbm>>) target(%arg9 : memref<128x128xf32, #tpu.memory_space<vmem>>) offsets(%dma_start3A_83 : memref<128xi32, #tpu.memory_space<vmem>>) semaphore(%arg12 : memref<!tpu.dma_semaphore, #tpu.memory_space<semaphore_mem>>)
        } else {
        }
        %dma_wait3A_64 = arith.constant 0 : i32
        %dma_wait3A_65 = arith.constant 0 : i32
        %dma_wait3A_66 = tpu.memref_slice %arg2[%dma_wait3A_64, %dma_wait3A_65] : memref<20000x128xf32, #tpu.memory_space<hbm>> -> memref<128x128xf32, #tpu.memory_space<hbm>>
        %dma_wait3A_67 = arith.constant 0 : i32
        %dma_wait3A_68 = arith.constant 0 : i32
        %dma_wait3A_69 = tpu.memref_slice %arg2[%dma_wait3A_67, %dma_wait3A_68] : memref<20000x128xf32, #tpu.memory_space<hbm>> -> memref<128x128xf32, #tpu.memory_space<hbm>>
        tpu.wait_dma2 semaphore(%arg13 : memref<!tpu.dma_semaphore, #tpu.memory_space<semaphore_mem>>) src(%dma_wait3A_69 : memref<128x128xf32, #tpu.memory_space<hbm>>) dst(%arg10 : memref<128x128xf32, #tpu.memory_space<vmem>>)
        %add3A_70 = arith.constant 1 : i32
        %add3A_71 = arith.addi %add3A_53, %add3A_70 : i32
        "tpu.region"() ({
          %run_scoped3A = tpu.sem_alloc : memref<!tpu.dma_semaphore, #tpu.memory_space<semaphore_mem>>
          %dma_start3A_79 = arith.constant 0 : i32
          %dma_start3A_80 = tpu.memref_slice %arg8[%add3A_71, %dma_start3A_79] : memref<16x128xi32, #tpu.memory_space<vmem>> -> memref<1x128xi32, #tpu.memory_space<vmem>>
          %dma_start3A_81 = tpu.memref_squeeze %dma_start3A_80 : memref<1x128xi32, #tpu.memory_space<vmem>> -> memref<128xi32, #tpu.memory_space<vmem>>
          %dma_start3A_82 = arith.constant 0 : i32
          %dma_start3A_83 = arith.constant 0 : i32
          %dma_start3A_84 = tpu.memref_slice %arg11[%dma_start3A_82, %dma_start3A_83] : memref<10112x128xf32, #tpu.memory_space<vmem_shared>> -> memref<10112x128xf32, #tpu.memory_space<vmem_shared>>
          tpu.enqueue_indirect_dma source(%arg10 : memref<128x128xf32, #tpu.memory_space<vmem>>) target(%dma_start3A_84 : memref<10112x128xf32, #tpu.memory_space<vmem_shared>>) offsets(%dma_start3A_81 : memref<128xi32, #tpu.memory_space<vmem>>) semaphore(%run_scoped3A : memref<!tpu.dma_semaphore, #tpu.memory_space<semaphore_mem>>) {add = true}
          %dma_wait3A_85 = arith.constant 0 : i32
          %dma_wait3A_86 = tpu.memref_slice %arg8[%add3A_71, %dma_wait3A_85] : memref<16x128xi32, #tpu.memory_space<vmem>> -> memref<1x128xi32, #tpu.memory_space<vmem>>
          %dma_wait3A_87 = tpu.memref_squeeze %dma_wait3A_86 : memref<1x128xi32, #tpu.memory_space<vmem>> -> memref<128xi32, #tpu.memory_space<vmem>>
          %dma_wait3A_88 = arith.constant 0 : i32
          %dma_wait3A_89 = arith.constant 0 : i32
          %dma_wait3A_90 = tpu.memref_slice %arg11[%dma_wait3A_88, %dma_wait3A_89] : memref<10112x128xf32, #tpu.memory_space<vmem_shared>> -> memref<10112x128xf32, #tpu.memory_space<vmem_shared>>
          tpu.wait_indirect_dma semaphore(%run_scoped3A : memref<!tpu.dma_semaphore, #tpu.memory_space<semaphore_mem>>) src(%arg10 : memref<128x128xf32, #tpu.memory_space<vmem>>) dst(%dma_wait3A_90 : memref<10112x128xf32, #tpu.memory_space<vmem_shared>>)
          tpu.yield
        }) : () -> ()
        %add3A_72 = arith.constant 3 : i32
        %add3A_73 = arith.addi %add3A_54, %add3A_72 : i32
        %lt3A_74 = arith.constant 80 : i32
        %lt3A_75 = arith.cmpi slt, %add3A_73, %lt3A_74 : i32
        %convert_element_type3A_76 = arith.extui %lt3A_75 : i1 to i32
        %cond3A_77 = arith.constant 0 : i32
        %cond3A_78 = arith.cmpi ne, %convert_element_type3A_76, %cond3A_77 : i32
        scf.if %cond3A_78 {
          %add3A_79 = arith.constant 3 : i32
          %add3A_80 = arith.addi %add3A_54, %add3A_79 : i32
          %dma_start3A_81 = arith.constant 0 : i32
          %dma_start3A_82 = tpu.memref_slice %arg7[%add3A_80, %dma_start3A_81] : memref<80x128xi32, #tpu.memory_space<vmem>> -> memref<1x128xi32, #tpu.memory_space<vmem>>
          %dma_start3A_83 = tpu.memref_squeeze %dma_start3A_82 : memref<1x128xi32, #tpu.memory_space<vmem>> -> memref<128xi32, #tpu.memory_space<vmem>>
          %dma_start3A_84 = arith.constant 0 : i32
          %dma_start3A_85 = arith.constant 0 : i32
          %dma_start3A_86 = tpu.memref_slice %arg2[%dma_start3A_84, %dma_start3A_85] : memref<20000x128xf32, #tpu.memory_space<hbm>> -> memref<20000x128xf32, #tpu.memory_space<hbm>>
          tpu.enqueue_indirect_dma source(%dma_start3A_86 : memref<20000x128xf32, #tpu.memory_space<hbm>>) target(%arg10 : memref<128x128xf32, #tpu.memory_space<vmem>>) offsets(%dma_start3A_83 : memref<128xi32, #tpu.memory_space<vmem>>) semaphore(%arg13 : memref<!tpu.dma_semaphore, #tpu.memory_space<semaphore_mem>>)
        } else {
        }
      }
      %scan3A_48 = arith.constant 8 : i32
    }
    %scan3A_32 = arith.constant 5 : i32
    %barrier3A_33 = arith.constant 0 : index
    tpu.barrier barrier_id(%barrier3A_33)
    "tpu.region"() ({
      %run_scoped3A = tpu.sem_alloc : memref<!tpu.dma_semaphore, #tpu.memory_space<semaphore_mem>>
      %dma_start3A_34 = arith.constant 0 : i32
      %dma_start3A_35 = arith.constant 0 : i32
      %dma_start3A_36 = tpu.memref_slice %arg6[%add3A_13, %dma_start3A_34, %dma_start3A_35] : memref<2x10112x128xf32, #tpu.memory_space<hbm>> -> memref<1x10112x128xf32, #tpu.memory_space<hbm>>
      %dma_start3A_37 = tpu.memref_squeeze %dma_start3A_36 : memref<1x10112x128xf32, #tpu.memory_space<hbm>> -> memref<10112x128xf32, #tpu.memory_space<hbm>>
      %dma_start3A_38 = arith.constant 0 : i32
      %dma_start3A_39 = tpu.memref_slice %dma_start3A_37[%mul3A_0, %dma_start3A_38] : memref<10112x128xf32, #tpu.memory_space<hbm>> -> memref<632x128xf32, #tpu.memory_space<hbm>>
      %dma_start3A_40 = arith.constant 0 : i32
      %dma_start3A_41 = tpu.memref_slice %arg11[%mul3A_0, %dma_start3A_40] : memref<10112x128xf32, #tpu.memory_space<vmem_shared>> -> memref<632x128xf32, #tpu.memory_space<vmem_shared>>
      tpu.enqueue_dma source(%dma_start3A_41 : memref<632x128xf32, #tpu.memory_space<vmem_shared>>) target(%dma_start3A_39 : memref<632x128xf32, #tpu.memory_space<hbm>>) target_semaphore(%run_scoped3A : memref<!tpu.dma_semaphore, #tpu.memory_space<semaphore_mem>>)
      %dma_wait3A = arith.constant 0 : i32
      %dma_wait3A_42 = arith.constant 0 : i32
      %dma_wait3A_43 = tpu.memref_slice %arg6[%add3A_13, %dma_wait3A, %dma_wait3A_42] : memref<2x10112x128xf32, #tpu.memory_space<hbm>> -> memref<1x10112x128xf32, #tpu.memory_space<hbm>>
      %dma_wait3A_44 = tpu.memref_squeeze %dma_wait3A_43 : memref<1x10112x128xf32, #tpu.memory_space<hbm>> -> memref<10112x128xf32, #tpu.memory_space<hbm>>
      %dma_wait3A_45 = arith.constant 0 : i32
      %dma_wait3A_46 = tpu.memref_slice %dma_wait3A_44[%mul3A_0, %dma_wait3A_45] : memref<10112x128xf32, #tpu.memory_space<hbm>> -> memref<632x128xf32, #tpu.memory_space<hbm>>
      %dma_wait3A_47 = arith.constant 0 : i32
      %dma_wait3A_48 = tpu.memref_slice %arg11[%mul3A_0, %dma_wait3A_47] : memref<10112x128xf32, #tpu.memory_space<vmem_shared>> -> memref<632x128xf32, #tpu.memory_space<vmem_shared>>
      tpu.wait_dma2 semaphore(%run_scoped3A : memref<!tpu.dma_semaphore, #tpu.memory_space<semaphore_mem>>) src(%dma_wait3A_48 : memref<632x128xf32, #tpu.memory_space<vmem_shared>>) dst(%dma_wait3A_46 : memref<632x128xf32, #tpu.memory_space<hbm>>)
      tpu.yield
    }) : () -> ()
    return
  }
}

#map = affine_map<(d0, d1) -> (0, 0)>
#map1 = affine_map<(d0, d1) -> (0, 0, 0)>
module attributes {stable_mosaic.version = 14 : i64} {
  func.func @_sc_agg_body(%arg0: i32, %arg1: i32, %arg2: memref<40000x128xf32, #tpu.memory_space<hbm>>, %arg3: memref<4x1280x128xi32, #tpu.memory_space<hbm>>, %arg4: memref<1280x128xi32, #tpu.memory_space<hbm>>, %arg5: memref<128x128xf32, #tpu.memory_space<hbm>>, %arg6: memref<4x10112x128xf32, #tpu.memory_space<hbm>>, %arg7: memref<80x128xi32, #tpu.memory_space<vmem>>, %arg8: memref<16x128xi32, #tpu.memory_space<vmem>>, %arg9: memref<128x128xf32, #tpu.memory_space<vmem>>, %arg10: memref<128x128xf32, #tpu.memory_space<vmem>>, %arg11: memref<10112x128xf32, #tpu.memory_space<vmem_shared>>, %arg12: memref<!tpu.dma_semaphore, #tpu.memory_space<semaphore_mem>>, %arg13: memref<!tpu.dma_semaphore, #tpu.memory_space<semaphore_mem>>) attributes {dimension_semantics = [#tpu.dimension_semantics<core_parallel>, #tpu.dimension_semantics<subcore_parallel>], iteration_bounds = array<i64: 2, 16>, scalar_prefetch = 0 : i64, scratch_operands = 7 : i64, tpu.core_type = #tpu.core_type<sc_vector_subcore>, window_params = [{transform_indices = #map}, {transform_indices = #map1}, {transform_indices = #map}, {transform_indices = #map}, {transform_indices = #map1}]} {
    %mul3A = arith.constant 632 : i32
    %mul3A_0 = arith.muli %arg1, %mul3A : i32
    "tpu.region"() ({
      %run_scoped3A = tpu.sem_alloc : memref<!tpu.dma_semaphore, #tpu.memory_space<semaphore_mem>>
      tpu.enqueue_dma source(%arg5 : memref<128x128xf32, #tpu.memory_space<hbm>>) target(%arg9 : memref<128x128xf32, #tpu.memory_space<vmem>>) target_semaphore(%run_scoped3A : memref<!tpu.dma_semaphore, #tpu.memory_space<semaphore_mem>>)
      tpu.wait_dma2 semaphore(%run_scoped3A : memref<!tpu.dma_semaphore, #tpu.memory_space<semaphore_mem>>) src(%arg5 : memref<128x128xf32, #tpu.memory_space<hbm>>) dst(%arg9 : memref<128x128xf32, #tpu.memory_space<vmem>>)
      tpu.yield
    }) : () -> ()
    %add3A = arith.constant 0 : i32
    %add3A_1 = arith.addi %mul3A_0, %add3A : i32
    "tpu.region"() ({
      %run_scoped3A = tpu.sem_alloc : memref<!tpu.dma_semaphore, #tpu.memory_space<semaphore_mem>>
      %dma_start3A_72 = arith.constant 0 : i32
      %dma_start3A_73 = tpu.memref_slice %arg11[%add3A_1, %dma_start3A_72] : memref<10112x128xf32, #tpu.memory_space<vmem_shared>> -> memref<128x128xf32, #tpu.memory_space<vmem_shared>>
      %dma_start3A_74 = arith.constant 0 : i32
      %dma_start3A_75 = tpu.memref_slice %arg11[%add3A_1, %dma_start3A_74] : memref<10112x128xf32, #tpu.memory_space<vmem_shared>> -> memref<128x128xf32, #tpu.memory_space<vmem_shared>>
      tpu.enqueue_dma source(%arg9 : memref<128x128xf32, #tpu.memory_space<vmem>>) target(%dma_start3A_75 : memref<128x128xf32, #tpu.memory_space<vmem_shared>>) target_semaphore(%run_scoped3A : memref<!tpu.dma_semaphore, #tpu.memory_space<semaphore_mem>>)
      %dma_wait3A = arith.constant 0 : i32
      %dma_wait3A_76 = tpu.memref_slice %arg11[%add3A_1, %dma_wait3A] : memref<10112x128xf32, #tpu.memory_space<vmem_shared>> -> memref<128x128xf32, #tpu.memory_space<vmem_shared>>
      %dma_wait3A_77 = arith.constant 0 : i32
      %dma_wait3A_78 = tpu.memref_slice %arg11[%add3A_1, %dma_wait3A_77] : memref<10112x128xf32, #tpu.memory_space<vmem_shared>> -> memref<128x128xf32, #tpu.memory_space<vmem_shared>>
      tpu.wait_dma2 semaphore(%run_scoped3A : memref<!tpu.dma_semaphore, #tpu.memory_space<semaphore_mem>>) src(%arg9 : memref<128x128xf32, #tpu.memory_space<vmem>>) dst(%dma_wait3A_78 : memref<128x128xf32, #tpu.memory_space<vmem_shared>>)
      tpu.yield
    }) : () -> ()
    %add3A_2 = arith.constant 128 : i32
    %add3A_3 = arith.addi %mul3A_0, %add3A_2 : i32
    "tpu.region"() ({
      %run_scoped3A = tpu.sem_alloc : memref<!tpu.dma_semaphore, #tpu.memory_space<semaphore_mem>>
      %dma_start3A_72 = arith.constant 0 : i32
      %dma_start3A_73 = tpu.memref_slice %arg11[%add3A_3, %dma_start3A_72] : memref<10112x128xf32, #tpu.memory_space<vmem_shared>> -> memref<128x128xf32, #tpu.memory_space<vmem_shared>>
      %dma_start3A_74 = arith.constant 0 : i32
      %dma_start3A_75 = tpu.memref_slice %arg11[%add3A_3, %dma_start3A_74] : memref<10112x128xf32, #tpu.memory_space<vmem_shared>> -> memref<128x128xf32, #tpu.memory_space<vmem_shared>>
      tpu.enqueue_dma source(%arg9 : memref<128x128xf32, #tpu.memory_space<vmem>>) target(%dma_start3A_75 : memref<128x128xf32, #tpu.memory_space<vmem_shared>>) target_semaphore(%run_scoped3A : memref<!tpu.dma_semaphore, #tpu.memory_space<semaphore_mem>>)
      %dma_wait3A = arith.constant 0 : i32
      %dma_wait3A_76 = tpu.memref_slice %arg11[%add3A_3, %dma_wait3A] : memref<10112x128xf32, #tpu.memory_space<vmem_shared>> -> memref<128x128xf32, #tpu.memory_space<vmem_shared>>
      %dma_wait3A_77 = arith.constant 0 : i32
      %dma_wait3A_78 = tpu.memref_slice %arg11[%add3A_3, %dma_wait3A_77] : memref<10112x128xf32, #tpu.memory_space<vmem_shared>> -> memref<128x128xf32, #tpu.memory_space<vmem_shared>>
      tpu.wait_dma2 semaphore(%run_scoped3A : memref<!tpu.dma_semaphore, #tpu.memory_space<semaphore_mem>>) src(%arg9 : memref<128x128xf32, #tpu.memory_space<vmem>>) dst(%dma_wait3A_78 : memref<128x128xf32, #tpu.memory_space<vmem_shared>>)
      tpu.yield
    }) : () -> ()
    %add3A_4 = arith.constant 256 : i32
    %add3A_5 = arith.addi %mul3A_0, %add3A_4 : i32
    "tpu.region"() ({
      %run_scoped3A = tpu.sem_alloc : memref<!tpu.dma_semaphore, #tpu.memory_space<semaphore_mem>>
      %dma_start3A_72 = arith.constant 0 : i32
      %dma_start3A_73 = tpu.memref_slice %arg11[%add3A_5, %dma_start3A_72] : memref<10112x128xf32, #tpu.memory_space<vmem_shared>> -> memref<128x128xf32, #tpu.memory_space<vmem_shared>>
      %dma_start3A_74 = arith.constant 0 : i32
      %dma_start3A_75 = tpu.memref_slice %arg11[%add3A_5, %dma_start3A_74] : memref<10112x128xf32, #tpu.memory_space<vmem_shared>> -> memref<128x128xf32, #tpu.memory_space<vmem_shared>>
      tpu.enqueue_dma source(%arg9 : memref<128x128xf32, #tpu.memory_space<vmem>>) target(%dma_start3A_75 : memref<128x128xf32, #tpu.memory_space<vmem_shared>>) target_semaphore(%run_scoped3A : memref<!tpu.dma_semaphore, #tpu.memory_space<semaphore_mem>>)
      %dma_wait3A = arith.constant 0 : i32
      %dma_wait3A_76 = tpu.memref_slice %arg11[%add3A_5, %dma_wait3A] : memref<10112x128xf32, #tpu.memory_space<vmem_shared>> -> memref<128x128xf32, #tpu.memory_space<vmem_shared>>
      %dma_wait3A_77 = arith.constant 0 : i32
      %dma_wait3A_78 = tpu.memref_slice %arg11[%add3A_5, %dma_wait3A_77] : memref<10112x128xf32, #tpu.memory_space<vmem_shared>> -> memref<128x128xf32, #tpu.memory_space<vmem_shared>>
      tpu.wait_dma2 semaphore(%run_scoped3A : memref<!tpu.dma_semaphore, #tpu.memory_space<semaphore_mem>>) src(%arg9 : memref<128x128xf32, #tpu.memory_space<vmem>>) dst(%dma_wait3A_78 : memref<128x128xf32, #tpu.memory_space<vmem_shared>>)
      tpu.yield
    }) : () -> ()
    %add3A_6 = arith.constant 384 : i32
    %add3A_7 = arith.addi %mul3A_0, %add3A_6 : i32
    "tpu.region"() ({
      %run_scoped3A = tpu.sem_alloc : memref<!tpu.dma_semaphore, #tpu.memory_space<semaphore_mem>>
      %dma_start3A_72 = arith.constant 0 : i32
      %dma_start3A_73 = tpu.memref_slice %arg11[%add3A_7, %dma_start3A_72] : memref<10112x128xf32, #tpu.memory_space<vmem_shared>> -> memref<128x128xf32, #tpu.memory_space<vmem_shared>>
      %dma_start3A_74 = arith.constant 0 : i32
      %dma_start3A_75 = tpu.memref_slice %arg11[%add3A_7, %dma_start3A_74] : memref<10112x128xf32, #tpu.memory_space<vmem_shared>> -> memref<128x128xf32, #tpu.memory_space<vmem_shared>>
      tpu.enqueue_dma source(%arg9 : memref<128x128xf32, #tpu.memory_space<vmem>>) target(%dma_start3A_75 : memref<128x128xf32, #tpu.memory_space<vmem_shared>>) target_semaphore(%run_scoped3A : memref<!tpu.dma_semaphore, #tpu.memory_space<semaphore_mem>>)
      %dma_wait3A = arith.constant 0 : i32
      %dma_wait3A_76 = tpu.memref_slice %arg11[%add3A_7, %dma_wait3A] : memref<10112x128xf32, #tpu.memory_space<vmem_shared>> -> memref<128x128xf32, #tpu.memory_space<vmem_shared>>
      %dma_wait3A_77 = arith.constant 0 : i32
      %dma_wait3A_78 = tpu.memref_slice %arg11[%add3A_7, %dma_wait3A_77] : memref<10112x128xf32, #tpu.memory_space<vmem_shared>> -> memref<128x128xf32, #tpu.memory_space<vmem_shared>>
      tpu.wait_dma2 semaphore(%run_scoped3A : memref<!tpu.dma_semaphore, #tpu.memory_space<semaphore_mem>>) src(%arg9 : memref<128x128xf32, #tpu.memory_space<vmem>>) dst(%dma_wait3A_78 : memref<128x128xf32, #tpu.memory_space<vmem_shared>>)
      tpu.yield
    }) : () -> ()
    %add3A_8 = arith.constant 512 : i32
    %add3A_9 = arith.addi %mul3A_0, %add3A_8 : i32
    "tpu.region"() ({
      %run_scoped3A = tpu.sem_alloc : memref<!tpu.dma_semaphore, #tpu.memory_space<semaphore_mem>>
      %dma_start3A_72 = arith.constant 0 : i32
      %dma_start3A_73 = arith.constant 0 : i32
      %dma_start3A_74 = tpu.memref_slice %arg9[%dma_start3A_72, %dma_start3A_73] : memref<128x128xf32, #tpu.memory_space<vmem>> -> memref<120x128xf32, #tpu.memory_space<vmem>>
      %dma_start3A_75 = arith.constant 0 : i32
      %dma_start3A_76 = tpu.memref_slice %arg11[%add3A_9, %dma_start3A_75] : memref<10112x128xf32, #tpu.memory_space<vmem_shared>> -> memref<120x128xf32, #tpu.memory_space<vmem_shared>>
      %dma_start3A_77 = arith.constant 0 : i32
      %dma_start3A_78 = tpu.memref_slice %arg11[%add3A_9, %dma_start3A_77] : memref<10112x128xf32, #tpu.memory_space<vmem_shared>> -> memref<120x128xf32, #tpu.memory_space<vmem_shared>>
      %dma_start3A_79 = arith.constant 0 : i32
      %dma_start3A_80 = arith.constant 0 : i32
      %dma_start3A_81 = tpu.memref_slice %arg9[%dma_start3A_79, %dma_start3A_80] : memref<128x128xf32, #tpu.memory_space<vmem>> -> memref<120x128xf32, #tpu.memory_space<vmem>>
      tpu.enqueue_dma source(%dma_start3A_81 : memref<120x128xf32, #tpu.memory_space<vmem>>) target(%dma_start3A_78 : memref<120x128xf32, #tpu.memory_space<vmem_shared>>) target_semaphore(%run_scoped3A : memref<!tpu.dma_semaphore, #tpu.memory_space<semaphore_mem>>)
      %dma_wait3A = arith.constant 0 : i32
      %dma_wait3A_82 = arith.constant 0 : i32
      %dma_wait3A_83 = tpu.memref_slice %arg9[%dma_wait3A, %dma_wait3A_82] : memref<128x128xf32, #tpu.memory_space<vmem>> -> memref<120x128xf32, #tpu.memory_space<vmem>>
      %dma_wait3A_84 = arith.constant 0 : i32
      %dma_wait3A_85 = tpu.memref_slice %arg11[%add3A_9, %dma_wait3A_84] : memref<10112x128xf32, #tpu.memory_space<vmem_shared>> -> memref<120x128xf32, #tpu.memory_space<vmem_shared>>
      %dma_wait3A_86 = arith.constant 0 : i32
      %dma_wait3A_87 = tpu.memref_slice %arg11[%add3A_9, %dma_wait3A_86] : memref<10112x128xf32, #tpu.memory_space<vmem_shared>> -> memref<120x128xf32, #tpu.memory_space<vmem_shared>>
      %dma_wait3A_88 = arith.constant 0 : i32
      %dma_wait3A_89 = arith.constant 0 : i32
      %dma_wait3A_90 = tpu.memref_slice %arg9[%dma_wait3A_88, %dma_wait3A_89] : memref<128x128xf32, #tpu.memory_space<vmem>> -> memref<120x128xf32, #tpu.memory_space<vmem>>
      tpu.wait_dma2 semaphore(%run_scoped3A : memref<!tpu.dma_semaphore, #tpu.memory_space<semaphore_mem>>) src(%dma_wait3A_90 : memref<120x128xf32, #tpu.memory_space<vmem>>) dst(%dma_wait3A_87 : memref<120x128xf32, #tpu.memory_space<vmem_shared>>)
      tpu.yield
    }) : () -> ()
    %barrier3A = arith.constant 0 : index
    tpu.barrier barrier_id(%barrier3A)
    %mul3A_10 = arith.constant 2 : i32
    %mul3A_11 = arith.muli %arg0, %mul3A_10 : i32
    %add3A_12 = arith.constant 0 : i32
    %add3A_13 = arith.addi %mul3A_11, %add3A_12 : i32
    %mul3A_14 = arith.constant 80 : i32
    %mul3A_15 = arith.muli %arg1, %mul3A_14 : i32
    "tpu.region"() ({
      %run_scoped3A = tpu.sem_alloc : memref<!tpu.dma_semaphore, #tpu.memory_space<semaphore_mem>>
      %dma_start3A_72 = arith.constant 0 : i32
      %dma_start3A_73 = arith.constant 0 : i32
      %dma_start3A_74 = tpu.memref_slice %arg3[%add3A_13, %dma_start3A_72, %dma_start3A_73] : memref<4x1280x128xi32, #tpu.memory_space<hbm>> -> memref<1x1280x128xi32, #tpu.memory_space<hbm>>
      %dma_start3A_75 = tpu.memref_squeeze %dma_start3A_74 : memref<1x1280x128xi32, #tpu.memory_space<hbm>> -> memref<1280x128xi32, #tpu.memory_space<hbm>>
      %dma_start3A_76 = arith.constant 0 : i32
      %dma_start3A_77 = tpu.memref_slice %dma_start3A_75[%mul3A_15, %dma_start3A_76] : memref<1280x128xi32, #tpu.memory_space<hbm>> -> memref<80x128xi32, #tpu.memory_space<hbm>>
      %dma_start3A_78 = arith.constant 0 : i32
      %dma_start3A_79 = arith.constant 0 : i32
      %dma_start3A_80 = tpu.memref_slice %arg3[%add3A_13, %dma_start3A_78, %dma_start3A_79] : memref<4x1280x128xi32, #tpu.memory_space<hbm>> -> memref<1x1280x128xi32, #tpu.memory_space<hbm>>
      %dma_start3A_81 = tpu.memref_squeeze %dma_start3A_80 : memref<1x1280x128xi32, #tpu.memory_space<hbm>> -> memref<1280x128xi32, #tpu.memory_space<hbm>>
      %dma_start3A_82 = arith.constant 0 : i32
      %dma_start3A_83 = tpu.memref_slice %dma_start3A_81[%mul3A_15, %dma_start3A_82] : memref<1280x128xi32, #tpu.memory_space<hbm>> -> memref<80x128xi32, #tpu.memory_space<hbm>>
      tpu.enqueue_dma source(%dma_start3A_83 : memref<80x128xi32, #tpu.memory_space<hbm>>) target(%arg7 : memref<80x128xi32, #tpu.memory_space<vmem>>) target_semaphore(%run_scoped3A : memref<!tpu.dma_semaphore, #tpu.memory_space<semaphore_mem>>)
      %dma_wait3A = arith.constant 0 : i32
      %dma_wait3A_84 = arith.constant 0 : i32
      %dma_wait3A_85 = tpu.memref_slice %arg3[%add3A_13, %dma_wait3A, %dma_wait3A_84] : memref<4x1280x128xi32, #tpu.memory_space<hbm>> -> memref<1x1280x128xi32, #tpu.memory_space<hbm>>
      %dma_wait3A_86 = tpu.memref_squeeze %dma_wait3A_85 : memref<1x1280x128xi32, #tpu.memory_space<hbm>> -> memref<1280x128xi32, #tpu.memory_space<hbm>>
      %dma_wait3A_87 = arith.constant 0 : i32
      %dma_wait3A_88 = tpu.memref_slice %dma_wait3A_86[%mul3A_15, %dma_wait3A_87] : memref<1280x128xi32, #tpu.memory_space<hbm>> -> memref<80x128xi32, #tpu.memory_space<hbm>>
      %dma_wait3A_89 = arith.constant 0 : i32
      %dma_wait3A_90 = arith.constant 0 : i32
      %dma_wait3A_91 = tpu.memref_slice %arg3[%add3A_13, %dma_wait3A_89, %dma_wait3A_90] : memref<4x1280x128xi32, #tpu.memory_space<hbm>> -> memref<1x1280x128xi32, #tpu.memory_space<hbm>>
      %dma_wait3A_92 = tpu.memref_squeeze %dma_wait3A_91 : memref<1x1280x128xi32, #tpu.memory_space<hbm>> -> memref<1280x128xi32, #tpu.memory_space<hbm>>
      %dma_wait3A_93 = arith.constant 0 : i32
      %dma_wait3A_94 = tpu.memref_slice %dma_wait3A_92[%mul3A_15, %dma_wait3A_93] : memref<1280x128xi32, #tpu.memory_space<hbm>> -> memref<80x128xi32, #tpu.memory_space<hbm>>
      tpu.wait_dma2 semaphore(%run_scoped3A : memref<!tpu.dma_semaphore, #tpu.memory_space<semaphore_mem>>) src(%dma_wait3A_94 : memref<80x128xi32, #tpu.memory_space<hbm>>) dst(%arg7 : memref<80x128xi32, #tpu.memory_space<vmem>>)
      tpu.yield
    }) : () -> ()
    %dma_start3A = arith.constant 0 : i32
    %dma_start3A_16 = arith.constant 0 : i32
    %dma_start3A_17 = tpu.memref_slice %arg7[%dma_start3A, %dma_start3A_16] : memref<80x128xi32, #tpu.memory_space<vmem>> -> memref<1x128xi32, #tpu.memory_space<vmem>>
    %dma_start3A_18 = tpu.memref_squeeze %dma_start3A_17 : memref<1x128xi32, #tpu.memory_space<vmem>> -> memref<128xi32, #tpu.memory_space<vmem>>
    %dma_start3A_19 = arith.constant 0 : i32
    %dma_start3A_20 = arith.constant 0 : i32
    %dma_start3A_21 = tpu.memref_slice %arg2[%dma_start3A_19, %dma_start3A_20] : memref<40000x128xf32, #tpu.memory_space<hbm>> -> memref<40000x128xf32, #tpu.memory_space<hbm>>
    tpu.enqueue_indirect_dma source(%dma_start3A_21 : memref<40000x128xf32, #tpu.memory_space<hbm>>) target(%arg9 : memref<128x128xf32, #tpu.memory_space<vmem>>) offsets(%dma_start3A_18 : memref<128xi32, #tpu.memory_space<vmem>>) semaphore(%arg12 : memref<!tpu.dma_semaphore, #tpu.memory_space<semaphore_mem>>)
    %dma_start3A_22 = arith.constant 1 : i32
    %dma_start3A_23 = arith.constant 0 : i32
    %dma_start3A_24 = tpu.memref_slice %arg7[%dma_start3A_22, %dma_start3A_23] : memref<80x128xi32, #tpu.memory_space<vmem>> -> memref<1x128xi32, #tpu.memory_space<vmem>>
    %dma_start3A_25 = tpu.memref_squeeze %dma_start3A_24 : memref<1x128xi32, #tpu.memory_space<vmem>> -> memref<128xi32, #tpu.memory_space<vmem>>
    %dma_start3A_26 = arith.constant 0 : i32
    %dma_start3A_27 = arith.constant 0 : i32
    %dma_start3A_28 = tpu.memref_slice %arg2[%dma_start3A_26, %dma_start3A_27] : memref<40000x128xf32, #tpu.memory_space<hbm>> -> memref<40000x128xf32, #tpu.memory_space<hbm>>
    tpu.enqueue_indirect_dma source(%dma_start3A_28 : memref<40000x128xf32, #tpu.memory_space<hbm>>) target(%arg10 : memref<128x128xf32, #tpu.memory_space<vmem>>) offsets(%dma_start3A_25 : memref<128xi32, #tpu.memory_space<vmem>>) semaphore(%arg13 : memref<!tpu.dma_semaphore, #tpu.memory_space<semaphore_mem>>)
    %scan3A = arith.constant 0 : i32
    %scan3A_29 = arith.constant 5 : i32
    %scan3A_30 = arith.addi %scan3A, %scan3A_29 : i32
    %scan3A_31 = arith.constant 1 : i32
    scf.for %scan3A_72 = %scan3A to %scan3A_30 step %scan3A_31  : i32 {
      %mul3A_73 = arith.constant 1 : i32
      %mul3A_74 = arith.muli %scan3A_72, %mul3A_73 : i32
      %add3A_75 = arith.constant 0 : i32
      %add3A_76 = arith.addi %add3A_75, %mul3A_74 : i32
      %mul3A_77 = arith.constant 16 : i32
      %mul3A_78 = arith.muli %add3A_76, %mul3A_77 : i32
      %mul3A_79 = arith.constant 80 : i32
      %mul3A_80 = arith.muli %arg1, %mul3A_79 : i32
      %add3A_81 = arith.addi %mul3A_80, %mul3A_78 : i32
      "tpu.region"() ({
        %run_scoped3A = tpu.sem_alloc : memref<!tpu.dma_semaphore, #tpu.memory_space<semaphore_mem>>
        %dma_start3A_87 = arith.constant 0 : i32
        %dma_start3A_88 = tpu.memref_slice %arg4[%add3A_81, %dma_start3A_87] : memref<1280x128xi32, #tpu.memory_space<hbm>> -> memref<16x128xi32, #tpu.memory_space<hbm>>
        %dma_start3A_89 = arith.constant 0 : i32
        %dma_start3A_90 = tpu.memref_slice %arg4[%add3A_81, %dma_start3A_89] : memref<1280x128xi32, #tpu.memory_space<hbm>> -> memref<16x128xi32, #tpu.memory_space<hbm>>
        tpu.enqueue_dma source(%dma_start3A_90 : memref<16x128xi32, #tpu.memory_space<hbm>>) target(%arg8 : memref<16x128xi32, #tpu.memory_space<vmem>>) target_semaphore(%run_scoped3A : memref<!tpu.dma_semaphore, #tpu.memory_space<semaphore_mem>>)
        %dma_wait3A = arith.constant 0 : i32
        %dma_wait3A_91 = tpu.memref_slice %arg4[%add3A_81, %dma_wait3A] : memref<1280x128xi32, #tpu.memory_space<hbm>> -> memref<16x128xi32, #tpu.memory_space<hbm>>
        %dma_wait3A_92 = arith.constant 0 : i32
        %dma_wait3A_93 = tpu.memref_slice %arg4[%add3A_81, %dma_wait3A_92] : memref<1280x128xi32, #tpu.memory_space<hbm>> -> memref<16x128xi32, #tpu.memory_space<hbm>>
        tpu.wait_dma2 semaphore(%run_scoped3A : memref<!tpu.dma_semaphore, #tpu.memory_space<semaphore_mem>>) src(%dma_wait3A_93 : memref<16x128xi32, #tpu.memory_space<hbm>>) dst(%arg8 : memref<16x128xi32, #tpu.memory_space<vmem>>)
        tpu.yield
      }) : () -> ()
      %scan3A_82 = arith.constant 0 : i32
      %scan3A_83 = arith.constant 8 : i32
      %scan3A_84 = arith.addi %scan3A_82, %scan3A_83 : i32
      %scan3A_85 = arith.constant 1 : i32
      scf.for %scan3A_87 = %scan3A_82 to %scan3A_84 step %scan3A_85  : i32 {
        %mul3A_88 = arith.constant 2 : i32
        %mul3A_89 = arith.muli %scan3A_87, %mul3A_88 : i32
        %add3A_90 = arith.constant 0 : i32
        %add3A_91 = arith.addi %add3A_90, %mul3A_89 : i32
        %add3A_92 = arith.addi %mul3A_78, %add3A_91 : i32
        %dma_wait3A = arith.constant 0 : i32
        %dma_wait3A_93 = arith.constant 0 : i32
        %dma_wait3A_94 = tpu.memref_slice %arg2[%dma_wait3A, %dma_wait3A_93] : memref<40000x128xf32, #tpu.memory_space<hbm>> -> memref<128x128xf32, #tpu.memory_space<hbm>>
        %dma_wait3A_95 = arith.constant 0 : i32
        %dma_wait3A_96 = arith.constant 0 : i32
        %dma_wait3A_97 = tpu.memref_slice %arg2[%dma_wait3A_95, %dma_wait3A_96] : memref<40000x128xf32, #tpu.memory_space<hbm>> -> memref<128x128xf32, #tpu.memory_space<hbm>>
        tpu.wait_dma2 semaphore(%arg12 : memref<!tpu.dma_semaphore, #tpu.memory_space<semaphore_mem>>) src(%dma_wait3A_97 : memref<128x128xf32, #tpu.memory_space<hbm>>) dst(%arg9 : memref<128x128xf32, #tpu.memory_space<vmem>>)
        "tpu.region"() ({
          %run_scoped3A = tpu.sem_alloc : memref<!tpu.dma_semaphore, #tpu.memory_space<semaphore_mem>>
          %dma_start3A_117 = arith.constant 0 : i32
          %dma_start3A_118 = tpu.memref_slice %arg8[%add3A_91, %dma_start3A_117] : memref<16x128xi32, #tpu.memory_space<vmem>> -> memref<1x128xi32, #tpu.memory_space<vmem>>
          %dma_start3A_119 = tpu.memref_squeeze %dma_start3A_118 : memref<1x128xi32, #tpu.memory_space<vmem>> -> memref<128xi32, #tpu.memory_space<vmem>>
          %dma_start3A_120 = arith.constant 0 : i32
          %dma_start3A_121 = arith.constant 0 : i32
          %dma_start3A_122 = tpu.memref_slice %arg11[%dma_start3A_120, %dma_start3A_121] : memref<10112x128xf32, #tpu.memory_space<vmem_shared>> -> memref<10112x128xf32, #tpu.memory_space<vmem_shared>>
          tpu.enqueue_indirect_dma source(%arg9 : memref<128x128xf32, #tpu.memory_space<vmem>>) target(%dma_start3A_122 : memref<10112x128xf32, #tpu.memory_space<vmem_shared>>) offsets(%dma_start3A_119 : memref<128xi32, #tpu.memory_space<vmem>>) semaphore(%run_scoped3A : memref<!tpu.dma_semaphore, #tpu.memory_space<semaphore_mem>>) {add = true}
          %dma_wait3A_123 = arith.constant 0 : i32
          %dma_wait3A_124 = tpu.memref_slice %arg8[%add3A_91, %dma_wait3A_123] : memref<16x128xi32, #tpu.memory_space<vmem>> -> memref<1x128xi32, #tpu.memory_space<vmem>>
          %dma_wait3A_125 = tpu.memref_squeeze %dma_wait3A_124 : memref<1x128xi32, #tpu.memory_space<vmem>> -> memref<128xi32, #tpu.memory_space<vmem>>
          %dma_wait3A_126 = arith.constant 0 : i32
          %dma_wait3A_127 = arith.constant 0 : i32
          %dma_wait3A_128 = tpu.memref_slice %arg11[%dma_wait3A_126, %dma_wait3A_127] : memref<10112x128xf32, #tpu.memory_space<vmem_shared>> -> memref<10112x128xf32, #tpu.memory_space<vmem_shared>>
          tpu.wait_indirect_dma semaphore(%run_scoped3A : memref<!tpu.dma_semaphore, #tpu.memory_space<semaphore_mem>>) src(%arg9 : memref<128x128xf32, #tpu.memory_space<vmem>>) dst(%dma_wait3A_128 : memref<10112x128xf32, #tpu.memory_space<vmem_shared>>)
          tpu.yield
        }) : () -> ()
        %add3A_98 = arith.constant 2 : i32
        %add3A_99 = arith.addi %add3A_92, %add3A_98 : i32
        %lt3A = arith.constant 80 : i32
        %lt3A_100 = arith.cmpi slt, %add3A_99, %lt3A : i32
        %convert_element_type3A = arith.extui %lt3A_100 : i1 to i32
        %cond3A = arith.constant 0 : i32
        %cond3A_101 = arith.cmpi ne, %convert_element_type3A, %cond3A : i32
        scf.if %cond3A_101 {
          %add3A_117 = arith.constant 2 : i32
          %add3A_118 = arith.addi %add3A_92, %add3A_117 : i32
          %dma_start3A_119 = arith.constant 0 : i32
          %dma_start3A_120 = tpu.memref_slice %arg7[%add3A_118, %dma_start3A_119] : memref<80x128xi32, #tpu.memory_space<vmem>> -> memref<1x128xi32, #tpu.memory_space<vmem>>
          %dma_start3A_121 = tpu.memref_squeeze %dma_start3A_120 : memref<1x128xi32, #tpu.memory_space<vmem>> -> memref<128xi32, #tpu.memory_space<vmem>>
          %dma_start3A_122 = arith.constant 0 : i32
          %dma_start3A_123 = arith.constant 0 : i32
          %dma_start3A_124 = tpu.memref_slice %arg2[%dma_start3A_122, %dma_start3A_123] : memref<40000x128xf32, #tpu.memory_space<hbm>> -> memref<40000x128xf32, #tpu.memory_space<hbm>>
          tpu.enqueue_indirect_dma source(%dma_start3A_124 : memref<40000x128xf32, #tpu.memory_space<hbm>>) target(%arg9 : memref<128x128xf32, #tpu.memory_space<vmem>>) offsets(%dma_start3A_121 : memref<128xi32, #tpu.memory_space<vmem>>) semaphore(%arg12 : memref<!tpu.dma_semaphore, #tpu.memory_space<semaphore_mem>>)
        } else {
        }
        %dma_wait3A_102 = arith.constant 0 : i32
        %dma_wait3A_103 = arith.constant 0 : i32
        %dma_wait3A_104 = tpu.memref_slice %arg2[%dma_wait3A_102, %dma_wait3A_103] : memref<40000x128xf32, #tpu.memory_space<hbm>> -> memref<128x128xf32, #tpu.memory_space<hbm>>
        %dma_wait3A_105 = arith.constant 0 : i32
        %dma_wait3A_106 = arith.constant 0 : i32
        %dma_wait3A_107 = tpu.memref_slice %arg2[%dma_wait3A_105, %dma_wait3A_106] : memref<40000x128xf32, #tpu.memory_space<hbm>> -> memref<128x128xf32, #tpu.memory_space<hbm>>
        tpu.wait_dma2 semaphore(%arg13 : memref<!tpu.dma_semaphore, #tpu.memory_space<semaphore_mem>>) src(%dma_wait3A_107 : memref<128x128xf32, #tpu.memory_space<hbm>>) dst(%arg10 : memref<128x128xf32, #tpu.memory_space<vmem>>)
        %add3A_108 = arith.constant 1 : i32
        %add3A_109 = arith.addi %add3A_91, %add3A_108 : i32
        "tpu.region"() ({
          %run_scoped3A = tpu.sem_alloc : memref<!tpu.dma_semaphore, #tpu.memory_space<semaphore_mem>>
          %dma_start3A_117 = arith.constant 0 : i32
          %dma_start3A_118 = tpu.memref_slice %arg8[%add3A_109, %dma_start3A_117] : memref<16x128xi32, #tpu.memory_space<vmem>> -> memref<1x128xi32, #tpu.memory_space<vmem>>
          %dma_start3A_119 = tpu.memref_squeeze %dma_start3A_118 : memref<1x128xi32, #tpu.memory_space<vmem>> -> memref<128xi32, #tpu.memory_space<vmem>>
          %dma_start3A_120 = arith.constant 0 : i32
          %dma_start3A_121 = arith.constant 0 : i32
          %dma_start3A_122 = tpu.memref_slice %arg11[%dma_start3A_120, %dma_start3A_121] : memref<10112x128xf32, #tpu.memory_space<vmem_shared>> -> memref<10112x128xf32, #tpu.memory_space<vmem_shared>>
          tpu.enqueue_indirect_dma source(%arg10 : memref<128x128xf32, #tpu.memory_space<vmem>>) target(%dma_start3A_122 : memref<10112x128xf32, #tpu.memory_space<vmem_shared>>) offsets(%dma_start3A_119 : memref<128xi32, #tpu.memory_space<vmem>>) semaphore(%run_scoped3A : memref<!tpu.dma_semaphore, #tpu.memory_space<semaphore_mem>>) {add = true}
          %dma_wait3A_123 = arith.constant 0 : i32
          %dma_wait3A_124 = tpu.memref_slice %arg8[%add3A_109, %dma_wait3A_123] : memref<16x128xi32, #tpu.memory_space<vmem>> -> memref<1x128xi32, #tpu.memory_space<vmem>>
          %dma_wait3A_125 = tpu.memref_squeeze %dma_wait3A_124 : memref<1x128xi32, #tpu.memory_space<vmem>> -> memref<128xi32, #tpu.memory_space<vmem>>
          %dma_wait3A_126 = arith.constant 0 : i32
          %dma_wait3A_127 = arith.constant 0 : i32
          %dma_wait3A_128 = tpu.memref_slice %arg11[%dma_wait3A_126, %dma_wait3A_127] : memref<10112x128xf32, #tpu.memory_space<vmem_shared>> -> memref<10112x128xf32, #tpu.memory_space<vmem_shared>>
          tpu.wait_indirect_dma semaphore(%run_scoped3A : memref<!tpu.dma_semaphore, #tpu.memory_space<semaphore_mem>>) src(%arg10 : memref<128x128xf32, #tpu.memory_space<vmem>>) dst(%dma_wait3A_128 : memref<10112x128xf32, #tpu.memory_space<vmem_shared>>)
          tpu.yield
        }) : () -> ()
        %add3A_110 = arith.constant 3 : i32
        %add3A_111 = arith.addi %add3A_92, %add3A_110 : i32
        %lt3A_112 = arith.constant 80 : i32
        %lt3A_113 = arith.cmpi slt, %add3A_111, %lt3A_112 : i32
        %convert_element_type3A_114 = arith.extui %lt3A_113 : i1 to i32
        %cond3A_115 = arith.constant 0 : i32
        %cond3A_116 = arith.cmpi ne, %convert_element_type3A_114, %cond3A_115 : i32
        scf.if %cond3A_116 {
          %add3A_117 = arith.constant 3 : i32
          %add3A_118 = arith.addi %add3A_92, %add3A_117 : i32
          %dma_start3A_119 = arith.constant 0 : i32
          %dma_start3A_120 = tpu.memref_slice %arg7[%add3A_118, %dma_start3A_119] : memref<80x128xi32, #tpu.memory_space<vmem>> -> memref<1x128xi32, #tpu.memory_space<vmem>>
          %dma_start3A_121 = tpu.memref_squeeze %dma_start3A_120 : memref<1x128xi32, #tpu.memory_space<vmem>> -> memref<128xi32, #tpu.memory_space<vmem>>
          %dma_start3A_122 = arith.constant 0 : i32
          %dma_start3A_123 = arith.constant 0 : i32
          %dma_start3A_124 = tpu.memref_slice %arg2[%dma_start3A_122, %dma_start3A_123] : memref<40000x128xf32, #tpu.memory_space<hbm>> -> memref<40000x128xf32, #tpu.memory_space<hbm>>
          tpu.enqueue_indirect_dma source(%dma_start3A_124 : memref<40000x128xf32, #tpu.memory_space<hbm>>) target(%arg10 : memref<128x128xf32, #tpu.memory_space<vmem>>) offsets(%dma_start3A_121 : memref<128xi32, #tpu.memory_space<vmem>>) semaphore(%arg13 : memref<!tpu.dma_semaphore, #tpu.memory_space<semaphore_mem>>)
        } else {
        }
      }
      %scan3A_86 = arith.constant 8 : i32
    }
    %scan3A_32 = arith.constant 5 : i32
    %barrier3A_33 = arith.constant 0 : index
    tpu.barrier barrier_id(%barrier3A_33)
    "tpu.region"() ({
      %run_scoped3A = tpu.sem_alloc : memref<!tpu.dma_semaphore, #tpu.memory_space<semaphore_mem>>
      %dma_start3A_72 = arith.constant 0 : i32
      %dma_start3A_73 = arith.constant 0 : i32
      %dma_start3A_74 = tpu.memref_slice %arg6[%add3A_13, %dma_start3A_72, %dma_start3A_73] : memref<4x10112x128xf32, #tpu.memory_space<hbm>> -> memref<1x10112x128xf32, #tpu.memory_space<hbm>>
      %dma_start3A_75 = tpu.memref_squeeze %dma_start3A_74 : memref<1x10112x128xf32, #tpu.memory_space<hbm>> -> memref<10112x128xf32, #tpu.memory_space<hbm>>
      %dma_start3A_76 = arith.constant 0 : i32
      %dma_start3A_77 = tpu.memref_slice %dma_start3A_75[%mul3A_0, %dma_start3A_76] : memref<10112x128xf32, #tpu.memory_space<hbm>> -> memref<632x128xf32, #tpu.memory_space<hbm>>
      %dma_start3A_78 = arith.constant 0 : i32
      %dma_start3A_79 = tpu.memref_slice %arg11[%mul3A_0, %dma_start3A_78] : memref<10112x128xf32, #tpu.memory_space<vmem_shared>> -> memref<632x128xf32, #tpu.memory_space<vmem_shared>>
      tpu.enqueue_dma source(%dma_start3A_79 : memref<632x128xf32, #tpu.memory_space<vmem_shared>>) target(%dma_start3A_77 : memref<632x128xf32, #tpu.memory_space<hbm>>) target_semaphore(%run_scoped3A : memref<!tpu.dma_semaphore, #tpu.memory_space<semaphore_mem>>)
      %dma_wait3A = arith.constant 0 : i32
      %dma_wait3A_80 = arith.constant 0 : i32
      %dma_wait3A_81 = tpu.memref_slice %arg6[%add3A_13, %dma_wait3A, %dma_wait3A_80] : memref<4x10112x128xf32, #tpu.memory_space<hbm>> -> memref<1x10112x128xf32, #tpu.memory_space<hbm>>
      %dma_wait3A_82 = tpu.memref_squeeze %dma_wait3A_81 : memref<1x10112x128xf32, #tpu.memory_space<hbm>> -> memref<10112x128xf32, #tpu.memory_space<hbm>>
      %dma_wait3A_83 = arith.constant 0 : i32
      %dma_wait3A_84 = tpu.memref_slice %dma_wait3A_82[%mul3A_0, %dma_wait3A_83] : memref<10112x128xf32, #tpu.memory_space<hbm>> -> memref<632x128xf32, #tpu.memory_space<hbm>>
      %dma_wait3A_85 = arith.constant 0 : i32
      %dma_wait3A_86 = tpu.memref_slice %arg11[%mul3A_0, %dma_wait3A_85] : memref<10112x128xf32, #tpu.memory_space<vmem_shared>> -> memref<632x128xf32, #tpu.memory_space<vmem_shared>>
      tpu.wait_dma2 semaphore(%run_scoped3A : memref<!tpu.dma_semaphore, #tpu.memory_space<semaphore_mem>>) src(%dma_wait3A_86 : memref<632x128xf32, #tpu.memory_space<vmem_shared>>) dst(%dma_wait3A_84 : memref<632x128xf32, #tpu.memory_space<hbm>>)
      tpu.yield
    }) : () -> ()
    %barrier3A_34 = arith.constant 0 : index
    tpu.barrier barrier_id(%barrier3A_34)
    "tpu.region"() ({
      %run_scoped3A = tpu.sem_alloc : memref<!tpu.dma_semaphore, #tpu.memory_space<semaphore_mem>>
      tpu.enqueue_dma source(%arg5 : memref<128x128xf32, #tpu.memory_space<hbm>>) target(%arg9 : memref<128x128xf32, #tpu.memory_space<vmem>>) target_semaphore(%run_scoped3A : memref<!tpu.dma_semaphore, #tpu.memory_space<semaphore_mem>>)
      tpu.wait_dma2 semaphore(%run_scoped3A : memref<!tpu.dma_semaphore, #tpu.memory_space<semaphore_mem>>) src(%arg5 : memref<128x128xf32, #tpu.memory_space<hbm>>) dst(%arg9 : memref<128x128xf32, #tpu.memory_space<vmem>>)
      tpu.yield
    }) : () -> ()
    %add3A_35 = arith.constant 0 : i32
    %add3A_36 = arith.addi %mul3A_0, %add3A_35 : i32
    "tpu.region"() ({
      %run_scoped3A = tpu.sem_alloc : memref<!tpu.dma_semaphore, #tpu.memory_space<semaphore_mem>>
      %dma_start3A_72 = arith.constant 0 : i32
      %dma_start3A_73 = tpu.memref_slice %arg11[%add3A_36, %dma_start3A_72] : memref<10112x128xf32, #tpu.memory_space<vmem_shared>> -> memref<128x128xf32, #tpu.memory_space<vmem_shared>>
      %dma_start3A_74 = arith.constant 0 : i32
      %dma_start3A_75 = tpu.memref_slice %arg11[%add3A_36, %dma_start3A_74] : memref<10112x128xf32, #tpu.memory_space<vmem_shared>> -> memref<128x128xf32, #tpu.memory_space<vmem_shared>>
      tpu.enqueue_dma source(%arg9 : memref<128x128xf32, #tpu.memory_space<vmem>>) target(%dma_start3A_75 : memref<128x128xf32, #tpu.memory_space<vmem_shared>>) target_semaphore(%run_scoped3A : memref<!tpu.dma_semaphore, #tpu.memory_space<semaphore_mem>>)
      %dma_wait3A = arith.constant 0 : i32
      %dma_wait3A_76 = tpu.memref_slice %arg11[%add3A_36, %dma_wait3A] : memref<10112x128xf32, #tpu.memory_space<vmem_shared>> -> memref<128x128xf32, #tpu.memory_space<vmem_shared>>
      %dma_wait3A_77 = arith.constant 0 : i32
      %dma_wait3A_78 = tpu.memref_slice %arg11[%add3A_36, %dma_wait3A_77] : memref<10112x128xf32, #tpu.memory_space<vmem_shared>> -> memref<128x128xf32, #tpu.memory_space<vmem_shared>>
      tpu.wait_dma2 semaphore(%run_scoped3A : memref<!tpu.dma_semaphore, #tpu.memory_space<semaphore_mem>>) src(%arg9 : memref<128x128xf32, #tpu.memory_space<vmem>>) dst(%dma_wait3A_78 : memref<128x128xf32, #tpu.memory_space<vmem_shared>>)
      tpu.yield
    }) : () -> ()
    %add3A_37 = arith.constant 128 : i32
    %add3A_38 = arith.addi %mul3A_0, %add3A_37 : i32
    "tpu.region"() ({
      %run_scoped3A = tpu.sem_alloc : memref<!tpu.dma_semaphore, #tpu.memory_space<semaphore_mem>>
      %dma_start3A_72 = arith.constant 0 : i32
      %dma_start3A_73 = tpu.memref_slice %arg11[%add3A_38, %dma_start3A_72] : memref<10112x128xf32, #tpu.memory_space<vmem_shared>> -> memref<128x128xf32, #tpu.memory_space<vmem_shared>>
      %dma_start3A_74 = arith.constant 0 : i32
      %dma_start3A_75 = tpu.memref_slice %arg11[%add3A_38, %dma_start3A_74] : memref<10112x128xf32, #tpu.memory_space<vmem_shared>> -> memref<128x128xf32, #tpu.memory_space<vmem_shared>>
      tpu.enqueue_dma source(%arg9 : memref<128x128xf32, #tpu.memory_space<vmem>>) target(%dma_start3A_75 : memref<128x128xf32, #tpu.memory_space<vmem_shared>>) target_semaphore(%run_scoped3A : memref<!tpu.dma_semaphore, #tpu.memory_space<semaphore_mem>>)
      %dma_wait3A = arith.constant 0 : i32
      %dma_wait3A_76 = tpu.memref_slice %arg11[%add3A_38, %dma_wait3A] : memref<10112x128xf32, #tpu.memory_space<vmem_shared>> -> memref<128x128xf32, #tpu.memory_space<vmem_shared>>
      %dma_wait3A_77 = arith.constant 0 : i32
      %dma_wait3A_78 = tpu.memref_slice %arg11[%add3A_38, %dma_wait3A_77] : memref<10112x128xf32, #tpu.memory_space<vmem_shared>> -> memref<128x128xf32, #tpu.memory_space<vmem_shared>>
      tpu.wait_dma2 semaphore(%run_scoped3A : memref<!tpu.dma_semaphore, #tpu.memory_space<semaphore_mem>>) src(%arg9 : memref<128x128xf32, #tpu.memory_space<vmem>>) dst(%dma_wait3A_78 : memref<128x128xf32, #tpu.memory_space<vmem_shared>>)
      tpu.yield
    }) : () -> ()
    %add3A_39 = arith.constant 256 : i32
    %add3A_40 = arith.addi %mul3A_0, %add3A_39 : i32
    "tpu.region"() ({
      %run_scoped3A = tpu.sem_alloc : memref<!tpu.dma_semaphore, #tpu.memory_space<semaphore_mem>>
      %dma_start3A_72 = arith.constant 0 : i32
      %dma_start3A_73 = tpu.memref_slice %arg11[%add3A_40, %dma_start3A_72] : memref<10112x128xf32, #tpu.memory_space<vmem_shared>> -> memref<128x128xf32, #tpu.memory_space<vmem_shared>>
      %dma_start3A_74 = arith.constant 0 : i32
      %dma_start3A_75 = tpu.memref_slice %arg11[%add3A_40, %dma_start3A_74] : memref<10112x128xf32, #tpu.memory_space<vmem_shared>> -> memref<128x128xf32, #tpu.memory_space<vmem_shared>>
      tpu.enqueue_dma source(%arg9 : memref<128x128xf32, #tpu.memory_space<vmem>>) target(%dma_start3A_75 : memref<128x128xf32, #tpu.memory_space<vmem_shared>>) target_semaphore(%run_scoped3A : memref<!tpu.dma_semaphore, #tpu.memory_space<semaphore_mem>>)
      %dma_wait3A = arith.constant 0 : i32
      %dma_wait3A_76 = tpu.memref_slice %arg11[%add3A_40, %dma_wait3A] : memref<10112x128xf32, #tpu.memory_space<vmem_shared>> -> memref<128x128xf32, #tpu.memory_space<vmem_shared>>
      %dma_wait3A_77 = arith.constant 0 : i32
      %dma_wait3A_78 = tpu.memref_slice %arg11[%add3A_40, %dma_wait3A_77] : memref<10112x128xf32, #tpu.memory_space<vmem_shared>> -> memref<128x128xf32, #tpu.memory_space<vmem_shared>>
      tpu.wait_dma2 semaphore(%run_scoped3A : memref<!tpu.dma_semaphore, #tpu.memory_space<semaphore_mem>>) src(%arg9 : memref<128x128xf32, #tpu.memory_space<vmem>>) dst(%dma_wait3A_78 : memref<128x128xf32, #tpu.memory_space<vmem_shared>>)
      tpu.yield
    }) : () -> ()
    %add3A_41 = arith.constant 384 : i32
    %add3A_42 = arith.addi %mul3A_0, %add3A_41 : i32
    "tpu.region"() ({
      %run_scoped3A = tpu.sem_alloc : memref<!tpu.dma_semaphore, #tpu.memory_space<semaphore_mem>>
      %dma_start3A_72 = arith.constant 0 : i32
      %dma_start3A_73 = tpu.memref_slice %arg11[%add3A_42, %dma_start3A_72] : memref<10112x128xf32, #tpu.memory_space<vmem_shared>> -> memref<128x128xf32, #tpu.memory_space<vmem_shared>>
      %dma_start3A_74 = arith.constant 0 : i32
      %dma_start3A_75 = tpu.memref_slice %arg11[%add3A_42, %dma_start3A_74] : memref<10112x128xf32, #tpu.memory_space<vmem_shared>> -> memref<128x128xf32, #tpu.memory_space<vmem_shared>>
      tpu.enqueue_dma source(%arg9 : memref<128x128xf32, #tpu.memory_space<vmem>>) target(%dma_start3A_75 : memref<128x128xf32, #tpu.memory_space<vmem_shared>>) target_semaphore(%run_scoped3A : memref<!tpu.dma_semaphore, #tpu.memory_space<semaphore_mem>>)
      %dma_wait3A = arith.constant 0 : i32
      %dma_wait3A_76 = tpu.memref_slice %arg11[%add3A_42, %dma_wait3A] : memref<10112x128xf32, #tpu.memory_space<vmem_shared>> -> memref<128x128xf32, #tpu.memory_space<vmem_shared>>
      %dma_wait3A_77 = arith.constant 0 : i32
      %dma_wait3A_78 = tpu.memref_slice %arg11[%add3A_42, %dma_wait3A_77] : memref<10112x128xf32, #tpu.memory_space<vmem_shared>> -> memref<128x128xf32, #tpu.memory_space<vmem_shared>>
      tpu.wait_dma2 semaphore(%run_scoped3A : memref<!tpu.dma_semaphore, #tpu.memory_space<semaphore_mem>>) src(%arg9 : memref<128x128xf32, #tpu.memory_space<vmem>>) dst(%dma_wait3A_78 : memref<128x128xf32, #tpu.memory_space<vmem_shared>>)
      tpu.yield
    }) : () -> ()
    %add3A_43 = arith.constant 512 : i32
    %add3A_44 = arith.addi %mul3A_0, %add3A_43 : i32
    "tpu.region"() ({
      %run_scoped3A = tpu.sem_alloc : memref<!tpu.dma_semaphore, #tpu.memory_space<semaphore_mem>>
      %dma_start3A_72 = arith.constant 0 : i32
      %dma_start3A_73 = arith.constant 0 : i32
      %dma_start3A_74 = tpu.memref_slice %arg9[%dma_start3A_72, %dma_start3A_73] : memref<128x128xf32, #tpu.memory_space<vmem>> -> memref<120x128xf32, #tpu.memory_space<vmem>>
      %dma_start3A_75 = arith.constant 0 : i32
      %dma_start3A_76 = tpu.memref_slice %arg11[%add3A_44, %dma_start3A_75] : memref<10112x128xf32, #tpu.memory_space<vmem_shared>> -> memref<120x128xf32, #tpu.memory_space<vmem_shared>>
      %dma_start3A_77 = arith.constant 0 : i32
      %dma_start3A_78 = tpu.memref_slice %arg11[%add3A_44, %dma_start3A_77] : memref<10112x128xf32, #tpu.memory_space<vmem_shared>> -> memref<120x128xf32, #tpu.memory_space<vmem_shared>>
      %dma_start3A_79 = arith.constant 0 : i32
      %dma_start3A_80 = arith.constant 0 : i32
      %dma_start3A_81 = tpu.memref_slice %arg9[%dma_start3A_79, %dma_start3A_80] : memref<128x128xf32, #tpu.memory_space<vmem>> -> memref<120x128xf32, #tpu.memory_space<vmem>>
      tpu.enqueue_dma source(%dma_start3A_81 : memref<120x128xf32, #tpu.memory_space<vmem>>) target(%dma_start3A_78 : memref<120x128xf32, #tpu.memory_space<vmem_shared>>) target_semaphore(%run_scoped3A : memref<!tpu.dma_semaphore, #tpu.memory_space<semaphore_mem>>)
      %dma_wait3A = arith.constant 0 : i32
      %dma_wait3A_82 = arith.constant 0 : i32
      %dma_wait3A_83 = tpu.memref_slice %arg9[%dma_wait3A, %dma_wait3A_82] : memref<128x128xf32, #tpu.memory_space<vmem>> -> memref<120x128xf32, #tpu.memory_space<vmem>>
      %dma_wait3A_84 = arith.constant 0 : i32
      %dma_wait3A_85 = tpu.memref_slice %arg11[%add3A_44, %dma_wait3A_84] : memref<10112x128xf32, #tpu.memory_space<vmem_shared>> -> memref<120x128xf32, #tpu.memory_space<vmem_shared>>
      %dma_wait3A_86 = arith.constant 0 : i32
      %dma_wait3A_87 = tpu.memref_slice %arg11[%add3A_44, %dma_wait3A_86] : memref<10112x128xf32, #tpu.memory_space<vmem_shared>> -> memref<120x128xf32, #tpu.memory_space<vmem_shared>>
      %dma_wait3A_88 = arith.constant 0 : i32
      %dma_wait3A_89 = arith.constant 0 : i32
      %dma_wait3A_90 = tpu.memref_slice %arg9[%dma_wait3A_88, %dma_wait3A_89] : memref<128x128xf32, #tpu.memory_space<vmem>> -> memref<120x128xf32, #tpu.memory_space<vmem>>
      tpu.wait_dma2 semaphore(%run_scoped3A : memref<!tpu.dma_semaphore, #tpu.memory_space<semaphore_mem>>) src(%dma_wait3A_90 : memref<120x128xf32, #tpu.memory_space<vmem>>) dst(%dma_wait3A_87 : memref<120x128xf32, #tpu.memory_space<vmem_shared>>)
      tpu.yield
    }) : () -> ()
    %barrier3A_45 = arith.constant 0 : index
    tpu.barrier barrier_id(%barrier3A_45)
    %mul3A_46 = arith.constant 2 : i32
    %mul3A_47 = arith.muli %arg0, %mul3A_46 : i32
    %add3A_48 = arith.constant 1 : i32
    %add3A_49 = arith.addi %mul3A_47, %add3A_48 : i32
    %mul3A_50 = arith.constant 80 : i32
    %mul3A_51 = arith.muli %arg1, %mul3A_50 : i32
    "tpu.region"() ({
      %run_scoped3A = tpu.sem_alloc : memref<!tpu.dma_semaphore, #tpu.memory_space<semaphore_mem>>
      %dma_start3A_72 = arith.constant 0 : i32
      %dma_start3A_73 = arith.constant 0 : i32
      %dma_start3A_74 = tpu.memref_slice %arg3[%add3A_49, %dma_start3A_72, %dma_start3A_73] : memref<4x1280x128xi32, #tpu.memory_space<hbm>> -> memref<1x1280x128xi32, #tpu.memory_space<hbm>>
      %dma_start3A_75 = tpu.memref_squeeze %dma_start3A_74 : memref<1x1280x128xi32, #tpu.memory_space<hbm>> -> memref<1280x128xi32, #tpu.memory_space<hbm>>
      %dma_start3A_76 = arith.constant 0 : i32
      %dma_start3A_77 = tpu.memref_slice %dma_start3A_75[%mul3A_51, %dma_start3A_76] : memref<1280x128xi32, #tpu.memory_space<hbm>> -> memref<80x128xi32, #tpu.memory_space<hbm>>
      %dma_start3A_78 = arith.constant 0 : i32
      %dma_start3A_79 = arith.constant 0 : i32
      %dma_start3A_80 = tpu.memref_slice %arg3[%add3A_49, %dma_start3A_78, %dma_start3A_79] : memref<4x1280x128xi32, #tpu.memory_space<hbm>> -> memref<1x1280x128xi32, #tpu.memory_space<hbm>>
      %dma_start3A_81 = tpu.memref_squeeze %dma_start3A_80 : memref<1x1280x128xi32, #tpu.memory_space<hbm>> -> memref<1280x128xi32, #tpu.memory_space<hbm>>
      %dma_start3A_82 = arith.constant 0 : i32
      %dma_start3A_83 = tpu.memref_slice %dma_start3A_81[%mul3A_51, %dma_start3A_82] : memref<1280x128xi32, #tpu.memory_space<hbm>> -> memref<80x128xi32, #tpu.memory_space<hbm>>
      tpu.enqueue_dma source(%dma_start3A_83 : memref<80x128xi32, #tpu.memory_space<hbm>>) target(%arg7 : memref<80x128xi32, #tpu.memory_space<vmem>>) target_semaphore(%run_scoped3A : memref<!tpu.dma_semaphore, #tpu.memory_space<semaphore_mem>>)
      %dma_wait3A = arith.constant 0 : i32
      %dma_wait3A_84 = arith.constant 0 : i32
      %dma_wait3A_85 = tpu.memref_slice %arg3[%add3A_49, %dma_wait3A, %dma_wait3A_84] : memref<4x1280x128xi32, #tpu.memory_space<hbm>> -> memref<1x1280x128xi32, #tpu.memory_space<hbm>>
      %dma_wait3A_86 = tpu.memref_squeeze %dma_wait3A_85 : memref<1x1280x128xi32, #tpu.memory_space<hbm>> -> memref<1280x128xi32, #tpu.memory_space<hbm>>
      %dma_wait3A_87 = arith.constant 0 : i32
      %dma_wait3A_88 = tpu.memref_slice %dma_wait3A_86[%mul3A_51, %dma_wait3A_87] : memref<1280x128xi32, #tpu.memory_space<hbm>> -> memref<80x128xi32, #tpu.memory_space<hbm>>
      %dma_wait3A_89 = arith.constant 0 : i32
      %dma_wait3A_90 = arith.constant 0 : i32
      %dma_wait3A_91 = tpu.memref_slice %arg3[%add3A_49, %dma_wait3A_89, %dma_wait3A_90] : memref<4x1280x128xi32, #tpu.memory_space<hbm>> -> memref<1x1280x128xi32, #tpu.memory_space<hbm>>
      %dma_wait3A_92 = tpu.memref_squeeze %dma_wait3A_91 : memref<1x1280x128xi32, #tpu.memory_space<hbm>> -> memref<1280x128xi32, #tpu.memory_space<hbm>>
      %dma_wait3A_93 = arith.constant 0 : i32
      %dma_wait3A_94 = tpu.memref_slice %dma_wait3A_92[%mul3A_51, %dma_wait3A_93] : memref<1280x128xi32, #tpu.memory_space<hbm>> -> memref<80x128xi32, #tpu.memory_space<hbm>>
      tpu.wait_dma2 semaphore(%run_scoped3A : memref<!tpu.dma_semaphore, #tpu.memory_space<semaphore_mem>>) src(%dma_wait3A_94 : memref<80x128xi32, #tpu.memory_space<hbm>>) dst(%arg7 : memref<80x128xi32, #tpu.memory_space<vmem>>)
      tpu.yield
    }) : () -> ()
    %dma_start3A_52 = arith.constant 0 : i32
    %dma_start3A_53 = arith.constant 0 : i32
    %dma_start3A_54 = tpu.memref_slice %arg7[%dma_start3A_52, %dma_start3A_53] : memref<80x128xi32, #tpu.memory_space<vmem>> -> memref<1x128xi32, #tpu.memory_space<vmem>>
    %dma_start3A_55 = tpu.memref_squeeze %dma_start3A_54 : memref<1x128xi32, #tpu.memory_space<vmem>> -> memref<128xi32, #tpu.memory_space<vmem>>
    %dma_start3A_56 = arith.constant 0 : i32
    %dma_start3A_57 = arith.constant 0 : i32
    %dma_start3A_58 = tpu.memref_slice %arg2[%dma_start3A_56, %dma_start3A_57] : memref<40000x128xf32, #tpu.memory_space<hbm>> -> memref<40000x128xf32, #tpu.memory_space<hbm>>
    tpu.enqueue_indirect_dma source(%dma_start3A_58 : memref<40000x128xf32, #tpu.memory_space<hbm>>) target(%arg9 : memref<128x128xf32, #tpu.memory_space<vmem>>) offsets(%dma_start3A_55 : memref<128xi32, #tpu.memory_space<vmem>>) semaphore(%arg12 : memref<!tpu.dma_semaphore, #tpu.memory_space<semaphore_mem>>)
    %dma_start3A_59 = arith.constant 1 : i32
    %dma_start3A_60 = arith.constant 0 : i32
    %dma_start3A_61 = tpu.memref_slice %arg7[%dma_start3A_59, %dma_start3A_60] : memref<80x128xi32, #tpu.memory_space<vmem>> -> memref<1x128xi32, #tpu.memory_space<vmem>>
    %dma_start3A_62 = tpu.memref_squeeze %dma_start3A_61 : memref<1x128xi32, #tpu.memory_space<vmem>> -> memref<128xi32, #tpu.memory_space<vmem>>
    %dma_start3A_63 = arith.constant 0 : i32
    %dma_start3A_64 = arith.constant 0 : i32
    %dma_start3A_65 = tpu.memref_slice %arg2[%dma_start3A_63, %dma_start3A_64] : memref<40000x128xf32, #tpu.memory_space<hbm>> -> memref<40000x128xf32, #tpu.memory_space<hbm>>
    tpu.enqueue_indirect_dma source(%dma_start3A_65 : memref<40000x128xf32, #tpu.memory_space<hbm>>) target(%arg10 : memref<128x128xf32, #tpu.memory_space<vmem>>) offsets(%dma_start3A_62 : memref<128xi32, #tpu.memory_space<vmem>>) semaphore(%arg13 : memref<!tpu.dma_semaphore, #tpu.memory_space<semaphore_mem>>)
    %scan3A_66 = arith.constant 0 : i32
    %scan3A_67 = arith.constant 5 : i32
    %scan3A_68 = arith.addi %scan3A_66, %scan3A_67 : i32
    %scan3A_69 = arith.constant 1 : i32
    scf.for %scan3A_72 = %scan3A_66 to %scan3A_68 step %scan3A_69  : i32 {
      %mul3A_73 = arith.constant 1 : i32
      %mul3A_74 = arith.muli %scan3A_72, %mul3A_73 : i32
      %add3A_75 = arith.constant 0 : i32
      %add3A_76 = arith.addi %add3A_75, %mul3A_74 : i32
      %mul3A_77 = arith.constant 16 : i32
      %mul3A_78 = arith.muli %add3A_76, %mul3A_77 : i32
      %mul3A_79 = arith.constant 80 : i32
      %mul3A_80 = arith.muli %arg1, %mul3A_79 : i32
      %add3A_81 = arith.addi %mul3A_80, %mul3A_78 : i32
      "tpu.region"() ({
        %run_scoped3A = tpu.sem_alloc : memref<!tpu.dma_semaphore, #tpu.memory_space<semaphore_mem>>
        %dma_start3A_87 = arith.constant 0 : i32
        %dma_start3A_88 = tpu.memref_slice %arg4[%add3A_81, %dma_start3A_87] : memref<1280x128xi32, #tpu.memory_space<hbm>> -> memref<16x128xi32, #tpu.memory_space<hbm>>
        %dma_start3A_89 = arith.constant 0 : i32
        %dma_start3A_90 = tpu.memref_slice %arg4[%add3A_81, %dma_start3A_89] : memref<1280x128xi32, #tpu.memory_space<hbm>> -> memref<16x128xi32, #tpu.memory_space<hbm>>
        tpu.enqueue_dma source(%dma_start3A_90 : memref<16x128xi32, #tpu.memory_space<hbm>>) target(%arg8 : memref<16x128xi32, #tpu.memory_space<vmem>>) target_semaphore(%run_scoped3A : memref<!tpu.dma_semaphore, #tpu.memory_space<semaphore_mem>>)
        %dma_wait3A = arith.constant 0 : i32
        %dma_wait3A_91 = tpu.memref_slice %arg4[%add3A_81, %dma_wait3A] : memref<1280x128xi32, #tpu.memory_space<hbm>> -> memref<16x128xi32, #tpu.memory_space<hbm>>
        %dma_wait3A_92 = arith.constant 0 : i32
        %dma_wait3A_93 = tpu.memref_slice %arg4[%add3A_81, %dma_wait3A_92] : memref<1280x128xi32, #tpu.memory_space<hbm>> -> memref<16x128xi32, #tpu.memory_space<hbm>>
        tpu.wait_dma2 semaphore(%run_scoped3A : memref<!tpu.dma_semaphore, #tpu.memory_space<semaphore_mem>>) src(%dma_wait3A_93 : memref<16x128xi32, #tpu.memory_space<hbm>>) dst(%arg8 : memref<16x128xi32, #tpu.memory_space<vmem>>)
        tpu.yield
      }) : () -> ()
      %scan3A_82 = arith.constant 0 : i32
      %scan3A_83 = arith.constant 8 : i32
      %scan3A_84 = arith.addi %scan3A_82, %scan3A_83 : i32
      %scan3A_85 = arith.constant 1 : i32
      scf.for %scan3A_87 = %scan3A_82 to %scan3A_84 step %scan3A_85  : i32 {
        %mul3A_88 = arith.constant 2 : i32
        %mul3A_89 = arith.muli %scan3A_87, %mul3A_88 : i32
        %add3A_90 = arith.constant 0 : i32
        %add3A_91 = arith.addi %add3A_90, %mul3A_89 : i32
        %add3A_92 = arith.addi %mul3A_78, %add3A_91 : i32
        %dma_wait3A = arith.constant 0 : i32
        %dma_wait3A_93 = arith.constant 0 : i32
        %dma_wait3A_94 = tpu.memref_slice %arg2[%dma_wait3A, %dma_wait3A_93] : memref<40000x128xf32, #tpu.memory_space<hbm>> -> memref<128x128xf32, #tpu.memory_space<hbm>>
        %dma_wait3A_95 = arith.constant 0 : i32
        %dma_wait3A_96 = arith.constant 0 : i32
        %dma_wait3A_97 = tpu.memref_slice %arg2[%dma_wait3A_95, %dma_wait3A_96] : memref<40000x128xf32, #tpu.memory_space<hbm>> -> memref<128x128xf32, #tpu.memory_space<hbm>>
        tpu.wait_dma2 semaphore(%arg12 : memref<!tpu.dma_semaphore, #tpu.memory_space<semaphore_mem>>) src(%dma_wait3A_97 : memref<128x128xf32, #tpu.memory_space<hbm>>) dst(%arg9 : memref<128x128xf32, #tpu.memory_space<vmem>>)
        "tpu.region"() ({
          %run_scoped3A = tpu.sem_alloc : memref<!tpu.dma_semaphore, #tpu.memory_space<semaphore_mem>>
          %dma_start3A_117 = arith.constant 0 : i32
          %dma_start3A_118 = tpu.memref_slice %arg8[%add3A_91, %dma_start3A_117] : memref<16x128xi32, #tpu.memory_space<vmem>> -> memref<1x128xi32, #tpu.memory_space<vmem>>
          %dma_start3A_119 = tpu.memref_squeeze %dma_start3A_118 : memref<1x128xi32, #tpu.memory_space<vmem>> -> memref<128xi32, #tpu.memory_space<vmem>>
          %dma_start3A_120 = arith.constant 0 : i32
          %dma_start3A_121 = arith.constant 0 : i32
          %dma_start3A_122 = tpu.memref_slice %arg11[%dma_start3A_120, %dma_start3A_121] : memref<10112x128xf32, #tpu.memory_space<vmem_shared>> -> memref<10112x128xf32, #tpu.memory_space<vmem_shared>>
          tpu.enqueue_indirect_dma source(%arg9 : memref<128x128xf32, #tpu.memory_space<vmem>>) target(%dma_start3A_122 : memref<10112x128xf32, #tpu.memory_space<vmem_shared>>) offsets(%dma_start3A_119 : memref<128xi32, #tpu.memory_space<vmem>>) semaphore(%run_scoped3A : memref<!tpu.dma_semaphore, #tpu.memory_space<semaphore_mem>>) {add = true}
          %dma_wait3A_123 = arith.constant 0 : i32
          %dma_wait3A_124 = tpu.memref_slice %arg8[%add3A_91, %dma_wait3A_123] : memref<16x128xi32, #tpu.memory_space<vmem>> -> memref<1x128xi32, #tpu.memory_space<vmem>>
          %dma_wait3A_125 = tpu.memref_squeeze %dma_wait3A_124 : memref<1x128xi32, #tpu.memory_space<vmem>> -> memref<128xi32, #tpu.memory_space<vmem>>
          %dma_wait3A_126 = arith.constant 0 : i32
          %dma_wait3A_127 = arith.constant 0 : i32
          %dma_wait3A_128 = tpu.memref_slice %arg11[%dma_wait3A_126, %dma_wait3A_127] : memref<10112x128xf32, #tpu.memory_space<vmem_shared>> -> memref<10112x128xf32, #tpu.memory_space<vmem_shared>>
          tpu.wait_indirect_dma semaphore(%run_scoped3A : memref<!tpu.dma_semaphore, #tpu.memory_space<semaphore_mem>>) src(%arg9 : memref<128x128xf32, #tpu.memory_space<vmem>>) dst(%dma_wait3A_128 : memref<10112x128xf32, #tpu.memory_space<vmem_shared>>)
          tpu.yield
        }) : () -> ()
        %add3A_98 = arith.constant 2 : i32
        %add3A_99 = arith.addi %add3A_92, %add3A_98 : i32
        %lt3A = arith.constant 80 : i32
        %lt3A_100 = arith.cmpi slt, %add3A_99, %lt3A : i32
        %convert_element_type3A = arith.extui %lt3A_100 : i1 to i32
        %cond3A = arith.constant 0 : i32
        %cond3A_101 = arith.cmpi ne, %convert_element_type3A, %cond3A : i32
        scf.if %cond3A_101 {
          %add3A_117 = arith.constant 2 : i32
          %add3A_118 = arith.addi %add3A_92, %add3A_117 : i32
          %dma_start3A_119 = arith.constant 0 : i32
          %dma_start3A_120 = tpu.memref_slice %arg7[%add3A_118, %dma_start3A_119] : memref<80x128xi32, #tpu.memory_space<vmem>> -> memref<1x128xi32, #tpu.memory_space<vmem>>
          %dma_start3A_121 = tpu.memref_squeeze %dma_start3A_120 : memref<1x128xi32, #tpu.memory_space<vmem>> -> memref<128xi32, #tpu.memory_space<vmem>>
          %dma_start3A_122 = arith.constant 0 : i32
          %dma_start3A_123 = arith.constant 0 : i32
          %dma_start3A_124 = tpu.memref_slice %arg2[%dma_start3A_122, %dma_start3A_123] : memref<40000x128xf32, #tpu.memory_space<hbm>> -> memref<40000x128xf32, #tpu.memory_space<hbm>>
          tpu.enqueue_indirect_dma source(%dma_start3A_124 : memref<40000x128xf32, #tpu.memory_space<hbm>>) target(%arg9 : memref<128x128xf32, #tpu.memory_space<vmem>>) offsets(%dma_start3A_121 : memref<128xi32, #tpu.memory_space<vmem>>) semaphore(%arg12 : memref<!tpu.dma_semaphore, #tpu.memory_space<semaphore_mem>>)
        } else {
        }
        %dma_wait3A_102 = arith.constant 0 : i32
        %dma_wait3A_103 = arith.constant 0 : i32
        %dma_wait3A_104 = tpu.memref_slice %arg2[%dma_wait3A_102, %dma_wait3A_103] : memref<40000x128xf32, #tpu.memory_space<hbm>> -> memref<128x128xf32, #tpu.memory_space<hbm>>
        %dma_wait3A_105 = arith.constant 0 : i32
        %dma_wait3A_106 = arith.constant 0 : i32
        %dma_wait3A_107 = tpu.memref_slice %arg2[%dma_wait3A_105, %dma_wait3A_106] : memref<40000x128xf32, #tpu.memory_space<hbm>> -> memref<128x128xf32, #tpu.memory_space<hbm>>
        tpu.wait_dma2 semaphore(%arg13 : memref<!tpu.dma_semaphore, #tpu.memory_space<semaphore_mem>>) src(%dma_wait3A_107 : memref<128x128xf32, #tpu.memory_space<hbm>>) dst(%arg10 : memref<128x128xf32, #tpu.memory_space<vmem>>)
        %add3A_108 = arith.constant 1 : i32
        %add3A_109 = arith.addi %add3A_91, %add3A_108 : i32
        "tpu.region"() ({
          %run_scoped3A = tpu.sem_alloc : memref<!tpu.dma_semaphore, #tpu.memory_space<semaphore_mem>>
          %dma_start3A_117 = arith.constant 0 : i32
          %dma_start3A_118 = tpu.memref_slice %arg8[%add3A_109, %dma_start3A_117] : memref<16x128xi32, #tpu.memory_space<vmem>> -> memref<1x128xi32, #tpu.memory_space<vmem>>
          %dma_start3A_119 = tpu.memref_squeeze %dma_start3A_118 : memref<1x128xi32, #tpu.memory_space<vmem>> -> memref<128xi32, #tpu.memory_space<vmem>>
          %dma_start3A_120 = arith.constant 0 : i32
          %dma_start3A_121 = arith.constant 0 : i32
          %dma_start3A_122 = tpu.memref_slice %arg11[%dma_start3A_120, %dma_start3A_121] : memref<10112x128xf32, #tpu.memory_space<vmem_shared>> -> memref<10112x128xf32, #tpu.memory_space<vmem_shared>>
          tpu.enqueue_indirect_dma source(%arg10 : memref<128x128xf32, #tpu.memory_space<vmem>>) target(%dma_start3A_122 : memref<10112x128xf32, #tpu.memory_space<vmem_shared>>) offsets(%dma_start3A_119 : memref<128xi32, #tpu.memory_space<vmem>>) semaphore(%run_scoped3A : memref<!tpu.dma_semaphore, #tpu.memory_space<semaphore_mem>>) {add = true}
          %dma_wait3A_123 = arith.constant 0 : i32
          %dma_wait3A_124 = tpu.memref_slice %arg8[%add3A_109, %dma_wait3A_123] : memref<16x128xi32, #tpu.memory_space<vmem>> -> memref<1x128xi32, #tpu.memory_space<vmem>>
          %dma_wait3A_125 = tpu.memref_squeeze %dma_wait3A_124 : memref<1x128xi32, #tpu.memory_space<vmem>> -> memref<128xi32, #tpu.memory_space<vmem>>
          %dma_wait3A_126 = arith.constant 0 : i32
          %dma_wait3A_127 = arith.constant 0 : i32
          %dma_wait3A_128 = tpu.memref_slice %arg11[%dma_wait3A_126, %dma_wait3A_127] : memref<10112x128xf32, #tpu.memory_space<vmem_shared>> -> memref<10112x128xf32, #tpu.memory_space<vmem_shared>>
          tpu.wait_indirect_dma semaphore(%run_scoped3A : memref<!tpu.dma_semaphore, #tpu.memory_space<semaphore_mem>>) src(%arg10 : memref<128x128xf32, #tpu.memory_space<vmem>>) dst(%dma_wait3A_128 : memref<10112x128xf32, #tpu.memory_space<vmem_shared>>)
          tpu.yield
        }) : () -> ()
        %add3A_110 = arith.constant 3 : i32
        %add3A_111 = arith.addi %add3A_92, %add3A_110 : i32
        %lt3A_112 = arith.constant 80 : i32
        %lt3A_113 = arith.cmpi slt, %add3A_111, %lt3A_112 : i32
        %convert_element_type3A_114 = arith.extui %lt3A_113 : i1 to i32
        %cond3A_115 = arith.constant 0 : i32
        %cond3A_116 = arith.cmpi ne, %convert_element_type3A_114, %cond3A_115 : i32
        scf.if %cond3A_116 {
          %add3A_117 = arith.constant 3 : i32
          %add3A_118 = arith.addi %add3A_92, %add3A_117 : i32
          %dma_start3A_119 = arith.constant 0 : i32
          %dma_start3A_120 = tpu.memref_slice %arg7[%add3A_118, %dma_start3A_119] : memref<80x128xi32, #tpu.memory_space<vmem>> -> memref<1x128xi32, #tpu.memory_space<vmem>>
          %dma_start3A_121 = tpu.memref_squeeze %dma_start3A_120 : memref<1x128xi32, #tpu.memory_space<vmem>> -> memref<128xi32, #tpu.memory_space<vmem>>
          %dma_start3A_122 = arith.constant 0 : i32
          %dma_start3A_123 = arith.constant 0 : i32
          %dma_start3A_124 = tpu.memref_slice %arg2[%dma_start3A_122, %dma_start3A_123] : memref<40000x128xf32, #tpu.memory_space<hbm>> -> memref<40000x128xf32, #tpu.memory_space<hbm>>
          tpu.enqueue_indirect_dma source(%dma_start3A_124 : memref<40000x128xf32, #tpu.memory_space<hbm>>) target(%arg10 : memref<128x128xf32, #tpu.memory_space<vmem>>) offsets(%dma_start3A_121 : memref<128xi32, #tpu.memory_space<vmem>>) semaphore(%arg13 : memref<!tpu.dma_semaphore, #tpu.memory_space<semaphore_mem>>)
        } else {
        }
      }
      %scan3A_86 = arith.constant 8 : i32
    }
    %scan3A_70 = arith.constant 5 : i32
    %barrier3A_71 = arith.constant 0 : index
    tpu.barrier barrier_id(%barrier3A_71)
    "tpu.region"() ({
      %run_scoped3A = tpu.sem_alloc : memref<!tpu.dma_semaphore, #tpu.memory_space<semaphore_mem>>
      %dma_start3A_72 = arith.constant 0 : i32
      %dma_start3A_73 = arith.constant 0 : i32
      %dma_start3A_74 = tpu.memref_slice %arg6[%add3A_49, %dma_start3A_72, %dma_start3A_73] : memref<4x10112x128xf32, #tpu.memory_space<hbm>> -> memref<1x10112x128xf32, #tpu.memory_space<hbm>>
      %dma_start3A_75 = tpu.memref_squeeze %dma_start3A_74 : memref<1x10112x128xf32, #tpu.memory_space<hbm>> -> memref<10112x128xf32, #tpu.memory_space<hbm>>
      %dma_start3A_76 = arith.constant 0 : i32
      %dma_start3A_77 = tpu.memref_slice %dma_start3A_75[%mul3A_0, %dma_start3A_76] : memref<10112x128xf32, #tpu.memory_space<hbm>> -> memref<632x128xf32, #tpu.memory_space<hbm>>
      %dma_start3A_78 = arith.constant 0 : i32
      %dma_start3A_79 = tpu.memref_slice %arg11[%mul3A_0, %dma_start3A_78] : memref<10112x128xf32, #tpu.memory_space<vmem_shared>> -> memref<632x128xf32, #tpu.memory_space<vmem_shared>>
      tpu.enqueue_dma source(%dma_start3A_79 : memref<632x128xf32, #tpu.memory_space<vmem_shared>>) target(%dma_start3A_77 : memref<632x128xf32, #tpu.memory_space<hbm>>) target_semaphore(%run_scoped3A : memref<!tpu.dma_semaphore, #tpu.memory_space<semaphore_mem>>)
      %dma_wait3A = arith.constant 0 : i32
      %dma_wait3A_80 = arith.constant 0 : i32
      %dma_wait3A_81 = tpu.memref_slice %arg6[%add3A_49, %dma_wait3A, %dma_wait3A_80] : memref<4x10112x128xf32, #tpu.memory_space<hbm>> -> memref<1x10112x128xf32, #tpu.memory_space<hbm>>
      %dma_wait3A_82 = tpu.memref_squeeze %dma_wait3A_81 : memref<1x10112x128xf32, #tpu.memory_space<hbm>> -> memref<10112x128xf32, #tpu.memory_space<hbm>>
      %dma_wait3A_83 = arith.constant 0 : i32
      %dma_wait3A_84 = tpu.memref_slice %dma_wait3A_82[%mul3A_0, %dma_wait3A_83] : memref<10112x128xf32, #tpu.memory_space<hbm>> -> memref<632x128xf32, #tpu.memory_space<hbm>>
      %dma_wait3A_85 = arith.constant 0 : i32
      %dma_wait3A_86 = tpu.memref_slice %arg11[%mul3A_0, %dma_wait3A_85] : memref<10112x128xf32, #tpu.memory_space<vmem_shared>> -> memref<632x128xf32, #tpu.memory_space<vmem_shared>>
      tpu.wait_dma2 semaphore(%run_scoped3A : memref<!tpu.dma_semaphore, #tpu.memory_space<semaphore_mem>>) src(%dma_wait3A_86 : memref<632x128xf32, #tpu.memory_space<vmem_shared>>) dst(%dma_wait3A_84 : memref<632x128xf32, #tpu.memory_space<hbm>>)
      tpu.yield
    }) : () -> ()
    return
  }
}

module attributes {stable_mosaic.version = 14 : i64} {
  func.func @body(%arg0: i32, %arg1: memref<1000x256xf32, #tpu.memory_space<vmem>>, %arg2: memref<2x1000x128xf32, #tpu.memory_space<vmem>>) attributes {dimension_semantics = [#tpu.dimension_semantics<arbitrary>], iteration_bounds = array<i64: 10>, scalar_prefetch = 0 : i64, scratch_operands = 0 : i64, tpu.core_type = #tpu.core_type<tc>, window_params = [{transform_indices = @transform_0, window_bounds = array<i64: 1000, 256>}, {transform_indices = @transform_1, window_bounds = array<i64: 2, 1000, 128>}]} {
    %get3A = arith.constant 0 : index
    %get3A_0 = arith.constant 0 : index
    %get3A_1 = vector.load %arg1[%get3A, %get3A_0] : memref<1000x256xf32, #tpu.memory_space<vmem>>, vector<1000x256xf32>
    %slice3A = vector.extract_strided_slice %get3A_1 {offsets = [0, 0], sizes = [1000, 128], strides = [1, 1]} : vector<1000x256xf32> to vector<1000x128xf32>
    %swap3A = arith.constant 0 : index
    %swap3A_2 = arith.constant 0 : index
    %swap3A_3 = arith.constant 0 : index
    %swap3A_4 = vector.load %arg2[%swap3A, %swap3A_2, %swap3A_3] : memref<2x1000x128xf32, #tpu.memory_space<vmem>>, vector<1x1000x128xf32>
    %swap3A_5 = vector.shape_cast %swap3A_4 : vector<1x1000x128xf32> to vector<1000x128xf32>
    %swap3A_6 = vector.shape_cast %slice3A : vector<1000x128xf32> to vector<1x1000x128xf32>
    tpu.vector_store %arg2[%swap3A, %swap3A_2, %swap3A_3], %swap3A_6 {strides = array<i32>} : memref<2x1000x128xf32, #tpu.memory_space<vmem>>, vector<1x1000x128xf32>,
    %slice3A_7 = vector.extract_strided_slice %get3A_1 {offsets = [0, 128], sizes = [1000, 128], strides = [1, 1]} : vector<1000x256xf32> to vector<1000x128xf32>
    %swap3A_8 = arith.constant 1 : index
    %swap3A_9 = arith.constant 0 : index
    %swap3A_10 = arith.constant 0 : index
    %swap3A_11 = vector.load %arg2[%swap3A_8, %swap3A_9, %swap3A_10] : memref<2x1000x128xf32, #tpu.memory_space<vmem>>, vector<1x1000x128xf32>
    %swap3A_12 = vector.shape_cast %swap3A_11 : vector<1x1000x128xf32> to vector<1000x128xf32>
    %swap3A_13 = vector.shape_cast %slice3A_7 : vector<1000x128xf32> to vector<1x1000x128xf32>
    tpu.vector_store %arg2[%swap3A_8, %swap3A_9, %swap3A_10], %swap3A_13 {strides = array<i32>} : memref<2x1000x128xf32, #tpu.memory_space<vmem>>, vector<1x1000x128xf32>,
    return
  }
  func.func @transform_0(%arg0: i32) -> (i32, i32) {
    %c0_i32 = arith.constant 0 : i32
    %c0_i32_0 = arith.constant 0 : i32
    return %arg0, %c0_i32 : i32, i32
  }
  func.func @transform_1(%arg0: i32) -> (i32, i32, i32) {
    %c0_i32 = arith.constant 0 : i32
    %c0_i32_0 = arith.constant 0 : i32
    %c0_i32_1 = arith.constant 0 : i32
    return %c0_i32, %arg0, %c0_i32_0 : i32, i32, i32
  }
}

module attributes {stable_mosaic.version = 14 : i64} {
  func.func @body(%arg0: i32, %arg1: memref<2x1000x128xf32, #tpu.memory_space<vmem>>, %arg2: memref<2x1000x128xf32, #tpu.memory_space<vmem>>, %arg3: memref<1000x256xf32, #tpu.memory_space<vmem>>, %arg4: memref<256x1024xbf16, #tpu.memory_space<vmem>>, %arg5: memref<1x1024xf32, #tpu.memory_space<vmem>>, %arg6: memref<256x1024xbf16, #tpu.memory_space<vmem>>, %arg7: memref<1024x512xbf16, #tpu.memory_space<vmem>>, %arg8: memref<4x1000x128xf32, #tpu.memory_space<vmem>>, %arg9: memref<1000x1024xf32, #tpu.memory_space<vmem>>) attributes {dimension_semantics = [#tpu.dimension_semantics<arbitrary>], iteration_bounds = array<i64: 10>, scalar_prefetch = 0 : i64, scratch_operands = 0 : i64, tpu.core_type = #tpu.core_type<tc>, window_params = [{transform_indices = @transform_0, window_bounds = array<i64: 2, 1000, 128>}, {transform_indices = @transform_1, window_bounds = array<i64: 2, 1000, 128>}, {transform_indices = @transform_2, window_bounds = array<i64: 1000, 256>}, {pipeline_mode = #tpu.pipeline_mode<synchronous>, transform_indices = @transform_3, window_bounds = array<i64: 256, 1024>}, {pipeline_mode = #tpu.pipeline_mode<synchronous>, transform_indices = @transform_4, window_bounds = array<i64: 1, 1024>}, {pipeline_mode = #tpu.pipeline_mode<synchronous>, transform_indices = @transform_5, window_bounds = array<i64: 256, 1024>}, {pipeline_mode = #tpu.pipeline_mode<synchronous>, transform_indices = @transform_6, window_bounds = array<i64: 1024, 512>}, {transform_indices = @transform_7, window_bounds = array<i64: 4, 1000, 128>}, {transform_indices = @transform_8, window_bounds = array<i64: 1000, 1024>}]} {
    %get3A = arith.constant 0 : index
    %get3A_0 = arith.constant 0 : index
    %get3A_1 = vector.load %arg3[%get3A, %get3A_0] : memref<1000x256xf32, #tpu.memory_space<vmem>>, vector<1000x256xf32>
    %convert_element_type3A = arith.truncf %get3A_1 : vector<1000x256xf32> to vector<1000x256xbf16>
    %get3A_2 = arith.constant 0 : index
    %get3A_3 = arith.constant 0 : index
    %get3A_4 = vector.load %arg4[%get3A_2, %get3A_3] : memref<256x1024xbf16, #tpu.memory_space<vmem>>, vector<256x1024xbf16>
    %dot_general3A = arith.constant dense<0.000000e+00> : vector<1000x1024xf32>
    %dot_general3A_5 = tpu.matmul %convert_element_type3A, %get3A_4, %dot_general3A {dimension_numbers = #tpu.dot_dimension_numbers<[1], [0], [0], [1], [0, 0, 1, 1], [], []>, transpose_lhs_hint = false} : vector<1000x256xbf16>, vector<256x1024xbf16>, vector<1000x1024xf32> -> vector<1000x1024xf32>
    %get3A_6 = arith.constant 0 : index
    %get3A_7 = arith.constant 0 : index
    %get3A_8 = vector.load %arg5[%get3A_6, %get3A_7] : memref<1x1024xf32, #tpu.memory_space<vmem>>, vector<1x1024xf32>
    %add3A = vector.broadcast %get3A_8 : vector<1x1024xf32> to vector<1000x1024xf32>
    %add3A_9 = arith.addf %dot_general3A_5, %add3A : vector<1000x1024xf32>
    %get3A_10 = arith.constant 0 : index
    %get3A_11 = arith.constant 0 : index
    %get3A_12 = arith.constant 0 : index
    %get3A_13 = vector.load %arg1[%get3A_10, %get3A_11, %get3A_12] : memref<2x1000x128xf32, #tpu.memory_space<vmem>>, vector<1x1000x128xf32>
    %get3A_14 = vector.shape_cast %get3A_13 : vector<1x1000x128xf32> to vector<1000x128xf32>
    %get3A_15 = arith.constant 1 : index
    %get3A_16 = arith.constant 0 : index
    %get3A_17 = arith.constant 0 : index
    %get3A_18 = vector.load %arg1[%get3A_15, %get3A_16, %get3A_17] : memref<2x1000x128xf32, #tpu.memory_space<vmem>>, vector<1x1000x128xf32>
    %get3A_19 = vector.shape_cast %get3A_18 : vector<1x1000x128xf32> to vector<1000x128xf32>
    %concatenate3A = tpu.concatenate %get3A_14, %get3A_19 in 1 : vector<1000x128xf32>, vector<1000x128xf32> -> vector<1000x256xf32>
    %get3A_20 = arith.constant 0 : index
    %get3A_21 = arith.constant 0 : index
    %get3A_22 = arith.constant 0 : index
    %get3A_23 = vector.load %arg2[%get3A_20, %get3A_21, %get3A_22] : memref<2x1000x128xf32, #tpu.memory_space<vmem>>, vector<1x1000x128xf32>
    %get3A_24 = vector.shape_cast %get3A_23 : vector<1x1000x128xf32> to vector<1000x128xf32>
    %slice3A = vector.extract_strided_slice %get3A_24 {offsets = [0, 0], sizes = [1000, 1], strides = [1, 1]} : vector<1000x128xf32> to vector<1000x1xf32>
    %get3A_25 = arith.constant 1 : index
    %get3A_26 = arith.constant 0 : index
    %get3A_27 = arith.constant 0 : index
    %get3A_28 = vector.load %arg2[%get3A_25, %get3A_26, %get3A_27] : memref<2x1000x128xf32, #tpu.memory_space<vmem>>, vector<1x1000x128xf32>
    %get3A_29 = vector.shape_cast %get3A_28 : vector<1x1000x128xf32> to vector<1000x128xf32>
    %slice3A_30 = vector.extract_strided_slice %get3A_29 {offsets = [0, 0], sizes = [1000, 1], strides = [1, 1]} : vector<1000x128xf32> to vector<1000x1xf32>
    %add3A_31 = arith.addf %slice3A, %slice3A_30 : vector<1000x1xf32>
    %max3A = arith.constant 1.000000e+00 : f32
    %max3A_32 = vector.broadcast %max3A : f32 to vector<1000x1xf32>
    %max3A_33 = arith.maximumf %add3A_31, %max3A_32 : vector<1000x1xf32>
    %div3A = arith.constant 1.000000e+00 : f32
    %div3A_34 = vector.broadcast %div3A : f32 to vector<1000x1xf32>
    %div3A_35 = arith.divf %div3A_34, %max3A_33 : vector<1000x1xf32>
    %mul3A = vector.broadcast %div3A_35 : vector<1000x1xf32> to vector<1000x256xf32>
    %mul3A_36 = arith.mulf %concatenate3A, %mul3A : vector<1000x256xf32>
    %convert_element_type3A_37 = arith.truncf %mul3A_36 : vector<1000x256xf32> to vector<1000x256xbf16>
    %get3A_38 = arith.constant 0 : index
    %get3A_39 = arith.constant 0 : index
    %get3A_40 = vector.load %arg6[%get3A_38, %get3A_39] : memref<256x1024xbf16, #tpu.memory_space<vmem>>, vector<256x1024xbf16>
    %dot_general3A_41 = arith.constant dense<0.000000e+00> : vector<1000x1024xf32>
    %dot_general3A_42 = tpu.matmul %convert_element_type3A_37, %get3A_40, %dot_general3A_41 {dimension_numbers = #tpu.dot_dimension_numbers<[1], [0], [0], [1], [0, 0, 1, 1], [], []>, transpose_lhs_hint = false} : vector<1000x256xbf16>, vector<256x1024xbf16>, vector<1000x1024xf32> -> vector<1000x1024xf32>
    %add3A_43 = arith.addf %dot_general3A_42, %add3A_9 : vector<1000x1024xf32>
    %gt3A = arith.constant 0.000000e+00 : f32
    %gt3A_44 = vector.broadcast %gt3A : f32 to vector<1000x1024xf32>
    %gt3A_45 = arith.cmpf ogt, %add3A_43, %gt3A_44 : vector<1000x1024xf32>
    %mul3A_46 = arith.constant 2.000000e-01 : f32
    %mul3A_47 = vector.broadcast %mul3A_46 : f32 to vector<1000x1024xf32>
    %mul3A_48 = arith.mulf %mul3A_47, %add3A_43 : vector<1000x1024xf32>
    %select_n3A = arith.select %gt3A_45, %add3A_43, %mul3A_48 : vector<1000x1024xi1>, vector<1000x1024xf32>
    %swap3A = arith.constant 0 : index
    %swap3A_49 = arith.constant 0 : index
    %swap3A_50 = vector.load %arg9[%swap3A, %swap3A_49] : memref<1000x1024xf32, #tpu.memory_space<vmem>>, vector<1000x1024xf32>
    tpu.vector_store %arg9[%swap3A, %swap3A_49], %select_n3A {strides = array<i32>} : memref<1000x1024xf32, #tpu.memory_space<vmem>>, vector<1000x1024xf32>,
    %convert_element_type3A_51 = arith.truncf %select_n3A : vector<1000x1024xf32> to vector<1000x1024xbf16>
    %get3A_52 = arith.constant 0 : index
    %get3A_53 = arith.constant 0 : index
    %get3A_54 = vector.load %arg7[%get3A_52, %get3A_53] : memref<1024x512xbf16, #tpu.memory_space<vmem>>, vector<1024x512xbf16>
    %dot_general3A_55 = arith.constant dense<0.000000e+00> : vector<1000x512xf32>
    %dot_general3A_56 = tpu.matmul %convert_element_type3A_51, %get3A_54, %dot_general3A_55 {dimension_numbers = #tpu.dot_dimension_numbers<[1], [0], [0], [1], [0, 0, 1, 1], [], []>, transpose_lhs_hint = false} : vector<1000x1024xbf16>, vector<1024x512xbf16>, vector<1000x512xf32> -> vector<1000x512xf32>
    %slice3A_57 = vector.extract_strided_slice %dot_general3A_56 {offsets = [0, 0], sizes = [1000, 128], strides = [1, 1]} : vector<1000x512xf32> to vector<1000x128xf32>
    %swap3A_58 = arith.constant 0 : index
    %swap3A_59 = arith.constant 0 : index
    %swap3A_60 = arith.constant 0 : index
    %swap3A_61 = vector.load %arg8[%swap3A_58, %swap3A_59, %swap3A_60] : memref<4x1000x128xf32, #tpu.memory_space<vmem>>, vector<1x1000x128xf32>
    %swap3A_62 = vector.shape_cast %swap3A_61 : vector<1x1000x128xf32> to vector<1000x128xf32>
    %swap3A_63 = vector.shape_cast %slice3A_57 : vector<1000x128xf32> to vector<1x1000x128xf32>
    tpu.vector_store %arg8[%swap3A_58, %swap3A_59, %swap3A_60], %swap3A_63 {strides = array<i32>} : memref<4x1000x128xf32, #tpu.memory_space<vmem>>, vector<1x1000x128xf32>,
    %slice3A_64 = vector.extract_strided_slice %dot_general3A_56 {offsets = [0, 128], sizes = [1000, 128], strides = [1, 1]} : vector<1000x512xf32> to vector<1000x128xf32>
    %swap3A_65 = arith.constant 1 : index
    %swap3A_66 = arith.constant 0 : index
    %swap3A_67 = arith.constant 0 : index
    %swap3A_68 = vector.load %arg8[%swap3A_65, %swap3A_66, %swap3A_67] : memref<4x1000x128xf32, #tpu.memory_space<vmem>>, vector<1x1000x128xf32>
    %swap3A_69 = vector.shape_cast %swap3A_68 : vector<1x1000x128xf32> to vector<1000x128xf32>
    %swap3A_70 = vector.shape_cast %slice3A_64 : vector<1000x128xf32> to vector<1x1000x128xf32>
    tpu.vector_store %arg8[%swap3A_65, %swap3A_66, %swap3A_67], %swap3A_70 {strides = array<i32>} : memref<4x1000x128xf32, #tpu.memory_space<vmem>>, vector<1x1000x128xf32>,
    %slice3A_71 = vector.extract_strided_slice %dot_general3A_56 {offsets = [0, 256], sizes = [1000, 128], strides = [1, 1]} : vector<1000x512xf32> to vector<1000x128xf32>
    %swap3A_72 = arith.constant 2 : index
    %swap3A_73 = arith.constant 0 : index
    %swap3A_74 = arith.constant 0 : index
    %swap3A_75 = vector.load %arg8[%swap3A_72, %swap3A_73, %swap3A_74] : memref<4x1000x128xf32, #tpu.memory_space<vmem>>, vector<1x1000x128xf32>
    %swap3A_76 = vector.shape_cast %swap3A_75 : vector<1x1000x128xf32> to vector<1000x128xf32>
    %swap3A_77 = vector.shape_cast %slice3A_71 : vector<1000x128xf32> to vector<1x1000x128xf32>
    tpu.vector_store %arg8[%swap3A_72, %swap3A_73, %swap3A_74], %swap3A_77 {strides = array<i32>} : memref<4x1000x128xf32, #tpu.memory_space<vmem>>, vector<1x1000x128xf32>,
    %slice3A_78 = vector.extract_strided_slice %dot_general3A_56 {offsets = [0, 384], sizes = [1000, 128], strides = [1, 1]} : vector<1000x512xf32> to vector<1000x128xf32>
    %swap3A_79 = arith.constant 3 : index
    %swap3A_80 = arith.constant 0 : index
    %swap3A_81 = arith.constant 0 : index
    %swap3A_82 = vector.load %arg8[%swap3A_79, %swap3A_80, %swap3A_81] : memref<4x1000x128xf32, #tpu.memory_space<vmem>>, vector<1x1000x128xf32>
    %swap3A_83 = vector.shape_cast %swap3A_82 : vector<1x1000x128xf32> to vector<1000x128xf32>
    %swap3A_84 = vector.shape_cast %slice3A_78 : vector<1000x128xf32> to vector<1x1000x128xf32>
    tpu.vector_store %arg8[%swap3A_79, %swap3A_80, %swap3A_81], %swap3A_84 {strides = array<i32>} : memref<4x1000x128xf32, #tpu.memory_space<vmem>>, vector<1x1000x128xf32>,
    return
  }
  func.func @transform_0(%arg0: i32) -> (i32, i32, i32) {
    %c0_i32 = arith.constant 0 : i32
    %c0_i32_0 = arith.constant 0 : i32
    %c0_i32_1 = arith.constant 0 : i32
    return %c0_i32, %arg0, %c0_i32_0 : i32, i32, i32
  }
  func.func @transform_1(%arg0: i32) -> (i32, i32, i32) {
    %c0_i32 = arith.constant 0 : i32
    %c0_i32_0 = arith.constant 0 : i32
    %c0_i32_1 = arith.constant 0 : i32
    return %c0_i32, %arg0, %c0_i32_0 : i32, i32, i32
  }
  func.func @transform_2(%arg0: i32) -> (i32, i32) {
    %c0_i32 = arith.constant 0 : i32
    %c0_i32_0 = arith.constant 0 : i32
    return %arg0, %c0_i32 : i32, i32
  }
  func.func @transform_3(%arg0: i32) -> (i32, i32) {
    %c0_i32 = arith.constant 0 : i32
    %c0_i32_0 = arith.constant 0 : i32
    %c0_i32_1 = arith.constant 0 : i32
    return %c0_i32, %c0_i32_0 : i32, i32
  }
  func.func @transform_4(%arg0: i32) -> (i32, i32) {
    %c0_i32 = arith.constant 0 : i32
    %c0_i32_0 = arith.constant 0 : i32
    %c0_i32_1 = arith.constant 0 : i32
    return %c0_i32, %c0_i32_0 : i32, i32
  }
  func.func @transform_5(%arg0: i32) -> (i32, i32) {
    %c0_i32 = arith.constant 0 : i32
    %c0_i32_0 = arith.constant 0 : i32
    %c0_i32_1 = arith.constant 0 : i32
    return %c0_i32, %c0_i32_0 : i32, i32
  }
  func.func @transform_6(%arg0: i32) -> (i32, i32) {
    %c0_i32 = arith.constant 0 : i32
    %c0_i32_0 = arith.constant 0 : i32
    %c0_i32_1 = arith.constant 0 : i32
    return %c0_i32, %c0_i32_0 : i32, i32
  }
  func.func @transform_7(%arg0: i32) -> (i32, i32, i32) {
    %c0_i32 = arith.constant 0 : i32
    %c0_i32_0 = arith.constant 0 : i32
    %c0_i32_1 = arith.constant 0 : i32
    return %c0_i32, %arg0, %c0_i32_0 : i32, i32, i32
  }
  func.func @transform_8(%arg0: i32) -> (i32, i32) {
    %c0_i32 = arith.constant 0 : i32
    %c0_i32_0 = arith.constant 0 : i32
    return %arg0, %c0_i32 : i32, i32
  }
}

module attributes {stable_mosaic.version = 14 : i64} {
  func.func @body(%arg0: i32, %arg1: memref<4x1000x128xf32, #tpu.memory_space<vmem>>, %arg2: memref<2x1000x128xf32, #tpu.memory_space<vmem>>, %arg3: memref<1000x1024xf32, #tpu.memory_space<vmem>>, %arg4: memref<1024x512xbf16, #tpu.memory_space<vmem>>, %arg5: memref<1x512xf32, #tpu.memory_space<vmem>>, %arg6: memref<512x256xbf16, #tpu.memory_space<vmem>>, %arg7: memref<2x1000x128xf32, #tpu.memory_space<vmem>>, %arg8: memref<1000x512xf32, #tpu.memory_space<vmem>>) attributes {dimension_semantics = [#tpu.dimension_semantics<arbitrary>], iteration_bounds = array<i64: 10>, scalar_prefetch = 0 : i64, scratch_operands = 0 : i64, tpu.core_type = #tpu.core_type<tc>, window_params = [{transform_indices = @transform_0, window_bounds = array<i64: 4, 1000, 128>}, {transform_indices = @transform_1, window_bounds = array<i64: 2, 1000, 128>}, {transform_indices = @transform_2, window_bounds = array<i64: 1000, 1024>}, {pipeline_mode = #tpu.pipeline_mode<synchronous>, transform_indices = @transform_3, window_bounds = array<i64: 1024, 512>}, {pipeline_mode = #tpu.pipeline_mode<synchronous>, transform_indices = @transform_4, window_bounds = array<i64: 1, 512>}, {pipeline_mode = #tpu.pipeline_mode<synchronous>, transform_indices = @transform_5, window_bounds = array<i64: 512, 256>}, {transform_indices = @transform_6, window_bounds = array<i64: 2, 1000, 128>}, {transform_indices = @transform_7, window_bounds = array<i64: 1000, 512>}]} {
    %get3A = arith.constant 0 : index
    %get3A_0 = arith.constant 0 : index
    %get3A_1 = vector.load %arg3[%get3A, %get3A_0] : memref<1000x1024xf32, #tpu.memory_space<vmem>>, vector<1000x1024xf32>
    %convert_element_type3A = arith.truncf %get3A_1 : vector<1000x1024xf32> to vector<1000x1024xbf16>
    %get3A_2 = arith.constant 0 : index
    %get3A_3 = arith.constant 0 : index
    %get3A_4 = vector.load %arg4[%get3A_2, %get3A_3] : memref<1024x512xbf16, #tpu.memory_space<vmem>>, vector<1024x512xbf16>
    %dot_general3A = arith.constant dense<0.000000e+00> : vector<1000x512xf32>
    %dot_general3A_5 = tpu.matmul %convert_element_type3A, %get3A_4, %dot_general3A {dimension_numbers = #tpu.dot_dimension_numbers<[1], [0], [0], [1], [0, 0, 1, 1], [], []>, transpose_lhs_hint = false} : vector<1000x1024xbf16>, vector<1024x512xbf16>, vector<1000x512xf32> -> vector<1000x512xf32>
    %get3A_6 = arith.constant 0 : index
    %get3A_7 = arith.constant 0 : index
    %get3A_8 = vector.load %arg5[%get3A_6, %get3A_7] : memref<1x512xf32, #tpu.memory_space<vmem>>, vector<1x512xf32>
    %add3A = vector.broadcast %get3A_8 : vector<1x512xf32> to vector<1000x512xf32>
    %add3A_9 = arith.addf %dot_general3A_5, %add3A : vector<1000x512xf32>
    %get3A_10 = arith.constant 0 : index
    %get3A_11 = arith.constant 0 : index
    %get3A_12 = arith.constant 0 : index
    %get3A_13 = vector.load %arg1[%get3A_10, %get3A_11, %get3A_12] : memref<4x1000x128xf32, #tpu.memory_space<vmem>>, vector<1x1000x128xf32>
    %get3A_14 = vector.shape_cast %get3A_13 : vector<1x1000x128xf32> to vector<1000x128xf32>
    %get3A_15 = arith.constant 1 : index
    %get3A_16 = arith.constant 0 : index
    %get3A_17 = arith.constant 0 : index
    %get3A_18 = vector.load %arg1[%get3A_15, %get3A_16, %get3A_17] : memref<4x1000x128xf32, #tpu.memory_space<vmem>>, vector<1x1000x128xf32>
    %get3A_19 = vector.shape_cast %get3A_18 : vector<1x1000x128xf32> to vector<1000x128xf32>
    %get3A_20 = arith.constant 2 : index
    %get3A_21 = arith.constant 0 : index
    %get3A_22 = arith.constant 0 : index
    %get3A_23 = vector.load %arg1[%get3A_20, %get3A_21, %get3A_22] : memref<4x1000x128xf32, #tpu.memory_space<vmem>>, vector<1x1000x128xf32>
    %get3A_24 = vector.shape_cast %get3A_23 : vector<1x1000x128xf32> to vector<1000x128xf32>
    %get3A_25 = arith.constant 3 : index
    %get3A_26 = arith.constant 0 : index
    %get3A_27 = arith.constant 0 : index
    %get3A_28 = vector.load %arg1[%get3A_25, %get3A_26, %get3A_27] : memref<4x1000x128xf32, #tpu.memory_space<vmem>>, vector<1x1000x128xf32>
    %get3A_29 = vector.shape_cast %get3A_28 : vector<1x1000x128xf32> to vector<1000x128xf32>
    %concatenate3A = tpu.concatenate %get3A_14, %get3A_19, %get3A_24, %get3A_29 in 1 : vector<1000x128xf32>, vector<1000x128xf32>, vector<1000x128xf32>, vector<1000x128xf32> -> vector<1000x512xf32>
    %get3A_30 = arith.constant 0 : index
    %get3A_31 = arith.constant 0 : index
    %get3A_32 = arith.constant 0 : index
    %get3A_33 = vector.load %arg2[%get3A_30, %get3A_31, %get3A_32] : memref<2x1000x128xf32, #tpu.memory_space<vmem>>, vector<1x1000x128xf32>
    %get3A_34 = vector.shape_cast %get3A_33 : vector<1x1000x128xf32> to vector<1000x128xf32>
    %slice3A = vector.extract_strided_slice %get3A_34 {offsets = [0, 0], sizes = [1000, 1], strides = [1, 1]} : vector<1000x128xf32> to vector<1000x1xf32>
    %get3A_35 = arith.constant 1 : index
    %get3A_36 = arith.constant 0 : index
    %get3A_37 = arith.constant 0 : index
    %get3A_38 = vector.load %arg2[%get3A_35, %get3A_36, %get3A_37] : memref<2x1000x128xf32, #tpu.memory_space<vmem>>, vector<1x1000x128xf32>
    %get3A_39 = vector.shape_cast %get3A_38 : vector<1x1000x128xf32> to vector<1000x128xf32>
    %slice3A_40 = vector.extract_strided_slice %get3A_39 {offsets = [0, 0], sizes = [1000, 1], strides = [1, 1]} : vector<1000x128xf32> to vector<1000x1xf32>
    %add3A_41 = arith.addf %slice3A, %slice3A_40 : vector<1000x1xf32>
    %max3A = arith.constant 1.000000e+00 : f32
    %max3A_42 = vector.broadcast %max3A : f32 to vector<1000x1xf32>
    %max3A_43 = arith.maximumf %add3A_41, %max3A_42 : vector<1000x1xf32>
    %div3A = arith.constant 1.000000e+00 : f32
    %div3A_44 = vector.broadcast %div3A : f32 to vector<1000x1xf32>
    %div3A_45 = arith.divf %div3A_44, %max3A_43 : vector<1000x1xf32>
    %mul3A = vector.broadcast %div3A_45 : vector<1000x1xf32> to vector<1000x512xf32>
    %mul3A_46 = arith.mulf %concatenate3A, %mul3A : vector<1000x512xf32>
    %add3A_47 = arith.addf %mul3A_46, %add3A_9 : vector<1000x512xf32>
    %gt3A = arith.constant 0.000000e+00 : f32
    %gt3A_48 = vector.broadcast %gt3A : f32 to vector<1000x512xf32>
    %gt3A_49 = arith.cmpf ogt, %add3A_47, %gt3A_48 : vector<1000x512xf32>
    %mul3A_50 = arith.constant 2.000000e-01 : f32
    %mul3A_51 = vector.broadcast %mul3A_50 : f32 to vector<1000x512xf32>
    %mul3A_52 = arith.mulf %mul3A_51, %add3A_47 : vector<1000x512xf32>
    %select_n3A = arith.select %gt3A_49, %add3A_47, %mul3A_52 : vector<1000x512xi1>, vector<1000x512xf32>
    %swap3A = arith.constant 0 : index
    %swap3A_53 = arith.constant 0 : index
    %swap3A_54 = vector.load %arg8[%swap3A, %swap3A_53] : memref<1000x512xf32, #tpu.memory_space<vmem>>, vector<1000x512xf32>
    tpu.vector_store %arg8[%swap3A, %swap3A_53], %select_n3A {strides = array<i32>} : memref<1000x512xf32, #tpu.memory_space<vmem>>, vector<1000x512xf32>,
    %convert_element_type3A_55 = arith.truncf %select_n3A : vector<1000x512xf32> to vector<1000x512xbf16>
    %get3A_56 = arith.constant 0 : index
    %get3A_57 = arith.constant 0 : index
    %get3A_58 = vector.load %arg6[%get3A_56, %get3A_57] : memref<512x256xbf16, #tpu.memory_space<vmem>>, vector<512x256xbf16>
    %dot_general3A_59 = arith.constant dense<0.000000e+00> : vector<1000x256xf32>
    %dot_general3A_60 = tpu.matmul %convert_element_type3A_55, %get3A_58, %dot_general3A_59 {dimension_numbers = #tpu.dot_dimension_numbers<[1], [0], [0], [1], [0, 0, 1, 1], [], []>, transpose_lhs_hint = false} : vector<1000x512xbf16>, vector<512x256xbf16>, vector<1000x256xf32> -> vector<1000x256xf32>
    %slice3A_61 = vector.extract_strided_slice %dot_general3A_60 {offsets = [0, 0], sizes = [1000, 128], strides = [1, 1]} : vector<1000x256xf32> to vector<1000x128xf32>
    %swap3A_62 = arith.constant 0 : index
    %swap3A_63 = arith.constant 0 : index
    %swap3A_64 = arith.constant 0 : index
    %swap3A_65 = vector.load %arg7[%swap3A_62, %swap3A_63, %swap3A_64] : memref<2x1000x128xf32, #tpu.memory_space<vmem>>, vector<1x1000x128xf32>
    %swap3A_66 = vector.shape_cast %swap3A_65 : vector<1x1000x128xf32> to vector<1000x128xf32>
    %swap3A_67 = vector.shape_cast %slice3A_61 : vector<1000x128xf32> to vector<1x1000x128xf32>
    tpu.vector_store %arg7[%swap3A_62, %swap3A_63, %swap3A_64], %swap3A_67 {strides = array<i32>} : memref<2x1000x128xf32, #tpu.memory_space<vmem>>, vector<1x1000x128xf32>,
    %slice3A_68 = vector.extract_strided_slice %dot_general3A_60 {offsets = [0, 128], sizes = [1000, 128], strides = [1, 1]} : vector<1000x256xf32> to vector<1000x128xf32>
    %swap3A_69 = arith.constant 1 : index
    %swap3A_70 = arith.constant 0 : index
    %swap3A_71 = arith.constant 0 : index
    %swap3A_72 = vector.load %arg7[%swap3A_69, %swap3A_70, %swap3A_71] : memref<2x1000x128xf32, #tpu.memory_space<vmem>>, vector<1x1000x128xf32>
    %swap3A_73 = vector.shape_cast %swap3A_72 : vector<1x1000x128xf32> to vector<1000x128xf32>
    %swap3A_74 = vector.shape_cast %slice3A_68 : vector<1000x128xf32> to vector<1x1000x128xf32>
    tpu.vector_store %arg7[%swap3A_69, %swap3A_70, %swap3A_71], %swap3A_74 {strides = array<i32>} : memref<2x1000x128xf32, #tpu.memory_space<vmem>>, vector<1x1000x128xf32>,
    return
  }
  func.func @transform_0(%arg0: i32) -> (i32, i32, i32) {
    %c0_i32 = arith.constant 0 : i32
    %c0_i32_0 = arith.constant 0 : i32
    %c0_i32_1 = arith.constant 0 : i32
    return %c0_i32, %arg0, %c0_i32_0 : i32, i32, i32
  }
  func.func @transform_1(%arg0: i32) -> (i32, i32, i32) {
    %c0_i32 = arith.constant 0 : i32
    %c0_i32_0 = arith.constant 0 : i32
    %c0_i32_1 = arith.constant 0 : i32
    return %c0_i32, %arg0, %c0_i32_0 : i32, i32, i32
  }
  func.func @transform_2(%arg0: i32) -> (i32, i32) {
    %c0_i32 = arith.constant 0 : i32
    %c0_i32_0 = arith.constant 0 : i32
    return %arg0, %c0_i32 : i32, i32
  }
  func.func @transform_3(%arg0: i32) -> (i32, i32) {
    %c0_i32 = arith.constant 0 : i32
    %c0_i32_0 = arith.constant 0 : i32
    %c0_i32_1 = arith.constant 0 : i32
    return %c0_i32, %c0_i32_0 : i32, i32
  }
  func.func @transform_4(%arg0: i32) -> (i32, i32) {
    %c0_i32 = arith.constant 0 : i32
    %c0_i32_0 = arith.constant 0 : i32
    %c0_i32_1 = arith.constant 0 : i32
    return %c0_i32, %c0_i32_0 : i32, i32
  }
  func.func @transform_5(%arg0: i32) -> (i32, i32) {
    %c0_i32 = arith.constant 0 : i32
    %c0_i32_0 = arith.constant 0 : i32
    %c0_i32_1 = arith.constant 0 : i32
    return %c0_i32, %c0_i32_0 : i32, i32
  }
  func.func @transform_6(%arg0: i32) -> (i32, i32, i32) {
    %c0_i32 = arith.constant 0 : i32
    %c0_i32_0 = arith.constant 0 : i32
    %c0_i32_1 = arith.constant 0 : i32
    return %c0_i32, %arg0, %c0_i32_0 : i32, i32, i32
  }
  func.func @transform_7(%arg0: i32) -> (i32, i32) {
    %c0_i32 = arith.constant 0 : i32
    %c0_i32_0 = arith.constant 0 : i32
    return %arg0, %c0_i32 : i32, i32
  }
}

module attributes {stable_mosaic.version = 14 : i64} {
  func.func @body(%arg0: i32, %arg1: memref<2x1000x128xf32, #tpu.memory_space<vmem>>, %arg2: memref<2x1000x128xf32, #tpu.memory_space<vmem>>, %arg3: memref<1000x512xf32, #tpu.memory_space<vmem>>, %arg4: memref<512x256xbf16, #tpu.memory_space<vmem>>, %arg5: memref<1x256xf32, #tpu.memory_space<vmem>>, %arg6: memref<1000x256xf32, #tpu.memory_space<vmem>>) attributes {dimension_semantics = [#tpu.dimension_semantics<arbitrary>], iteration_bounds = array<i64: 10>, scalar_prefetch = 0 : i64, scratch_operands = 0 : i64, tpu.core_type = #tpu.core_type<tc>, window_params = [{transform_indices = @transform_0, window_bounds = array<i64: 2, 1000, 128>}, {transform_indices = @transform_1, window_bounds = array<i64: 2, 1000, 128>}, {transform_indices = @transform_2, window_bounds = array<i64: 1000, 512>}, {pipeline_mode = #tpu.pipeline_mode<synchronous>, transform_indices = @transform_3, window_bounds = array<i64: 512, 256>}, {pipeline_mode = #tpu.pipeline_mode<synchronous>, transform_indices = @transform_4, window_bounds = array<i64: 1, 256>}, {transform_indices = @transform_5, window_bounds = array<i64: 1000, 256>}]} {
    %get3A = arith.constant 0 : index
    %get3A_0 = arith.constant 0 : index
    %get3A_1 = vector.load %arg3[%get3A, %get3A_0] : memref<1000x512xf32, #tpu.memory_space<vmem>>, vector<1000x512xf32>
    %convert_element_type3A = arith.truncf %get3A_1 : vector<1000x512xf32> to vector<1000x512xbf16>
    %get3A_2 = arith.constant 0 : index
    %get3A_3 = arith.constant 0 : index
    %get3A_4 = vector.load %arg4[%get3A_2, %get3A_3] : memref<512x256xbf16, #tpu.memory_space<vmem>>, vector<512x256xbf16>
    %dot_general3A = arith.constant dense<0.000000e+00> : vector<1000x256xf32>
    %dot_general3A_5 = tpu.matmul %convert_element_type3A, %get3A_4, %dot_general3A {dimension_numbers = #tpu.dot_dimension_numbers<[1], [0], [0], [1], [0, 0, 1, 1], [], []>, transpose_lhs_hint = false} : vector<1000x512xbf16>, vector<512x256xbf16>, vector<1000x256xf32> -> vector<1000x256xf32>
    %get3A_6 = arith.constant 0 : index
    %get3A_7 = arith.constant 0 : index
    %get3A_8 = vector.load %arg5[%get3A_6, %get3A_7] : memref<1x256xf32, #tpu.memory_space<vmem>>, vector<1x256xf32>
    %add3A = vector.broadcast %get3A_8 : vector<1x256xf32> to vector<1000x256xf32>
    %add3A_9 = arith.addf %dot_general3A_5, %add3A : vector<1000x256xf32>
    %get3A_10 = arith.constant 0 : index
    %get3A_11 = arith.constant 0 : index
    %get3A_12 = arith.constant 0 : index
    %get3A_13 = vector.load %arg1[%get3A_10, %get3A_11, %get3A_12] : memref<2x1000x128xf32, #tpu.memory_space<vmem>>, vector<1x1000x128xf32>
    %get3A_14 = vector.shape_cast %get3A_13 : vector<1x1000x128xf32> to vector<1000x128xf32>
    %get3A_15 = arith.constant 1 : index
    %get3A_16 = arith.constant 0 : index
    %get3A_17 = arith.constant 0 : index
    %get3A_18 = vector.load %arg1[%get3A_15, %get3A_16, %get3A_17] : memref<2x1000x128xf32, #tpu.memory_space<vmem>>, vector<1x1000x128xf32>
    %get3A_19 = vector.shape_cast %get3A_18 : vector<1x1000x128xf32> to vector<1000x128xf32>
    %concatenate3A = tpu.concatenate %get3A_14, %get3A_19 in 1 : vector<1000x128xf32>, vector<1000x128xf32> -> vector<1000x256xf32>
    %get3A_20 = arith.constant 0 : index
    %get3A_21 = arith.constant 0 : index
    %get3A_22 = arith.constant 0 : index
    %get3A_23 = vector.load %arg2[%get3A_20, %get3A_21, %get3A_22] : memref<2x1000x128xf32, #tpu.memory_space<vmem>>, vector<1x1000x128xf32>
    %get3A_24 = vector.shape_cast %get3A_23 : vector<1x1000x128xf32> to vector<1000x128xf32>
    %slice3A = vector.extract_strided_slice %get3A_24 {offsets = [0, 0], sizes = [1000, 1], strides = [1, 1]} : vector<1000x128xf32> to vector<1000x1xf32>
    %get3A_25 = arith.constant 1 : index
    %get3A_26 = arith.constant 0 : index
    %get3A_27 = arith.constant 0 : index
    %get3A_28 = vector.load %arg2[%get3A_25, %get3A_26, %get3A_27] : memref<2x1000x128xf32, #tpu.memory_space<vmem>>, vector<1x1000x128xf32>
    %get3A_29 = vector.shape_cast %get3A_28 : vector<1x1000x128xf32> to vector<1000x128xf32>
    %slice3A_30 = vector.extract_strided_slice %get3A_29 {offsets = [0, 0], sizes = [1000, 1], strides = [1, 1]} : vector<1000x128xf32> to vector<1000x1xf32>
    %add3A_31 = arith.addf %slice3A, %slice3A_30 : vector<1000x1xf32>
    %max3A = arith.constant 1.000000e+00 : f32
    %max3A_32 = vector.broadcast %max3A : f32 to vector<1000x1xf32>
    %max3A_33 = arith.maximumf %add3A_31, %max3A_32 : vector<1000x1xf32>
    %div3A = arith.constant 1.000000e+00 : f32
    %div3A_34 = vector.broadcast %div3A : f32 to vector<1000x1xf32>
    %div3A_35 = arith.divf %div3A_34, %max3A_33 : vector<1000x1xf32>
    %mul3A = vector.broadcast %div3A_35 : vector<1000x1xf32> to vector<1000x256xf32>
    %mul3A_36 = arith.mulf %concatenate3A, %mul3A : vector<1000x256xf32>
    %add3A_37 = arith.addf %mul3A_36, %add3A_9 : vector<1000x256xf32>
    %swap3A = arith.constant 0 : index
    %swap3A_38 = arith.constant 0 : index
    %swap3A_39 = vector.load %arg6[%swap3A, %swap3A_38] : memref<1000x256xf32, #tpu.memory_space<vmem>>, vector<1000x256xf32>
    tpu.vector_store %arg6[%swap3A, %swap3A_38], %add3A_37 {strides = array<i32>} : memref<1000x256xf32, #tpu.memory_space<vmem>>, vector<1000x256xf32>,
    return
  }
  func.func @transform_0(%arg0: i32) -> (i32, i32, i32) {
    %c0_i32 = arith.constant 0 : i32
    %c0_i32_0 = arith.constant 0 : i32
    %c0_i32_1 = arith.constant 0 : i32
    return %c0_i32, %arg0, %c0_i32_0 : i32, i32, i32
  }
  func.func @transform_1(%arg0: i32) -> (i32, i32, i32) {
    %c0_i32 = arith.constant 0 : i32
    %c0_i32_0 = arith.constant 0 : i32
    %c0_i32_1 = arith.constant 0 : i32
    return %c0_i32, %arg0, %c0_i32_0 : i32, i32, i32
  }
  func.func @transform_2(%arg0: i32) -> (i32, i32) {
    %c0_i32 = arith.constant 0 : i32
    %c0_i32_0 = arith.constant 0 : i32
    return %arg0, %c0_i32 : i32, i32
  }
  func.func @transform_3(%arg0: i32) -> (i32, i32) {
    %c0_i32 = arith.constant 0 : i32
    %c0_i32_0 = arith.constant 0 : i32
    %c0_i32_1 = arith.constant 0 : i32
    return %c0_i32, %c0_i32_0 : i32, i32
  }
  func.func @transform_4(%arg0: i32) -> (i32, i32) {
    %c0_i32 = arith.constant 0 : i32
    %c0_i32_0 = arith.constant 0 : i32
    %c0_i32_1 = arith.constant 0 : i32
    return %c0_i32, %c0_i32_0 : i32, i32
  }
  func.func @transform_5(%arg0: i32) -> (i32, i32) {
    %c0_i32 = arith.constant 0 : i32
    %c0_i32_0 = arith.constant 0 : i32
    return %arg0, %c0_i32 : i32, i32
  }
}

</mosaic_0001>

<sc_bundles>
// kernel: kernel.12.cloned.1.call-start
scs
__scs_entry_jumppad:
0x0: {  	(pc) =	sbr.rel $0x88, $3  }
0x1: {  	(tag) =	ssettag $0x0;
	lr =	simm.s32 $0x1  }
0x2: {  	[smem:$0x3F96] =	sst lr;
	_ =	strace $0xD0000000  }
0x3: {  	_ = 	snop  }
0x4: {  	_ = 	snop  }
0x5: {  	_ = 	snop  }
0x6: {  	_ = 	snop  }
0x7: {  	_ = 	snop  }
__scs_overlays_trampoline_lowered:
0x8: {  	[smem:$0x3FA5] =	sst s0  }
0x9: {  	[smem:$0x3FA6] =	sst s1  }
0xa: {  	[smem:$0x3FA7] =	sst s2  }
0xb: {  	[smem:$0x3FA8] =	sst s3  }
0xc: {  	[smem:$0x3FA9] =	sst s4  }
0xd: {  	[smem:$0x3FAA] =	sst s5  }
0xe: {  	[smem:$0x3FAB] =	sst s6  }
0xf: {  	[smem:$0x3FAC] =	sst s7  }
0x10: {  	[smem:$0x3FAD] =	sst s8  }
0x11: {  	[smem:$0x3FAE] =	sst s9;
	s0 =	simm.s32 @!p0 $0x0  }
0x12: {  	s1 =	sld [smem:$0x3F94];
	s0 =	simm.s32 @p0 $0x1  }
0x13: {  	[smem:$0x3FAF] =	sst s0;
	s0 =	simm.s32 @!p1 $0x0  }
0x14: {  	s2 =	sld [smem:$0x3F93];
	s0 =	simm.s32 @p1 $0x1  }
0x15: {  	[smem:$0x3FB0] =	sst s0;
	s0 =	simm.s32 @!p2 $0x0  }
0x16: {  	s3 =	sld [smem:$0x3FDB];
	s0 =	simm.s32 @p2 $0x1  }
0x17: {  	s4 =	simm.s32 $0x1BF5;
	[smem:$0x3FB2] =	sst s0  }
0x18: {  	s0 =	sld [smem:$0x3F95];
	_ =	swait.ge [sflag:s4], $0x0  }
0x19: {  	s7 =	sld [smem:$0x3F96]  }
0x1a: {  	s8 =	sadd.s32 $0xFFFFE003, lr  }
0x1b: {  	s9 =	sadd.s32 $0xFFFFFEF7, lr;
	s5 =	simm.s32 $0xFFFFFFFF;
	p2 =	slt.u32 s8, $0xFFFFF086  }
0x1c: {  	p1 =	slt.u32 s9, $0xF7A;
	s5 =	simm.s32 @!p2 $0x0  }
0x1d: {  	s5 =	simm.s32 @p1 $0x1;
	p0 =	seq.s32 s7, s2  }
0x1e: {  	s7 =	smul.u32 @!p0 $0xF7A, s2;
	p2 =	seq.s32 @!p0 s5, $0x0  }
0x1f: {  	s9 =	smul.u32 $0xF7A, s1;
	s8 =	simm.s32 @!p0 $0x1BF5;
	p2 =	por !p2, p0  }
0x20: {  	[sflag:s8] =	ssyncset.s32 @!p0 $0xFFFFF086;
	s6 =	sadd.s32 @!p0 s3, s7;
	s7 =	simm.s32 @!p0 $0x108  }
0x21: {  	s3 =	sadd.s32 s3, s9;
	s6 =	sadd.s32 @!p0 $0x88, s6;
	s7 =	simm.s32 @p2 $0x1082  }
0x22: {  	[simem:s7], [sflag:s8] =	dma.local @!p0 [hbm:s6], $0xF7A  }
0x23: {  	s9 =	sor.u32 $0xD0000000, s2;
	s6 =	simm.s32 $0x108;
	_ =	swait.ge @!p0 [sflag:s8], $0x0  }
0x24: {  	s3 =	sadd.s32 $0x88, s3;
	s6 =	simm.s32 @!p1 $0x1082;
	[sflag:s4] =	ssyncset.s32 $0xFFFFF086  }
0x25: {  	[simem:s6], [sflag:s4] =	dma.local [hbm:s3], $0xF7A  }
0x26: {  	[smem:$0x3F96] =	sst s1;
	(tag) =	ssettag s2;
	_ =	strace s9  }
0x27: {  	s1 =	sld [smem:$0x3FA6]  }
0x28: {  	s2 =	sld [smem:$0x3FA7]  }
0x29: {  	s4 =	sld [smem:$0x3FA9]  }
0x2a: {  	p0 =	seq.s32 s5, $0x0;
	s5 =	sld [smem:$0x3FAA]  }
0x2b: {  	s6 =	sld [smem:$0x3FAB]  }
0x2c: {  	s7 =	sld [smem:$0x3FAC]  }
0x2d: {  	s3 =	simm.s32 $0x108;
	s8 =	sld [smem:$0x3FAD]  }
0x2e: {  	s3 =	simm.s32 @!p0 $0x1082;
	s9 =	sld [smem:$0x3FAE]  }
0x2f: {  	lr =	sadd.s32 s0, s3;
	s0 =	sld [smem:$0x3FA5]  }
0x30: {  	s3 =	sld [smem:$0x3FA8]  }
0x31: {  	[smem:$0x3FB1] =	sst s10  }
0x32: {  	s10 =	sld [smem:$0x3FAF];
	_ =	sdelay $0x3  }
0x33: {  	p0 =	seq.s32 s10, $0x1;
	s10 =	sld [smem:$0x3FB1];
	_ =	sdelay $0x3  }
0x34: {  	[smem:$0x3FB1] =	sst s10  }
0x35: {  	s10 =	sld [smem:$0x3FB0];
	_ =	sdelay $0x3  }
0x36: {  	p1 =	seq.s32 s10, $0x1;
	s10 =	sld [smem:$0x3FB1];
	_ =	sdelay $0x3  }
0x37: {  	[smem:$0x3FB1] =	sst s10  }
0x38: {  	s10 =	sld [smem:$0x3FB2]  }
0x39: {  	_ = 	snop;
	(pc) =	sbr.ind lr, $3  }
0x3a: {  	_ = 	snop  }
0x3b: {  	_ = 	snop  }
0x3c: {  	p2 =	seq.s32 s10, $0x1;
	s10 =	sld [smem:$0x3FB1]  }
0x3d: {  	_ =	shalt  }
0x3e: {  	_ =	shalt  }
0x3f: {  	_ =	shalt  }
0x40: {  	_ =	shalt  }
0x41: {  	_ =	shalt  }
0x42: {  	_ =	shalt  }
0x43: {  	_ =	shalt  }
0x44: {  	_ =	shalt  }
0x45: {  	_ =	shalt  }
0x46: {  	_ =	shalt  }
0x47: {  	_ =	shalt  }
0x48: {  	_ =	shalt  }
0x49: {  	_ =	shalt  }
0x4a: {  	_ =	shalt  }
0x4b: {  	_ =	shalt  }
0x4c: {  	_ =	shalt  }
0x4d: {  	_ =	shalt  }
0x4e: {  	_ =	shalt  }
0x4f: {  	_ =	shalt  }
0x50: {  	_ =	shalt  }
0x51: {  	_ =	shalt  }
0x52: {  	_ =	shalt  }
0x53: {  	_ =	shalt  }
0x54: {  	_ =	shalt  }
0x55: {  	_ =	shalt  }
0x56: {  	_ =	shalt  }
0x57: {  	_ =	shalt  }
0x58: {  	_ =	shalt  }
0x59: {  	_ =	shalt  }
0x5a: {  	_ =	shalt  }
0x5b: {  	_ =	shalt  }
0x5c: {  	_ =	shalt  }
0x5d: {  	_ =	shalt  }
0x5e: {  	_ =	shalt  }
0x5f: {  	_ =	shalt  }
0x60: {  	_ =	shalt  }
0x61: {  	_ =	shalt  }
0x62: {  	_ =	shalt  }
0x63: {  	_ =	shalt  }
0x64: {  	_ =	shalt  }
0x65: {  	_ =	shalt  }
0x66: {  	_ =	shalt  }
0x67: {  	_ =	shalt  }
0x68: {  	_ =	shalt  }
0x69: {  	_ =	shalt  }
0x6a: {  	_ =	shalt  }
0x6b: {  	_ =	shalt  }
0x6c: {  	_ =	shalt  }
0x6d: {  	_ =	shalt  }
0x6e: {  	_ =	shalt  }
0x6f: {  	_ =	shalt  }
0x70: {  	_ =	shalt  }
0x71: {  	_ =	shalt  }
0x72: {  	_ =	shalt  }
0x73: {  	_ =	shalt  }
0x74: {  	_ =	shalt  }
0x75: {  	_ =	shalt  }
0x76: {  	_ =	shalt  }
0x77: {  	_ =	shalt  }
0x78: {  	_ =	shalt  }
0x79: {  	_ =	shalt  }
0x7a: {  	_ =	shalt  }
0x7b: {  	_ =	shalt  }
0x7c: {  	_ =	shalt  }
0x7d: {  	_ =	shalt  }
0x7e: {  	_ =	shalt  }
0x7f: {  	_ =	shalt  }
0x80: {  	_ =	shalt  }
0x81: {  	_ =	shalt  }
0x82: {  	_ =	shalt  }
0x83: {  	_ =	shalt  }
0x84: {  	_ =	shalt  }
0x85: {  	_ =	shalt  }
0x86: {  	_ =	shalt  }
0x87: {  	_ =	shalt  }
.Lfunc_end0:
.L_simem_size_0:
called_computation.1_lowered:
.L_overlay_start_0:
0x88: {  	s2 =	sld [smem:$0x3FD9]  }
0x89: {  	s3 =	sld [smem:$0x3FFE];
	_ =	sdelay $0x1  }
0x8a: {  	s1 =	srdreg.scid  }
0x8b: {  	s0 =	sand.u32 $0x1, s1  }
0x8c: {  	s16 =	sshll.u32 s0, $0xA;
	s2 =	sadd.s32 s3, s2  }
0x8d: {  	s2 =	sadd.s32 s2, s16  }
0x8e: {  	[smem:$0x3FBD] =	sst s2  }
0x8f: {  	_ = 	snop  }
0x90: {  	(tm) =	ssettm $0x1  }
0x91: {  	s17 =	sld [smem:$0x3FFB];
	_ =	sdelay $0x3  }
0x92: {  	_ =	strace s17  }
0x93: {  	s2 =	sld [smem:$0x3FFC];
	_ =	sdelay $0x3  }
0x94: {  	_ =	strace s2  }
0x95: {  	s2 =	sld [smem:$0x3FFD];
	_ =	sdelay $0x3  }
0x96: {  	_ =	strace s2  }
0x97: {  	_ =	strace $0x8FFFFFFF  }
0x98: {  	s18 =	sld [smem:$0x3FDB];
	_ =	sdelay $0x1  }
0x99: {  	s19 =	simm.s32 $_scs_section_size  }
0x9a: {  	s4 =	simm.s32 $_size__tile_overlayer_lowered;
	s5 =	simm.s32 $_tile_overlayer_lowered  }
0x9b: {  	s22 =	simm.s32 $0x1BFF;
	s21 =	sshll.u32 s5, $0x1;
	s2 =	sadd.s32 s19, s18  }
0x9c: {  	s6 =	simm.s32 $0x0;
	s20 =	sshll.u32 s4, $0x1;
	s4 =	sadd.s32 s21, s2  }
0x9d: {  	[timem:s6], [sflag:s22] =	dma.local [hbm:s4], s20  }
0x9e: {  	_ =	swait.ge [sflag:s22], s20  }
0x9f: {  	s3 =	ssub.s32 $0x0, s20;
	[sflag:s22] =	ssyncset.done $0x0  }
0xa0: {  	[sflag:s22] =	ssyncadd.s32 s3;
	_ =	sdelay $0x1  }
0xa1: {  	s23 =	simm.s32 $0x1B8B  }
0xa2: {  	_ =	swait.ge [sflag:s23], $0x1  }
0xa3: {  	[sflag:s23] =	ssyncset.done $0x0  }
0xa4: {  	s25 =	simm.s32 $0x1B8E;
	s24 =	sld [smem:$0x3FFE];
	[sflag:s23] =	ssyncadd.s32 $0xFFFFFFFF  }
0xa5: {  	s26 =	simm.s32 $execute0_lowered;
	[smem:$0x3FD2] =	sst s25  }
0xa6: {  	s4 =	sshll.u32 s26, $0x1;
	_ =	strace $0x80000049;
	[dreg:$0x1] =	wrdreg $0xFFFFFFFF  }
0xa7: {  	s28 =	simm.s32 $_size_execute0_lowered;
	s2 =	sadd.s32 s2, s4;
	[dreg:$0x0] =	wrdreg $0x0  }
0xa8: {  	s4 =	sshll.u32 s28, $0x1;
	[dreg:$0x2] =	wrdreg s2  }
0xa9: {  	[dreg:$0x3] =	wrdreg s4  }
0xaa: {  	[dreg:$0x4] =	wrdreg $0xC0  }
0xab: {  	_ =	task [dreg:s6], $0x5FFFF  }
0xac: {  	[dreg:$0x1] =	wrdreg $0xFFFFFFFF  }
0xad: {  	[dreg:$0x0] =	wrdreg $0x60  }
0xae: {  	[dreg:$0x2] =	wrdreg s24  }
0xaf: {  	[dreg:$0x3] =	wrdreg $0xB0000  }
0xb0: {  	[dreg:$0x4] =	wrdreg $0x9  }
0xb1: {  	_ =	task.clear_ibuf [dreg:s6], $0x5FFFF;
	_ =	strace $0x90000049  }
0xb2: {  	s29 =	simm.s32 $0x9;
	_ =	strace $0x8000004B  }
0xb3: {  	_ =	swait.ge [sflag:s29], $0x1  }
0xb4: {  	[sflag:s29] =	ssyncadd.s32 $0xFFFFFFFF  }
0xb5: {  	_ =	strace $0x9000004B  }
0xb6: {  	_ =	sfence  }
0xb7: {  	s30 =	sld [smem:$0x0];
	_ =	sdelay $0x2  }
0xb8: {  	s31 =	sshll.u32 s1, $0xD;
	s1 =	sshrl.u32 s1, $0x2  }
0xb9: {  	s3 =	sand.u32 $0x4000, s31;
	s1 =	sadd.s32 s1, s30  }
0xba: {  	s0 =	sor.u32 s3, s0;
	s1 =	sshll.u32 s1, $0x11  }
0xbb: {  	s0 =	sor.u32 s1, s0  }
0xbc: {  	s0 =	sadd.s32 $0x8F2B, s0  }
0xbd: {  	[sflag:s0] =	ssyncadd.remote.s32 $0x1  }
0xbe: {  	_ =	sfence.sel $0xFFFF  }
0xbf: {  	[dreg:$0x0] =	wrdreg $0xFFFFFFFF;
	(pc) =	sbr.abs _section_cstart, $3  }
0xc0: {  	[dreg:$0x1] =	wrdreg $0xFFFFFFFF  }
0xc1: {  	_ =	task.clear_ibuf [dreg:s6], $0x2FFFF;
	_ =	strace $0x9FFFFFFF  }
0xc2: {  	(tm) =	ssettm $0x7FFFFFFF  }
0xc3: {  	_ =	shalt  }
tec
execute0_lowered:
.L_overlay_start_1:
0x0: {  	(tag) =	ssettag $0x1  }
0x1: {  	s0 =	rddreg [dreg:$0x0]  }
0x2: {  	s1 =	rddreg [dreg:$0x1]  }
0x3: {  	s2 =	simm.s32 $0x0;
	s6 =	srdreg.scid;
	s26 =	stileid.u32  }
0x4: {  	s19 =	simm.s32 $0x2800;
	s20 =	simm.s32 $0x1;
	s8 =	smul.u32 $0x4F000, s26  }
0x5: {  	s22 =	simm.s32 $0x2;
	s25 =	simm.s32 $0x0;
	s7 =	smul.u32 $0x50, s26  }
0x6: {  	[smem:$0x7FF] =	sst s2;
	s4 =	sadd.s32 $0xC6200, s0;
	s16 =	smul.u32 $0x500, s26  }
0x7: {  	s3 =	sadd.s32 $0xB2200, s0;
	s9 =	sand.u32 $0x1, s6;
	s23 =	smul.u32 $0x2780, s26  }
0x8: {  	s5 =	sadd.s32 $0x4200, s0;
	s6 =	sadd.s32 $0x13200, s0;
	s13 =	smul.u32 $0xA000, s9  }
0x9: {  	s0 =	sadd.s32 $0x29AE00, s0;
	s15 =	smul.u32 $0x4F000, s9;
	s17 =	sshllo.u32 s9, $0x1  }
0xa: {  	_ =	strace $0x8000004A;
	s10 =	ssub.s32 $0x2, s9;
	s18 =	smul.u32 $0x5000, s17  }
0xb: {  	s11 =	sshrl.u32 s10, $0x1;
	s8 =	sshrl.u32 s8, $0x2;
	s17 =	smul.u32 $0x27800, s17  }
0xc: {  	s14 =	ssub.s32 s10, s11;
	s8 =	sadd.s32 s8, s1;
	s13 =	sadd.s32 s3, s13  }
0xd: {  	s21 =	sadd.s32 s0, s15;
	s15 =	simm.s32 $0x3;
	s9 =	sadd.s32 $0x4000, s8  }
0xe: {  	s10 =	sadd.s32 $0x8000, s8;
	s11 =	sadd.s32 $0xC000, s8;
	s28 =	smax.u32 s14, $0x1  }
0xf: {  	s12 =	sadd.s32 $0x10000, s8;
	s29 =	sadd.s32 s16, s13;
	[dreg:$0x3] =	wrdreg s28  }
0x10: {  	s3 =	sadd.s32 s3, s18;
	s31 =	sadd.s32 s23, s21;
	[dreg:$0x4] =	wrdreg s29  }
0x11: {  	s0 =	sadd.s32 s0, s17;
	s30 =	sadd.s32 s16, s3;
	[dreg:$0x6] =	wrdreg s31  }
0x12: {  	s14 =	simm.s32 $0x3000;
	s0 =	sadd.s32 s23, s0;
	[dreg:$0x5] =	wrdreg s30  }
0x13: {  	s17 =	simm.s32 $0x80;
	s18 =	simm.s32 $0x7000;
	[dreg:$0x7] =	wrdreg s0  }
.LBB2_1:
0x14: {  	s0 =	simm.s32 $0x0  }
0x15: {  	[tilespmem:s14], [sflag:$0x3] =	stream.linear.gather [hbm4b:s6+s0], $0x4000, $0x38;
	[tilespmem:$0x1EC00] =	vst v63  }
0x16: {  	_ =	swait.ge [sflag:s15], $0x4000  }
0x17: {  	[sflag:s15] =	ssyncset.done $0x0  }
0x18: {  	[sflag:s15] =	ssyncadd.s32 $0xFFFFC000  }
0x19: {  	[spmem:s8] =	stream.linear.scatter [tilespmem:s14], [sflag:$0x3], $0x4000, $0x38;
	[tilespmem:$0x1EC00] =	vst v63  }
0x1a: {  	_ =	swait.ge [sflag:s15], $0x4000  }
0x1b: {  	[sflag:s15] =	ssyncset.done $0x0  }
0x1c: {  	[sflag:s15] =	ssyncadd.s32 $0xFFFFC000  }
0x1d: {  	[spmem:s9] =	stream.linear.scatter [tilespmem:s14], [sflag:$0x3], $0x4000, $0x38;
	[tilespmem:$0x1EC00] =	vst v63  }
0x1e: {  	_ =	swait.ge [sflag:s15], $0x4000  }
0x1f: {  	[sflag:s15] =	ssyncset.done $0x0  }
0x20: {  	[sflag:s15] =	ssyncadd.s32 $0xFFFFC000  }
0x21: {  	[spmem:s10] =	stream.linear.scatter [tilespmem:s14], [sflag:$0x3], $0x4000, $0x38;
	[tilespmem:$0x1EC00] =	vst v63  }
0x22: {  	_ =	swait.ge [sflag:s15], $0x4000  }
0x23: {  	[sflag:s15] =	ssyncset.done $0x0  }
0x24: {  	[sflag:s15] =	ssyncadd.s32 $0xFFFFC000  }
0x25: {  	[spmem:s11] =	stream.linear.scatter [tilespmem:s14], [sflag:$0x3], $0x4000, $0x38;
	[tilespmem:$0x1EC00] =	vst v63  }
0x26: {  	_ =	swait.ge [sflag:s15], $0x4000  }
0x27: {  	[sflag:s15] =	ssyncset.done $0x0  }
0x28: {  	[sflag:s15] =	ssyncadd.s32 $0xFFFFC000  }
0x29: {  	[spmem:s12] =	stream.linear.scatter [tilespmem:s14], [sflag:$0x3], $0x3C00, $0x38;
	[tilespmem:$0x1EC00] =	vst v63  }
0x2a: {  	_ =	swait.ge [sflag:s15], $0x3C00  }
0x2b: {  	[sflag:s15] =	ssyncset.done $0x0  }
0x2c: {  	[sflag:s15] =	ssyncadd.s32 $0xFFFFC400  }
0x2d: {  	[bflag:$0x0] =	sbarrier.arrive $0xFFFF  }
0x2e: {  	s2 =	rddreg [dreg:$0x4]  }
0x2f: {  	[tilespmem:s0], [sflag:$0x3] =	stream.linear.gather [hbm4b:s2+s0], $0x2800, $0x38;
	[tilespmem:$0x1EC00] =	vst v63  }
0x30: {  	_ =	swait.ge [sflag:s15], $0x2800  }
0x31: {  	[sflag:s15] =	ssyncset.done $0x0  }
0x32: {  	[sflag:s15] =	ssyncadd.s32 $0xFFFFD800  }
0x33: {  	[tilespmem:s14], [sflag:$0x1] =	stream.indirect.gather [hbm4b:s4+s17], $0x80, s0, s17, $0xb8;
	[tilespmem:$0x1EC00] =	vst v63  }
0x34: {  	s26 =	simm.s32 $0x0;
	s28 =	simm.s32 $0x0;
	s29 =	simm.s32 $0x0  }
0x35: {  	[tilespmem:s18], [sflag:$0x2] =	stream.indirect.gather [hbm4b:s4+s17], $0x80, s17, s17, $0xb8;
	[tilespmem:$0x1EC00] =	vst v63  }
.LBB2_2:
0x36: {  	s0 =	sshll.u32 s29, $0x4  }
0x37: {  	s0 =	sadd.s32 s7, s0  }
0x38: {  	s0 =	sshll.u32 s0, $0x4  }
0x39: {  	s3 =	simm.s32 $0x0;
	s0 =	sadd.s32 s5, s0  }
0x3a: {  	[tilespmem:s19], [sflag:$0x3] =	stream.linear.gather [hbm4b:s0+s3], $0x800, $0x38;
	[tilespmem:$0x1EC00] =	vst v63  }
0x3b: {  	_ =	swait.ge [sflag:s15], $0x800  }
0x3c: {  	[sflag:s15] =	ssyncset.done $0x0  }
0x3d: {  	[sflag:s15] =	ssyncadd.s32 $0xFFFFF800  }
0x3e: {  	_ =	swait.ge [sflag:s20], $0x4000  }
0x3f: {  	[sflag:s20] =	ssyncset.done $0x0  }
0x40: {  	s30 =	simm.s32 $0x2800;
	[sflag:s20] =	ssyncadd.s32 $0xFFFFC000  }
0x41: {  	[spmem:s1] =	stream.indirect.scatter.add.f32 [tilespmem:s14], [sflag:$0x3], $0x80, s30, s17, $0xb8;
	[tilespmem:$0x1EC00] =	vst v63  }
0x42: {  	p0 =	sgt.u32 s26, $0x4D;
	_ =	swait.ge [sflag:s15], $0x4000  }
0x43: {  	s13 =	simm.s32 @!p0 $0x80;
	s0 =	sadd.s32 @!p0 $0x0, s28;
	[sflag:s15] =	ssyncset.done $0x0  }
0x44: {  	s3 =	simm.s32 @!p0 $0x3000;
	s0 =	sadd.s32 @!p0 $0x100, s0;
	[sflag:s15] =	ssyncadd.s32 $0xFFFFC000  }
0x45: {  	[tilespmem:s3], [sflag:$0x1] =	stream.indirect.gather @!p0 [hbm4b:s4+s13], $0x80, s0, s13, $0xb8;
	[tilespmem:$0x1EC00] =	vst v63  }
0x46: {  	_ =	swait.ge [sflag:s22], $0x4000  }
0x47: {  	[sflag:s22] =	ssyncset.done $0x0  }
0x48: {  	s31 =	simm.s32 $0x2880;
	p1 =	sgt.u32 s26, $0x4C;
	[sflag:s22] =	ssyncadd.s32 $0xFFFFC000  }
0x49: {  	[spmem:s1] =	stream.indirect.scatter.add.f32 [tilespmem:s18], [sflag:$0x3], $0x80, s31, s17, $0xb8;
	[tilespmem:$0x1EC00] =	vst v63  }
0x4a: {  	s16 =	sadd.s32 @!p1 $0x0, s28;
	s21 =	simm.s32 @!p1 $0x80;
	_ =	swait.ge [sflag:s15], $0x4000  }
0x4b: {  	s16 =	sadd.s32 @!p1 $0x180, s16;
	s0 =	simm.s32 $0x400;
	[sflag:s15] =	ssyncset.done $0x0  }
0x4c: {  	s3 =	sadd.s32 $0x2, s26;
	s13 =	simm.s32 @!p1 $0x7000;
	[sflag:s15] =	ssyncadd.s32 $0xFFFFC000  }
.LBB2_3:
0x4d: {  	[tilespmem:s13], [sflag:$0x2] =	stream.indirect.gather @!p1 [hbm4b:s4+s21], $0x80, s16, s21, $0xb8;
	[tilespmem:$0x1EC00] =	vst v63  }
0x4e: {  	s13 =	smov.u32 s0;
	s0 =	sadd.s32 $0x400, s0;
	_ =	swait.ge [sflag:s20], $0x4000  }
0x4f: {  	s16 =	sshra.s32 s13, $0x2;
	p0 =	sne.s32 s0, $0x2000;
	[sflag:s20] =	ssyncset.done $0x0  }
0x50: {  	p1 =	sgt.u32 s3, $0x4D;
	s21 =	sadd.s32 $0x2800, s16;
	[sflag:s20] =	ssyncadd.s32 $0xFFFFC000  }
0x51: {  	[spmem:s1] =	stream.indirect.scatter.add.f32 [tilespmem:s14], [sflag:$0x3], $0x80, s21, s17, $0xb8;
	[tilespmem:$0x1EC00] =	vst v63  }
0x52: {  	s21 =	sshra.s32 @!p1 s13, $0x2;
	_ =	swait.ge [sflag:s15], $0x4000  }
0x53: {  	s23 =	simm.s32 @!p1 $0x3000;
	s21 =	sadd.s32 @!p1 s21, s28;
	[sflag:s15] =	ssyncset.done $0x0  }
0x54: {  	s30 =	simm.s32 @!p1 $0x80;
	s21 =	sadd.s32 @!p1 $0x100, s21;
	[sflag:s15] =	ssyncadd.s32 $0xFFFFC000  }
0x55: {  	[tilespmem:s23], [sflag:$0x1] =	stream.indirect.gather @!p1 [hbm4b:s4+s30], $0x80, s21, s30, $0xb8;
	[tilespmem:$0x1EC00] =	vst v63  }
0x56: {  	_ =	swait.ge [sflag:s22], $0x4000  }
0x57: {  	p1 =	sgt.u32 s3, $0x4C;
	[sflag:s22] =	ssyncset.done $0x0  }
.Ltmp0:
0x58: {  	s16 =	sadd.s32 $0x2880, s16;
	[sflag:s22] =	ssyncadd.s32 $0xFFFFC000;
	(pc) =	sbr.rel @p0 .LBB2_3-.Ltmp0, $4  }
0x59: {  	[spmem:s1] =	stream.indirect.scatter.add.f32 [tilespmem:s18], [sflag:$0x3], $0x80, s16, s17, $0xb8;
	[tilespmem:$0x1EC00] =	vst v63  }
0x5a: {  	s3 =	sadd.s32 $0x2, s3;
	s13 =	sshra.s32 @!p1 s13, $0x2;
	_ =	swait.ge [sflag:s15], $0x4000  }
0x5b: {  	s16 =	sadd.s32 @!p1 s13, s28;
	s13 =	simm.s32 @!p1 $0x7000;
	[sflag:s15] =	ssyncset.done $0x0  }
0x5c: {  	s21 =	simm.s32 @!p1 $0x80;
	s16 =	sadd.s32 @!p1 $0x180, s16;
	[sflag:s15] =	ssyncadd.s32 $0xFFFFC000  }
0x5d: {  	s29 =	sadd.s32 $0x1, s29  }
0x5e: {  	p0 =	sne.s32 s29, $0x5  }
.Ltmp1:
0x5f: {  	_ = 	snop;
	(pc) =	sbr.rel @p0 .LBB2_2-.Ltmp1, $3  }
0x60: {  	_ =	sdelay $0x1  }
0x61: {  	[tilespmem:s13], [sflag:$0x2] =	stream.indirect.gather @!p1 [hbm4b:s4+s21], $0x80, s16, s21, $0xb8;
	[tilespmem:$0x1EC00] =	vst v63  }
0x62: {  	s28 =	sadd.s32 $0x800, s28;
	s26 =	sadd.s32 $0x10, s26  }
0x63: {  	s0 =	stileid.u32  }
0x64: {  	[bflag:$0x0] =	sbarrier.arrive $0xFFFF;
	s0 =	sshll.u32 s0, $0x6  }
0x65: {  	s28 =	sshrl.u32 s8, $0x3;
	s23 =	rddreg [dreg:$0x6];
	s26 =	sor.u32 $0x1C03, s0  }
0x66: {  	[hbm:s23], [sflag:s26] =	dma.local [spmem:s28], $0x2780  }
0x67: {  	_ =	swait.ge [sflag:s15], $0x2780  }
0x68: {  	[sflag:s15] =	ssyncset.done $0x0  }
0x69: {  	[sflag:s15] =	ssyncadd.s32 $0xFFFFD880  }
0x6a: {  	s29 =	simm.s32 $0x0;
	[bflag:$0x0] =	sbarrier.arrive $0xFFFF  }
0x6b: {  	[tilespmem:s14], [sflag:$0x3] =	stream.linear.gather [hbm4b:s6+s29], $0x4000, $0x38;
	[tilespmem:$0x1EC00] =	vst v63  }
0x6c: {  	_ =	swait.ge [sflag:s15], $0x4000  }
0x6d: {  	[sflag:s15] =	ssyncset.done $0x0  }
0x6e: {  	[sflag:s15] =	ssyncadd.s32 $0xFFFFC000  }
0x6f: {  	[spmem:s8] =	stream.linear.scatter [tilespmem:s14], [sflag:$0x3], $0x4000, $0x38;
	[tilespmem:$0x1EC00] =	vst v63  }
0x70: {  	_ =	swait.ge [sflag:s15], $0x4000  }
0x71: {  	[sflag:s15] =	ssyncset.done $0x0  }
0x72: {  	[sflag:s15] =	ssyncadd.s32 $0xFFFFC000  }
0x73: {  	[spmem:s9] =	stream.linear.scatter [tilespmem:s14], [sflag:$0x3], $0x4000, $0x38;
	[tilespmem:$0x1EC00] =	vst v63  }
0x74: {  	_ =	swait.ge [sflag:s15], $0x4000  }
0x75: {  	[sflag:s15] =	ssyncset.done $0x0  }
0x76: {  	[sflag:s15] =	ssyncadd.s32 $0xFFFFC000  }
0x77: {  	[spmem:s10] =	stream.linear.scatter [tilespmem:s14], [sflag:$0x3], $0x4000, $0x38;
	[tilespmem:$0x1EC00] =	vst v63  }
0x78: {  	_ =	swait.ge [sflag:s15], $0x4000  }
0x79: {  	[sflag:s15] =	ssyncset.done $0x0  }
0x7a: {  	[sflag:s15] =	ssyncadd.s32 $0xFFFFC000  }
0x7b: {  	[spmem:s11] =	stream.linear.scatter [tilespmem:s14], [sflag:$0x3], $0x4000, $0x38;
	[tilespmem:$0x1EC00] =	vst v63  }
0x7c: {  	_ =	swait.ge [sflag:s15], $0x4000  }
0x7d: {  	[sflag:s15] =	ssyncset.done $0x0  }
0x7e: {  	[sflag:s15] =	ssyncadd.s32 $0xFFFFC000  }
0x7f: {  	[spmem:s12] =	stream.linear.scatter [tilespmem:s14], [sflag:$0x3], $0x3C00, $0x38;
	[tilespmem:$0x1EC00] =	vst v63  }
0x80: {  	_ =	swait.ge [sflag:s15], $0x3C00  }
0x81: {  	[sflag:s15] =	ssyncset.done $0x0  }
0x82: {  	[sflag:s15] =	ssyncadd.s32 $0xFFFFC400  }
0x83: {  	[bflag:$0x0] =	sbarrier.arrive $0xFFFF  }
0x84: {  	s24 =	rddreg [dreg:$0x5]  }
0x85: {  	[tilespmem:s29], [sflag:$0x3] =	stream.linear.gather [hbm4b:s24+s29], $0x2800, $0x38;
	[tilespmem:$0x1EC00] =	vst v63  }
0x86: {  	_ =	swait.ge [sflag:s15], $0x2800  }
0x87: {  	[sflag:s15] =	ssyncset.done $0x0  }
0x88: {  	[sflag:s15] =	ssyncadd.s32 $0xFFFFD800  }
0x89: {  	[tilespmem:s14], [sflag:$0x1] =	stream.indirect.gather [hbm4b:s4+s17], $0x80, s29, s17, $0xb8;
	[tilespmem:$0x1EC00] =	vst v63  }
0x8a: {  	s30 =	simm.s32 $0x0;
	s31 =	simm.s32 $0x0;
	s0 =	simm.s32 $0x0  }
0x8b: {  	[tilespmem:s18], [sflag:$0x2] =	stream.indirect.gather [hbm4b:s4+s17], $0x80, s17, s17, $0xb8;
	[tilespmem:$0x1EC00] =	vst v63  }
.LBB2_6:
0x8c: {  	s3 =	sshll.u32 s0, $0x4  }
0x8d: {  	s3 =	sadd.s32 s7, s3  }
0x8e: {  	s3 =	sshll.u32 s3, $0x4  }
0x8f: {  	s3 =	sadd.s32 s5, s3  }
0x90: {  	[tilespmem:s19], [sflag:$0x3] =	stream.linear.gather [hbm4b:s3+s29], $0x800, $0x38;
	[tilespmem:$0x1EC00] =	vst v63  }
0x91: {  	_ =	swait.ge [sflag:s15], $0x800  }
0x92: {  	[sflag:s15] =	ssyncset.done $0x0  }
0x93: {  	[sflag:s15] =	ssyncadd.s32 $0xFFFFF800  }
0x94: {  	_ =	swait.ge [sflag:s20], $0x4000  }
0x95: {  	[sflag:s20] =	ssyncset.done $0x0  }
0x96: {  	s23 =	simm.s32 $0x2800;
	[sflag:s20] =	ssyncadd.s32 $0xFFFFC000  }
0x97: {  	[spmem:s1] =	stream.indirect.scatter.add.f32 [tilespmem:s14], [sflag:$0x3], $0x80, s23, s17, $0xb8;
	[tilespmem:$0x1EC00] =	vst v63  }
0x98: {  	p0 =	sgt.u32 s30, $0x4D;
	_ =	swait.ge [sflag:s15], $0x4000  }
0x99: {  	s13 =	simm.s32 @!p0 $0x3000;
	s3 =	sadd.s32 @!p0 $0x0, s31;
	[sflag:s15] =	ssyncset.done $0x0  }
0x9a: {  	s16 =	simm.s32 @!p0 $0x80;
	s3 =	sadd.s32 @!p0 $0x100, s3;
	[sflag:s15] =	ssyncadd.s32 $0xFFFFC000  }
0x9b: {  	[tilespmem:s13], [sflag:$0x1] =	stream.indirect.gather @!p0 [hbm4b:s4+s16], $0x80, s3, s16, $0xb8;
	[tilespmem:$0x1EC00] =	vst v63  }
0x9c: {  	_ =	swait.ge [sflag:s22], $0x4000  }
0x9d: {  	p1 =	sgt.u32 s30, $0x4C;
	[sflag:s22] =	ssyncset.done $0x0  }
0x9e: {  	s24 =	simm.s32 $0x2880;
	s21 =	sadd.s32 @!p1 $0x0, s31;
	[sflag:s22] =	ssyncadd.s32 $0xFFFFC000  }
0x9f: {  	[spmem:s1] =	stream.indirect.scatter.add.f32 [tilespmem:s18], [sflag:$0x3], $0x80, s24, s17, $0xb8;
	[tilespmem:$0x1EC00] =	vst v63  }
0xa0: {  	s21 =	sadd.s32 @!p1 $0x180, s21;
	_ =	swait.ge [sflag:s15], $0x4000  }
0xa1: {  	s23 =	simm.s32 @!p1 $0x80;
	s3 =	simm.s32 $0x400;
	[sflag:s15] =	ssyncset.done $0x0  }
0xa2: {  	s13 =	sadd.s32 $0x2, s30;
	s16 =	simm.s32 @!p1 $0x7000;
	[sflag:s15] =	ssyncadd.s32 $0xFFFFC000  }
.LBB2_7:
0xa3: {  	[tilespmem:s16], [sflag:$0x2] =	stream.indirect.gather @!p1 [hbm4b:s4+s23], $0x80, s21, s23, $0xb8;
	[tilespmem:$0x1EC00] =	vst v63  }
0xa4: {  	s16 =	smov.u32 s3;
	s3 =	sadd.s32 $0x400, s3;
	_ =	swait.ge [sflag:s20], $0x4000  }
0xa5: {  	s21 =	sshra.s32 s16, $0x2;
	p0 =	sne.s32 s3, $0x2000;
	[sflag:s20] =	ssyncset.done $0x0  }
0xa6: {  	p1 =	sgt.u32 s13, $0x4D;
	s23 =	sadd.s32 $0x2800, s21;
	[sflag:s20] =	ssyncadd.s32 $0xFFFFC000  }
0xa7: {  	[spmem:s1] =	stream.indirect.scatter.add.f32 [tilespmem:s14], [sflag:$0x3], $0x80, s23, s17, $0xb8;
	[tilespmem:$0x1EC00] =	vst v63  }
0xa8: {  	s23 =	sshra.s32 @!p1 s16, $0x2;
	_ =	swait.ge [sflag:s15], $0x4000  }
0xa9: {  	s24 =	simm.s32 @!p1 $0x3000;
	s23 =	sadd.s32 @!p1 s23, s31;
	[sflag:s15] =	ssyncset.done $0x0  }
0xaa: {  	s2 =	simm.s32 @!p1 $0x80;
	s23 =	sadd.s32 @!p1 $0x100, s23;
	[sflag:s15] =	ssyncadd.s32 $0xFFFFC000  }
0xab: {  	[tilespmem:s24], [sflag:$0x1] =	stream.indirect.gather @!p1 [hbm4b:s4+s2], $0x80, s23, s2, $0xb8;
	[tilespmem:$0x1EC00] =	vst v63  }
0xac: {  	_ =	swait.ge [sflag:s22], $0x4000  }
0xad: {  	p1 =	sgt.u32 s13, $0x4C;
	[sflag:s22] =	ssyncset.done $0x0  }
.Ltmp2:
0xae: {  	s2 =	sadd.s32 $0x2880, s21;
	[sflag:s22] =	ssyncadd.s32 $0xFFFFC000;
	(pc) =	sbr.rel @p0 .LBB2_7-.Ltmp2, $4  }
0xaf: {  	[spmem:s1] =	stream.indirect.scatter.add.f32 [tilespmem:s18], [sflag:$0x3], $0x80, s2, s17, $0xb8;
	[tilespmem:$0x1EC00] =	vst v63  }
0xb0: {  	s13 =	sadd.s32 $0x2, s13;
	s2 =	sshra.s32 @!p1 s16, $0x2;
	_ =	swait.ge [sflag:s15], $0x4000  }
0xb1: {  	s16 =	simm.s32 @!p1 $0x7000;
	s2 =	sadd.s32 @!p1 s2, s31;
	[sflag:s15] =	ssyncset.done $0x0  }
0xb2: {  	s23 =	simm.s32 @!p1 $0x80;
	s21 =	sadd.s32 @!p1 $0x180, s2;
	[sflag:s15] =	ssyncadd.s32 $0xFFFFC000  }
0xb3: {  	s0 =	sadd.s32 $0x1, s0  }
0xb4: {  	p0 =	sne.s32 s0, $0x5  }
.Ltmp3:
0xb5: {  	_ = 	snop;
	(pc) =	sbr.rel @p0 .LBB2_6-.Ltmp3, $3  }
0xb6: {  	_ =	sdelay $0x1  }
0xb7: {  	[tilespmem:s16], [sflag:$0x2] =	stream.indirect.gather @!p1 [hbm4b:s4+s23], $0x80, s21, s23, $0xb8;
	[tilespmem:$0x1EC00] =	vst v63  }
0xb8: {  	s31 =	sadd.s32 $0x800, s31;
	s30 =	sadd.s32 $0x10, s30  }
0xb9: {  	[bflag:$0x0] =	sbarrier.arrive $0xFFFF  }
0xba: {  	s0 =	rddreg [dreg:$0x7]  }
0xbb: {  	[hbm:s0], [sflag:s26] =	dma.local [spmem:s28], $0x2780  }
0xbc: {  	_ =	swait.ge [sflag:s15], $0x2780  }
0xbd: {  	s25 =	sadd.s32 $0x1, s25;
	s31 =	rddreg [dreg:$0x3]  }
0xbe: {  	p0 =	sne.s32 s25, s31  }
.Ltmp4:
0xbf: {  	_ = 	snop;
	(pc) =	sbr.rel @p0 .LBB2_1-.Ltmp4, $3  }
0xc0: {  	_ =	sdelay $0x1  }
0xc1: {  	[sflag:s15] =	ssyncset.done $0x0  }
0xc2: {  	[sflag:s15] =	ssyncadd.s32 $0xFFFFD880  }
0xc3: {  	_ =	sfence.sel $0x180000  }
0xc4: {  	[bflag:$0x0] =	sbarrier.arrive $0xFFFF  }
0xc5: {  	_ =	strace $0x9000004A  }
0xc6: {  	s0 =	stileid.u32;
	[bflag:$0x2] =	sbarrier.arrive $0xFFFF  }
0xc7: {  	p0 =	sne.s32 s0, $0x0;
	s0 =	rddreg [dreg:$0x2]  }
0xc8: {  	s0 =	sadd.s32 @!p0 $0x100000, s0  }
0xc9: {  	[sflag:s0] =	ssyncadd.tile.s32 @!p0 $0x1;
	_ =	shalt  }
.Lfunc_end2:
_tile_overlayer_lowered:
.L_overlay_start_2:
0xca: {  	(tag) =	ssettag $0x2  }
0xcb: {  	s0 =	rddreg [dreg:$0x0];
	s2 =	stileid.u32  }
0xcc: {  	s1 =	rddreg [dreg:$0x1];
	p0 =	sne.s32 s2, $0x0  }
0xcd: {  	s3 =	rddreg [dreg:$0x2];
	[bflag:$0x3] =	sbarrier.arrive $0xFFFF;
	s2 =	simm.s32 @!p0 $0x1C03  }
0xce: {  	[timem:s3], [sflag:s2] =	dma.local @!p0 [hbm:s0], s1  }
0xcf: {  	s0 =	simm.s32 @!p0 $0x3  }
0xd0: {  	_ =	swait.ge @!p0 [sflag:s0], s1  }
0xd1: {  	s1 =	ssub.s32 @!p0 $0x0, s1;
	[sflag:s0] =	ssyncset.done @!p0 $0x0  }
0xd2: {  	[sflag:s0] =	ssyncadd.s32 @!p0 s1  }
0xd3: {  	[bflag:$0x3] =	sbarrier.arrive $0xFFFF  }
0xd4: {  	_ =	shalt  }

// kernel: kernel.15.cloned.1.call-start
scs
__scs_entry_jumppad:
0x0: {  	(pc) =	sbr.rel $0x88, $3  }
0x1: {  	(tag) =	ssettag $0x0;
	lr =	simm.s32 $0x1  }
0x2: {  	[smem:$0x3F96] =	sst lr;
	_ =	strace $0xD0000000  }
0x3: {  	_ = 	snop  }
0x4: {  	_ = 	snop  }
0x5: {  	_ = 	snop  }
0x6: {  	_ = 	snop  }
0x7: {  	_ = 	snop  }
__scs_overlays_trampoline_lowered:
0x8: {  	[smem:$0x3FA5] =	sst s0  }
0x9: {  	[smem:$0x3FA6] =	sst s1  }
0xa: {  	[smem:$0x3FA7] =	sst s2  }
0xb: {  	[smem:$0x3FA8] =	sst s3  }
0xc: {  	[smem:$0x3FA9] =	sst s4  }
0xd: {  	[smem:$0x3FAA] =	sst s5  }
0xe: {  	[smem:$0x3FAB] =	sst s6  }
0xf: {  	[smem:$0x3FAC] =	sst s7  }
0x10: {  	[smem:$0x3FAD] =	sst s8  }
0x11: {  	[smem:$0x3FAE] =	sst s9;
	s0 =	simm.s32 @!p0 $0x0  }
0x12: {  	s1 =	sld [smem:$0x3F94];
	s0 =	simm.s32 @p0 $0x1  }
0x13: {  	[smem:$0x3FAF] =	sst s0;
	s0 =	simm.s32 @!p1 $0x0  }
0x14: {  	s2 =	sld [smem:$0x3F93];
	s0 =	simm.s32 @p1 $0x1  }
0x15: {  	[smem:$0x3FB0] =	sst s0;
	s0 =	simm.s32 @!p2 $0x0  }
0x16: {  	s3 =	sld [smem:$0x3FDB];
	s0 =	simm.s32 @p2 $0x1  }
0x17: {  	s4 =	simm.s32 $0x1BF5;
	[smem:$0x3FB2] =	sst s0  }
0x18: {  	s0 =	sld [smem:$0x3F95];
	_ =	swait.ge [sflag:s4], $0x0  }
0x19: {  	s7 =	sld [smem:$0x3F96]  }
0x1a: {  	s8 =	sadd.s32 $0xFFFFE003, lr  }
0x1b: {  	s9 =	sadd.s32 $0xFFFFFEF7, lr;
	s5 =	simm.s32 $0xFFFFFFFF;
	p2 =	slt.u32 s8, $0xFFFFF086  }
0x1c: {  	p1 =	slt.u32 s9, $0xF7A;
	s5 =	simm.s32 @!p2 $0x0  }
0x1d: {  	s5 =	simm.s32 @p1 $0x1;
	p0 =	seq.s32 s7, s2  }
0x1e: {  	s7 =	smul.u32 @!p0 $0xF7A, s2;
	p2 =	seq.s32 @!p0 s5, $0x0  }
0x1f: {  	s9 =	smul.u32 $0xF7A, s1;
	s8 =	simm.s32 @!p0 $0x1BF5;
	p2 =	por !p2, p0  }
0x20: {  	[sflag:s8] =	ssyncset.s32 @!p0 $0xFFFFF086;
	s6 =	sadd.s32 @!p0 s3, s7;
	s7 =	simm.s32 @!p0 $0x108  }
0x21: {  	s3 =	sadd.s32 s3, s9;
	s6 =	sadd.s32 @!p0 $0x88, s6;
	s7 =	simm.s32 @p2 $0x1082  }
0x22: {  	[simem:s7], [sflag:s8] =	dma.local @!p0 [hbm:s6], $0xF7A  }
0x23: {  	s9 =	sor.u32 $0xD0000000, s2;
	s6 =	simm.s32 $0x108;
	_ =	swait.ge @!p0 [sflag:s8], $0x0  }
0x24: {  	s3 =	sadd.s32 $0x88, s3;
	s6 =	simm.s32 @!p1 $0x1082;
	[sflag:s4] =	ssyncset.s32 $0xFFFFF086  }
0x25: {  	[simem:s6], [sflag:s4] =	dma.local [hbm:s3], $0xF7A  }
0x26: {  	[smem:$0x3F96] =	sst s1;
	(tag) =	ssettag s2;
	_ =	strace s9  }
0x27: {  	s1 =	sld [smem:$0x3FA6]  }
0x28: {  	s2 =	sld [smem:$0x3FA7]  }
0x29: {  	s4 =	sld [smem:$0x3FA9]  }
0x2a: {  	p0 =	seq.s32 s5, $0x0;
	s5 =	sld [smem:$0x3FAA]  }
0x2b: {  	s6 =	sld [smem:$0x3FAB]  }
0x2c: {  	s7 =	sld [smem:$0x3FAC]  }
0x2d: {  	s3 =	simm.s32 $0x108;
	s8 =	sld [smem:$0x3FAD]  }
0x2e: {  	s3 =	simm.s32 @!p0 $0x1082;
	s9 =	sld [smem:$0x3FAE]  }
0x2f: {  	lr =	sadd.s32 s0, s3;
	s0 =	sld [smem:$0x3FA5]  }
0x30: {  	s3 =	sld [smem:$0x3FA8]  }
0x31: {  	[smem:$0x3FB1] =	sst s10  }
0x32: {  	s10 =	sld [smem:$0x3FAF];
	_ =	sdelay $0x3  }
0x33: {  	p0 =	seq.s32 s10, $0x1;
	s10 =	sld [smem:$0x3FB1];
	_ =	sdelay $0x3  }
0x34: {  	[smem:$0x3FB1] =	sst s10  }
0x35: {  	s10 =	sld [smem:$0x3FB0];
	_ =	sdelay $0x3  }
0x36: {  	p1 =	seq.s32 s10, $0x1;
	s10 =	sld [smem:$0x3FB1];
	_ =	sdelay $0x3  }
0x37: {  	[smem:$0x3FB1] =	sst s10  }
0x38: {  	s10 =	sld [smem:$0x3FB2]  }
0x39: {  	_ = 	snop;
	(pc) =	sbr.ind lr, $3  }
0x3a: {  	_ = 	snop  }
0x3b: {  	_ = 	snop  }
0x3c: {  	p2 =	seq.s32 s10, $0x1;
	s10 =	sld [smem:$0x3FB1]  }
0x3d: {  	_ =	shalt  }
0x3e: {  	_ =	shalt  }
0x3f: {  	_ =	shalt  }
0x40: {  	_ =	shalt  }
0x41: {  	_ =	shalt  }
0x42: {  	_ =	shalt  }
0x43: {  	_ =	shalt  }
0x44: {  	_ =	shalt  }
0x45: {  	_ =	shalt  }
0x46: {  	_ =	shalt  }
0x47: {  	_ =	shalt  }
0x48: {  	_ =	shalt  }
0x49: {  	_ =	shalt  }
0x4a: {  	_ =	shalt  }
0x4b: {  	_ =	shalt  }
0x4c: {  	_ =	shalt  }
0x4d: {  	_ =	shalt  }
0x4e: {  	_ =	shalt  }
0x4f: {  	_ =	shalt  }
0x50: {  	_ =	shalt  }
0x51: {  	_ =	shalt  }
0x52: {  	_ =	shalt  }
0x53: {  	_ =	shalt  }
0x54: {  	_ =	shalt  }
0x55: {  	_ =	shalt  }
0x56: {  	_ =	shalt  }
0x57: {  	_ =	shalt  }
0x58: {  	_ =	shalt  }
0x59: {  	_ =	shalt  }
0x5a: {  	_ =	shalt  }
0x5b: {  	_ =	shalt  }
0x5c: {  	_ =	shalt  }
0x5d: {  	_ =	shalt  }
0x5e: {  	_ =	shalt  }
0x5f: {  	_ =	shalt  }
0x60: {  	_ =	shalt  }
0x61: {  	_ =	shalt  }
0x62: {  	_ =	shalt  }
0x63: {  	_ =	shalt  }
0x64: {  	_ =	shalt  }
0x65: {  	_ =	shalt  }
0x66: {  	_ =	shalt  }
0x67: {  	_ =	shalt  }
0x68: {  	_ =	shalt  }
0x69: {  	_ =	shalt  }
0x6a: {  	_ =	shalt  }
0x6b: {  	_ =	shalt  }
0x6c: {  	_ =	shalt  }
0x6d: {  	_ =	shalt  }
0x6e: {  	_ =	shalt  }
0x6f: {  	_ =	shalt  }
0x70: {  	_ =	shalt  }
0x71: {  	_ =	shalt  }
0x72: {  	_ =	shalt  }
0x73: {  	_ =	shalt  }
0x74: {  	_ =	shalt  }
0x75: {  	_ =	shalt  }
0x76: {  	_ =	shalt  }
0x77: {  	_ =	shalt  }
0x78: {  	_ =	shalt  }
0x79: {  	_ =	shalt  }
0x7a: {  	_ =	shalt  }
0x7b: {  	_ =	shalt  }
0x7c: {  	_ =	shalt  }
0x7d: {  	_ =	shalt  }
0x7e: {  	_ =	shalt  }
0x7f: {  	_ =	shalt  }
0x80: {  	_ =	shalt  }
0x81: {  	_ =	shalt  }
0x82: {  	_ =	shalt  }
0x83: {  	_ =	shalt  }
0x84: {  	_ =	shalt  }
0x85: {  	_ =	shalt  }
0x86: {  	_ =	shalt  }
0x87: {  	_ =	shalt  }
.Lfunc_end0:
.L_simem_size_0:
called_computation.2_lowered:
.L_overlay_start_0:
0x88: {  	s2 =	sld [smem:$0x3FD9]  }
0x89: {  	s3 =	sld [smem:$0x3FFE];
	_ =	sdelay $0x1  }
0x8a: {  	s1 =	srdreg.scid  }
0x8b: {  	s0 =	sand.u32 $0x1, s1  }
0x8c: {  	s17 =	sshll.u32 s0, $0xA;
	s2 =	sadd.s32 s3, s2  }
0x8d: {  	s2 =	sadd.s32 s2, s17  }
0x8e: {  	[smem:$0x3FBD] =	sst s2  }
0x8f: {  	_ = 	snop  }
0x90: {  	s2 =	sld [smem:$0x3FD0];
	(tm) =	ssettm $0x1  }
0x91: {  	s18 =	sld [smem:$0x3FFB];
	_ =	sdelay $0x3  }
0x92: {  	_ =	strace s18  }
0x93: {  	s3 =	sld [smem:$0x3FFC];
	_ =	sdelay $0x3  }
0x94: {  	_ =	strace s3  }
0x95: {  	s3 =	sld [smem:$0x3FFD];
	_ =	sdelay $0x3  }
0x96: {  	_ =	strace s3  }
0x97: {  	_ =	strace $0x8FFFFFFF  }
0x98: {  	s19 =	sld [smem:$0x3FDB];
	_ =	sdelay $0x1  }
0x99: {  	s4 =	simm.s32 $_scs_section_size  }
0x9a: {  	s5 =	simm.s32 $_size__tile_overlayer_lowered;
	s6 =	simm.s32 $_tile_overlayer_lowered  }
0x9b: {  	s22 =	simm.s32 $0x1BFF;
	s21 =	sshll.u32 s6, $0x1;
	s3 =	sadd.s32 s4, s19  }
0x9c: {  	s7 =	simm.s32 $0x0;
	s20 =	sshll.u32 s5, $0x1;
	s5 =	sadd.s32 s21, s3  }
0x9d: {  	[timem:s7], [sflag:s22] =	dma.local [hbm:s5], s20  }
0x9e: {  	_ =	swait.ge [sflag:s22], s20  }
0x9f: {  	s4 =	ssub.s32 $0x0, s20;
	[sflag:s22] =	ssyncset.done $0x0  }
0xa0: {  	[sflag:s22] =	ssyncadd.s32 s4;
	_ =	sdelay $0x1  }
0xa1: {  	s23 =	simm.s32 $0x1B8B  }
0xa2: {  	_ =	swait.ge [sflag:s23], $0x1  }
0xa3: {  	[sflag:s23] =	ssyncset.done $0x0  }
0xa4: {  	s25 =	simm.s32 $0x1B8E;
	s24 =	sld [smem:$0x3FFE];
	[sflag:s23] =	ssyncadd.s32 $0xFFFFFFFF  }
0xa5: {  	s26 =	simm.s32 $execute0_lowered;
	[smem:$0x3FD2] =	sst s25  }
0xa6: {  	s5 =	sshll.u32 s26, $0x1;
	_ =	strace $0x8000004C;
	[dreg:$0x1] =	wrdreg $0xFFFFFFFF  }
0xa7: {  	s28 =	simm.s32 $_size_execute0_lowered;
	s3 =	sadd.s32 s3, s5;
	[dreg:$0x0] =	wrdreg $0x0  }
0xa8: {  	s5 =	sshll.u32 s28, $0x1;
	[dreg:$0x2] =	wrdreg s3  }
0xa9: {  	[dreg:$0x3] =	wrdreg s5  }
0xaa: {  	[dreg:$0x4] =	wrdreg $0xC0  }
0xab: {  	_ =	task [dreg:s7], $0x5FFFF  }
0xac: {  	[dreg:$0x1] =	wrdreg $0xFFFFFFFF  }
0xad: {  	[dreg:$0x0] =	wrdreg $0x60  }
0xae: {  	[dreg:$0x2] =	wrdreg s2  }
0xaf: {  	[dreg:$0x3] =	wrdreg s24  }
0xb0: {  	[dreg:$0x4] =	wrdreg $0xB0000  }
0xb1: {  	[dreg:$0x5] =	wrdreg $0x9  }
0xb2: {  	_ =	task.clear_ibuf [dreg:s7], $0x6FFFF;
	_ =	strace $0x9000004C  }
0xb3: {  	s29 =	simm.s32 $0x9;
	_ =	strace $0x8000004E  }
0xb4: {  	_ =	swait.ge [sflag:s29], $0x1  }
0xb5: {  	[sflag:s29] =	ssyncadd.s32 $0xFFFFFFFF  }
0xb6: {  	_ =	strace $0x9000004E  }
0xb7: {  	_ =	sfence  }
0xb8: {  	s30 =	sld [smem:$0x0];
	_ =	sdelay $0x2  }
0xb9: {  	s31 =	sshll.u32 s1, $0xD;
	s1 =	sshrl.u32 s1, $0x2  }
0xba: {  	s3 =	sand.u32 $0x4000, s31;
	s1 =	sadd.s32 s1, s30  }
0xbb: {  	s0 =	sor.u32 s3, s0;
	s1 =	sshll.u32 s1, $0x11  }
0xbc: {  	s0 =	sor.u32 s1, s0  }
0xbd: {  	s0 =	sadd.s32 $0x8F2B, s0  }
0xbe: {  	[sflag:s0] =	ssyncadd.remote.s32 $0x1  }
0xbf: {  	_ =	sfence.sel $0xFFFF  }
0xc0: {  	[dreg:$0x0] =	wrdreg $0xFFFFFFFF;
	(pc) =	sbr.abs _section_cstart, $3  }
0xc1: {  	[dreg:$0x1] =	wrdreg $0xFFFFFFFF  }
0xc2: {  	_ =	task.clear_ibuf [dreg:s7], $0x2FFFF;
	_ =	strace $0x9FFFFFFF  }
0xc3: {  	(tm) =	ssettm $0x7FFFFFFF  }
tec
execute0_lowered:
.L_overlay_start_1:
0x0: {  	(tag) =	ssettag $0x1  }
0x1: {  	s1 =	rddreg [dreg:$0x0]  }
0x2: {  	s0 =	rddreg [dreg:$0x1]  }
0x3: {  	s2 =	rddreg [dreg:$0x2];
	s3 =	simm.s32 $0x0;
	s4 =	srdreg.scid  }
0x4: {  	s9 =	stileid.u32;
	s14 =	simm.s32 $0x3000;
	s15 =	simm.s32 $0x3  }
0x5: {  	s17 =	simm.s32 $0x80;
	s18 =	simm.s32 $0x7000;
	s6 =	smul.u32 $0x4F000, s9  }
0x6: {  	s19 =	simm.s32 $0x2800;
	s20 =	simm.s32 $0x1;
	s12 =	smul.u32 $0x50, s9  }
0x7: {  	s21 =	simm.s32 $0x2;
	s25 =	simm.s32 $0x0;
	s16 =	smul.u32 $0x500, s9  }
0x8: {  	[smem:$0x7FF] =	sst s3;
	s4 =	sand.u32 $0x1, s4;
	s22 =	smul.u32 $0x2780, s9  }
0x9: {  	s8 =	sadd.s32 $0x13200, s0;
	s31 =	sshll.u32 s9, $0x6;
	s5 =	smul.u32 $0x5000, s4  }
0xa: {  	_ =	strace $0x8000004D;
	s7 =	smul.u32 $0x27800, s4;
	[dreg:$0x4] =	wrdreg s8  }
0xb: {  	s4 =	ssub.s32 $0x2, s4;
	s23 =	sor.u32 $0x1C03, s31;
	s6 =	sshrl.u32 s6, $0x2  }
0xc: {  	s28 =	sshrl.u32 s4, $0x1;
	s13 =	sadd.s32 s5, s0;
	s5 =	sadd.s32 $0x4200, s0  }
0xd: {  	s0 =	sadd.s32 s7, s0;
	s7 =	sadd.s32 s6, s2;
	s4 =	ssub.s32 s4, s28  }
0xe: {  	s6 =	sadd.s32 $0x4000, s7;
	s29 =	sadd.s32 $0x8000, s7;
	s10 =	sadd.s32 $0xC000, s7  }
0xf: {  	s11 =	sadd.s32 $0x10000, s7;
	s30 =	sadd.s32 $0x9200, s13;
	s0 =	sadd.s32 $0xAFE00, s0  }
0x10: {  	s13 =	smax.u32 s4, $0x1;
	s24 =	sshrl.u32 s7, $0x3;
	[dreg:$0x5] =	wrdreg s6  }
0x11: {  	[dreg:$0x6] =	wrdreg s29;
	s16 =	sadd.s32 s16, s30;
	s22 =	sadd.s32 s22, s0  }
.LBB2_1:
0x12: {  	s0 =	rddreg [dreg:$0x4]  }
0x13: {  	[tilespmem:s14], [sflag:$0x3] =	stream.linear.gather [hbm4b:s0+s3], $0x4000, $0x38;
	[tilespmem:$0x1EC00] =	vst v63  }
0x14: {  	_ =	swait.ge [sflag:s15], $0x4000  }
0x15: {  	[sflag:s15] =	ssyncset.done $0x0  }
0x16: {  	[sflag:s15] =	ssyncadd.s32 $0xFFFFC000  }
0x17: {  	[spmem:s7] =	stream.linear.scatter [tilespmem:s14], [sflag:$0x3], $0x4000, $0x38;
	[tilespmem:$0x1EC00] =	vst v63  }
0x18: {  	_ =	swait.ge [sflag:s15], $0x4000  }
0x19: {  	[sflag:s15] =	ssyncset.done $0x0  }
0x1a: {  	s30 =	rddreg [dreg:$0x5];
	[sflag:s15] =	ssyncadd.s32 $0xFFFFC000  }
0x1b: {  	[spmem:s30] =	stream.linear.scatter [tilespmem:s14], [sflag:$0x3], $0x4000, $0x38;
	[tilespmem:$0x1EC00] =	vst v63  }
0x1c: {  	_ =	swait.ge [sflag:s15], $0x4000  }
0x1d: {  	[sflag:s15] =	ssyncset.done $0x0  }
0x1e: {  	s31 =	rddreg [dreg:$0x6];
	[sflag:s15] =	ssyncadd.s32 $0xFFFFC000  }
0x1f: {  	[spmem:s31] =	stream.linear.scatter [tilespmem:s14], [sflag:$0x3], $0x4000, $0x38;
	[tilespmem:$0x1EC00] =	vst v63  }
0x20: {  	_ =	swait.ge [sflag:s15], $0x4000  }
0x21: {  	[sflag:s15] =	ssyncset.done $0x0  }
0x22: {  	[sflag:s15] =	ssyncadd.s32 $0xFFFFC000  }
0x23: {  	[spmem:s10] =	stream.linear.scatter [tilespmem:s14], [sflag:$0x3], $0x4000, $0x38;
	[tilespmem:$0x1EC00] =	vst v63  }
0x24: {  	_ =	swait.ge [sflag:s15], $0x4000  }
0x25: {  	[sflag:s15] =	ssyncset.done $0x0  }
0x26: {  	[sflag:s15] =	ssyncadd.s32 $0xFFFFC000  }
0x27: {  	[spmem:s11] =	stream.linear.scatter [tilespmem:s14], [sflag:$0x3], $0x3C00, $0x38;
	[tilespmem:$0x1EC00] =	vst v63  }
0x28: {  	_ =	swait.ge [sflag:s15], $0x3C00  }
0x29: {  	[sflag:s15] =	ssyncset.done $0x0  }
0x2a: {  	[sflag:s15] =	ssyncadd.s32 $0xFFFFC400  }
0x2b: {  	[bflag:$0x0] =	sbarrier.arrive $0xFFFF  }
0x2c: {  	[tilespmem:s3], [sflag:$0x3] =	stream.linear.gather [hbm4b:s16+s3], $0x2800, $0x38;
	[tilespmem:$0x1EC00] =	vst v63  }
0x2d: {  	_ =	swait.ge [sflag:s15], $0x2800  }
0x2e: {  	[sflag:s15] =	ssyncset.done $0x0  }
0x2f: {  	[sflag:s15] =	ssyncadd.s32 $0xFFFFD800  }
0x30: {  	[tilespmem:s14], [sflag:$0x1] =	stream.indirect.gather [hbm4b:s1+s17], $0x80, s3, s17, $0xb8;
	[tilespmem:$0x1EC00] =	vst v63  }
0x31: {  	s26 =	simm.s32 $0x0;
	s28 =	simm.s32 $0x0;
	s29 =	simm.s32 $0x0  }
0x32: {  	[tilespmem:s18], [sflag:$0x2] =	stream.indirect.gather [hbm4b:s1+s17], $0x80, s17, s17, $0xb8;
	[tilespmem:$0x1EC00] =	vst v63  }
.LBB2_2:
0x33: {  	s0 =	sshll.u32 s29, $0x4  }
0x34: {  	s0 =	sadd.s32 s12, s0  }
0x35: {  	s0 =	sshll.u32 s0, $0x4  }
0x36: {  	s4 =	simm.s32 $0x0;
	s0 =	sadd.s32 s5, s0  }
0x37: {  	[tilespmem:s19], [sflag:$0x3] =	stream.linear.gather [hbm4b:s0+s4], $0x800, $0x38;
	[tilespmem:$0x1EC00] =	vst v63  }
0x38: {  	_ =	swait.ge [sflag:s15], $0x800  }
0x39: {  	[sflag:s15] =	ssyncset.done $0x0  }
0x3a: {  	[sflag:s15] =	ssyncadd.s32 $0xFFFFF800  }
0x3b: {  	_ =	swait.ge [sflag:s20], $0x4000  }
0x3c: {  	[sflag:s20] =	ssyncset.done $0x0  }
0x3d: {  	s8 =	simm.s32 $0x2800;
	[sflag:s20] =	ssyncadd.s32 $0xFFFFC000  }
0x3e: {  	[spmem:s2] =	stream.indirect.scatter.add.f32 [tilespmem:s14], [sflag:$0x3], $0x80, s8, s17, $0xb8;
	[tilespmem:$0x1EC00] =	vst v63  }
0x3f: {  	p0 =	sgt.u32 s26, $0x4D;
	_ =	swait.ge [sflag:s15], $0x4000  }
0x40: {  	s6 =	simm.s32 @!p0 $0x80;
	s0 =	sadd.s32 @!p0 $0x0, s28;
	[sflag:s15] =	ssyncset.done $0x0  }
0x41: {  	s4 =	simm.s32 @!p0 $0x3000;
	s0 =	sadd.s32 @!p0 $0x100, s0;
	[sflag:s15] =	ssyncadd.s32 $0xFFFFC000  }
0x42: {  	[tilespmem:s4], [sflag:$0x1] =	stream.indirect.gather @!p0 [hbm4b:s1+s6], $0x80, s0, s6, $0xb8;
	[tilespmem:$0x1EC00] =	vst v63  }
0x43: {  	_ =	swait.ge [sflag:s21], $0x4000  }
0x44: {  	[sflag:s21] =	ssyncset.done $0x0  }
0x45: {  	s30 =	simm.s32 $0x400;
	s9 =	simm.s32 $0x2880;
	[sflag:s21] =	ssyncadd.s32 $0xFFFFC000  }
0x46: {  	[spmem:s2] =	stream.indirect.scatter.add.f32 [tilespmem:s18], [sflag:$0x3], $0x80, s9, s17, $0xb8;
	[tilespmem:$0x1EC00] =	vst v63  }
0x47: {  	p1 =	sgt.u32 s26, $0x4C;
	s31 =	sadd.s32 $0x2, s26;
	_ =	swait.ge [sflag:s15], $0x4000  }
0x48: {  	s4 =	sadd.s32 @!p1 $0x0, s28;
	s0 =	simm.s32 @!p1 $0x7000;
	[sflag:s15] =	ssyncset.done $0x0  }
0x49: {  	s6 =	simm.s32 @!p1 $0x80;
	s4 =	sadd.s32 @!p1 $0x180, s4;
	[sflag:s15] =	ssyncadd.s32 $0xFFFFC000  }
.LBB2_3:
0x4a: {  	[tilespmem:s0], [sflag:$0x2] =	stream.indirect.gather @!p1 [hbm4b:s1+s6], $0x80, s4, s6, $0xb8;
	[tilespmem:$0x1EC00] =	vst v63  }
0x4b: {  	s0 =	smov.u32 s30;
	s30 =	sadd.s32 $0x400, s30;
	_ =	swait.ge [sflag:s20], $0x4000  }
0x4c: {  	s4 =	sshra.s32 s0, $0x2;
	p0 =	sne.s32 s30, $0x2000;
	[sflag:s20] =	ssyncset.done $0x0  }
0x4d: {  	p1 =	sgt.u32 s31, $0x4D;
	s6 =	sadd.s32 $0x2800, s4;
	[sflag:s20] =	ssyncadd.s32 $0xFFFFC000  }
0x4e: {  	[spmem:s2] =	stream.indirect.scatter.add.f32 [tilespmem:s14], [sflag:$0x3], $0x80, s6, s17, $0xb8;
	[tilespmem:$0x1EC00] =	vst v63  }
0x4f: {  	s6 =	sshra.s32 @!p1 s0, $0x2;
	_ =	swait.ge [sflag:s15], $0x4000  }
0x50: {  	s8 =	simm.s32 @!p1 $0x3000;
	s6 =	sadd.s32 @!p1 s6, s28;
	[sflag:s15] =	ssyncset.done $0x0  }
0x51: {  	s9 =	simm.s32 @!p1 $0x80;
	s6 =	sadd.s32 @!p1 $0x100, s6;
	[sflag:s15] =	ssyncadd.s32 $0xFFFFC000  }
0x52: {  	[tilespmem:s8], [sflag:$0x1] =	stream.indirect.gather @!p1 [hbm4b:s1+s9], $0x80, s6, s9, $0xb8;
	[tilespmem:$0x1EC00] =	vst v63  }
0x53: {  	_ =	swait.ge [sflag:s21], $0x4000  }
0x54: {  	p1 =	sgt.u32 s31, $0x4C;
	[sflag:s21] =	ssyncset.done $0x0  }
.Ltmp0:
0x55: {  	s4 =	sadd.s32 $0x2880, s4;
	[sflag:s21] =	ssyncadd.s32 $0xFFFFC000;
	(pc) =	sbr.rel @p0 .LBB2_3-.Ltmp0, $4  }
0x56: {  	[spmem:s2] =	stream.indirect.scatter.add.f32 [tilespmem:s18], [sflag:$0x3], $0x80, s4, s17, $0xb8;
	[tilespmem:$0x1EC00] =	vst v63  }
0x57: {  	s31 =	sadd.s32 $0x2, s31;
	s0 =	sshra.s32 @!p1 s0, $0x2;
	_ =	swait.ge [sflag:s15], $0x4000  }
0x58: {  	s4 =	sadd.s32 @!p1 s0, s28;
	s0 =	simm.s32 @!p1 $0x7000;
	[sflag:s15] =	ssyncset.done $0x0  }
0x59: {  	s6 =	simm.s32 @!p1 $0x80;
	s4 =	sadd.s32 @!p1 $0x180, s4;
	[sflag:s15] =	ssyncadd.s32 $0xFFFFC000  }
0x5a: {  	s29 =	sadd.s32 $0x1, s29  }
0x5b: {  	p0 =	sne.s32 s29, $0x5  }
.Ltmp1:
0x5c: {  	_ = 	snop;
	(pc) =	sbr.rel @p0 .LBB2_2-.Ltmp1, $3  }
0x5d: {  	_ =	sdelay $0x1  }
0x5e: {  	[tilespmem:s0], [sflag:$0x2] =	stream.indirect.gather @!p1 [hbm4b:s1+s6], $0x80, s4, s6, $0xb8;
	[tilespmem:$0x1EC00] =	vst v63  }
0x5f: {  	s28 =	sadd.s32 $0x800, s28;
	s26 =	sadd.s32 $0x10, s26  }
0x60: {  	s25 =	sadd.s32 $0x1, s25  }
0x61: {  	p0 =	sne.s32 s25, s13  }
.Ltmp2:
0x62: {  	[bflag:$0x0] =	sbarrier.arrive $0xFFFF;
	(pc) =	sbr.rel @p0 .LBB2_1-.Ltmp2, $4  }
0x63: {  	[hbm:s22], [sflag:s23] =	dma.local [spmem:s24], $0x2780  }
0x64: {  	_ =	swait.ge [sflag:s15], $0x2780  }
0x65: {  	[sflag:s15] =	ssyncset.done $0x0  }
0x66: {  	[sflag:s15] =	ssyncadd.s32 $0xFFFFD880  }
0x67: {  	_ =	sfence.sel $0x180000  }
0x68: {  	[bflag:$0x0] =	sbarrier.arrive $0xFFFF  }
0x69: {  	_ =	strace $0x9000004D  }
0x6a: {  	s0 =	stileid.u32;
	[bflag:$0x2] =	sbarrier.arrive $0xFFFF  }
0x6b: {  	p0 =	sne.s32 s0, $0x0;
	s0 =	rddreg [dreg:$0x3]  }
0x6c: {  	s0 =	sadd.s32 @!p0 $0x100000, s0  }
0x6d: {  	[sflag:s0] =	ssyncadd.tile.s32 @!p0 $0x1;
	_ =	shalt  }
.Lfunc_end2:
_tile_overlayer_lowered:
.L_overlay_start_2:
0x6e: {  	(tag) =	ssettag $0x2  }
0x6f: {  	s0 =	rddreg [dreg:$0x0];
	s2 =	stileid.u32  }
0x70: {  	s1 =	rddreg [dreg:$0x1];
	p0 =	sne.s32 s2, $0x0  }
0x71: {  	s3 =	rddreg [dreg:$0x2];
	[bflag:$0x3] =	sbarrier.arrive $0xFFFF;
	s2 =	simm.s32 @!p0 $0x1C03  }
0x72: {  	[timem:s3], [sflag:s2] =	dma.local @!p0 [hbm:s0], s1  }
0x73: {  	s0 =	simm.s32 @!p0 $0x3  }
0x74: {  	_ =	swait.ge @!p0 [sflag:s0], s1  }
0x75: {  	s1 =	ssub.s32 @!p0 $0x0, s1;
	[sflag:s0] =	ssyncset.done @!p0 $0x0  }
0x76: {  	[sflag:s0] =	ssyncadd.s32 @!p0 s1  }
0x77: {  	[bflag:$0x3] =	sbarrier.arrive $0xFFFF  }
0x78: {  	_ =	shalt  }

// kernel: kernel.9.cloned.1.call-start
scs
__scs_entry_jumppad:
0x0: {  	(pc) =	sbr.rel $0x88, $3  }
0x1: {  	(tag) =	ssettag $0x0;
	lr =	simm.s32 $0x1  }
0x2: {  	[smem:$0x3F96] =	sst lr;
	_ =	strace $0xD0000000  }
0x3: {  	_ = 	snop  }
0x4: {  	_ = 	snop  }
0x5: {  	_ = 	snop  }
0x6: {  	_ = 	snop  }
0x7: {  	_ = 	snop  }
__scs_overlays_trampoline_lowered:
0x8: {  	[smem:$0x3FA5] =	sst s0  }
0x9: {  	[smem:$0x3FA6] =	sst s1  }
0xa: {  	[smem:$0x3FA7] =	sst s2  }
0xb: {  	[smem:$0x3FA8] =	sst s3  }
0xc: {  	[smem:$0x3FA9] =	sst s4  }
0xd: {  	[smem:$0x3FAA] =	sst s5  }
0xe: {  	[smem:$0x3FAB] =	sst s6  }
0xf: {  	[smem:$0x3FAC] =	sst s7  }
0x10: {  	[smem:$0x3FAD] =	sst s8  }
0x11: {  	[smem:$0x3FAE] =	sst s9;
	s0 =	simm.s32 @!p0 $0x0  }
0x12: {  	s1 =	sld [smem:$0x3F94];
	s0 =	simm.s32 @p0 $0x1  }
0x13: {  	[smem:$0x3FAF] =	sst s0;
	s0 =	simm.s32 @!p1 $0x0  }
0x14: {  	s2 =	sld [smem:$0x3F93];
	s0 =	simm.s32 @p1 $0x1  }
0x15: {  	[smem:$0x3FB0] =	sst s0;
	s0 =	simm.s32 @!p2 $0x0  }
0x16: {  	s3 =	sld [smem:$0x3FDB];
	s0 =	simm.s32 @p2 $0x1  }
0x17: {  	s4 =	simm.s32 $0x1BF5;
	[smem:$0x3FB2] =	sst s0  }
0x18: {  	s0 =	sld [smem:$0x3F95];
	_ =	swait.ge [sflag:s4], $0x0  }
0x19: {  	s7 =	sld [smem:$0x3F96]  }
0x1a: {  	s8 =	sadd.s32 $0xFFFFE003, lr  }
0x1b: {  	s9 =	sadd.s32 $0xFFFFFEF7, lr;
	s5 =	simm.s32 $0xFFFFFFFF;
	p2 =	slt.u32 s8, $0xFFFFF086  }
0x1c: {  	p1 =	slt.u32 s9, $0xF7A;
	s5 =	simm.s32 @!p2 $0x0  }
0x1d: {  	s5 =	simm.s32 @p1 $0x1;
	p0 =	seq.s32 s7, s2  }
0x1e: {  	s7 =	smul.u32 @!p0 $0xF7A, s2;
	p2 =	seq.s32 @!p0 s5, $0x0  }
0x1f: {  	s9 =	smul.u32 $0xF7A, s1;
	s8 =	simm.s32 @!p0 $0x1BF5;
	p2 =	por !p2, p0  }
0x20: {  	[sflag:s8] =	ssyncset.s32 @!p0 $0xFFFFF086;
	s6 =	sadd.s32 @!p0 s3, s7;
	s7 =	simm.s32 @!p0 $0x108  }
0x21: {  	s3 =	sadd.s32 s3, s9;
	s6 =	sadd.s32 @!p0 $0x88, s6;
	s7 =	simm.s32 @p2 $0x1082  }
0x22: {  	[simem:s7], [sflag:s8] =	dma.local @!p0 [hbm:s6], $0xF7A  }
0x23: {  	s9 =	sor.u32 $0xD0000000, s2;
	s6 =	simm.s32 $0x108;
	_ =	swait.ge @!p0 [sflag:s8], $0x0  }
0x24: {  	s3 =	sadd.s32 $0x88, s3;
	s6 =	simm.s32 @!p1 $0x1082;
	[sflag:s4] =	ssyncset.s32 $0xFFFFF086  }
0x25: {  	[simem:s6], [sflag:s4] =	dma.local [hbm:s3], $0xF7A  }
0x26: {  	[smem:$0x3F96] =	sst s1;
	(tag) =	ssettag s2;
	_ =	strace s9  }
0x27: {  	s1 =	sld [smem:$0x3FA6]  }
0x28: {  	s2 =	sld [smem:$0x3FA7]  }
0x29: {  	s4 =	sld [smem:$0x3FA9]  }
0x2a: {  	p0 =	seq.s32 s5, $0x0;
	s5 =	sld [smem:$0x3FAA]  }
0x2b: {  	s6 =	sld [smem:$0x3FAB]  }
0x2c: {  	s7 =	sld [smem:$0x3FAC]  }
0x2d: {  	s3 =	simm.s32 $0x108;
	s8 =	sld [smem:$0x3FAD]  }
0x2e: {  	s3 =	simm.s32 @!p0 $0x1082;
	s9 =	sld [smem:$0x3FAE]  }
0x2f: {  	lr =	sadd.s32 s0, s3;
	s0 =	sld [smem:$0x3FA5]  }
0x30: {  	s3 =	sld [smem:$0x3FA8]  }
0x31: {  	[smem:$0x3FB1] =	sst s10  }
0x32: {  	s10 =	sld [smem:$0x3FAF];
	_ =	sdelay $0x3  }
0x33: {  	p0 =	seq.s32 s10, $0x1;
	s10 =	sld [smem:$0x3FB1];
	_ =	sdelay $0x3  }
0x34: {  	[smem:$0x3FB1] =	sst s10  }
0x35: {  	s10 =	sld [smem:$0x3FB0];
	_ =	sdelay $0x3  }
0x36: {  	p1 =	seq.s32 s10, $0x1;
	s10 =	sld [smem:$0x3FB1];
	_ =	sdelay $0x3  }
0x37: {  	[smem:$0x3FB1] =	sst s10  }
0x38: {  	s10 =	sld [smem:$0x3FB2]  }
0x39: {  	_ = 	snop;
	(pc) =	sbr.ind lr, $3  }
0x3a: {  	_ = 	snop  }
0x3b: {  	_ = 	snop  }
0x3c: {  	p2 =	seq.s32 s10, $0x1;
	s10 =	sld [smem:$0x3FB1]  }
0x3d: {  	_ =	shalt  }
0x3e: {  	_ =	shalt  }
0x3f: {  	_ =	shalt  }
0x40: {  	_ =	shalt  }
0x41: {  	_ =	shalt  }
0x42: {  	_ =	shalt  }
0x43: {  	_ =	shalt  }
0x44: {  	_ =	shalt  }
0x45: {  	_ =	shalt  }
0x46: {  	_ =	shalt  }
0x47: {  	_ =	shalt  }
0x48: {  	_ =	shalt  }
0x49: {  	_ =	shalt  }
0x4a: {  	_ =	shalt  }
0x4b: {  	_ =	shalt  }
0x4c: {  	_ =	shalt  }
0x4d: {  	_ =	shalt  }
0x4e: {  	_ =	shalt  }
0x4f: {  	_ =	shalt  }
0x50: {  	_ =	shalt  }
0x51: {  	_ =	shalt  }
0x52: {  	_ =	shalt  }
0x53: {  	_ =	shalt  }
0x54: {  	_ =	shalt  }
0x55: {  	_ =	shalt  }
0x56: {  	_ =	shalt  }
0x57: {  	_ =	shalt  }
0x58: {  	_ =	shalt  }
0x59: {  	_ =	shalt  }
0x5a: {  	_ =	shalt  }
0x5b: {  	_ =	shalt  }
0x5c: {  	_ =	shalt  }
0x5d: {  	_ =	shalt  }
0x5e: {  	_ =	shalt  }
0x5f: {  	_ =	shalt  }
0x60: {  	_ =	shalt  }
0x61: {  	_ =	shalt  }
0x62: {  	_ =	shalt  }
0x63: {  	_ =	shalt  }
0x64: {  	_ =	shalt  }
0x65: {  	_ =	shalt  }
0x66: {  	_ =	shalt  }
0x67: {  	_ =	shalt  }
0x68: {  	_ =	shalt  }
0x69: {  	_ =	shalt  }
0x6a: {  	_ =	shalt  }
0x6b: {  	_ =	shalt  }
0x6c: {  	_ =	shalt  }
0x6d: {  	_ =	shalt  }
0x6e: {  	_ =	shalt  }
0x6f: {  	_ =	shalt  }
0x70: {  	_ =	shalt  }
0x71: {  	_ =	shalt  }
0x72: {  	_ =	shalt  }
0x73: {  	_ =	shalt  }
0x74: {  	_ =	shalt  }
0x75: {  	_ =	shalt  }
0x76: {  	_ =	shalt  }
0x77: {  	_ =	shalt  }
0x78: {  	_ =	shalt  }
0x79: {  	_ =	shalt  }
0x7a: {  	_ =	shalt  }
0x7b: {  	_ =	shalt  }
0x7c: {  	_ =	shalt  }
0x7d: {  	_ =	shalt  }
0x7e: {  	_ =	shalt  }
0x7f: {  	_ =	shalt  }
0x80: {  	_ =	shalt  }
0x81: {  	_ =	shalt  }
0x82: {  	_ =	shalt  }
0x83: {  	_ =	shalt  }
0x84: {  	_ =	shalt  }
0x85: {  	_ =	shalt  }
0x86: {  	_ =	shalt  }
0x87: {  	_ =	shalt  }
.Lfunc_end0:
.L_simem_size_0:
called_computation_lowered:
.L_overlay_start_0:
0x88: {  	s2 =	sld [smem:$0x3FD9]  }
0x89: {  	s3 =	sld [smem:$0x3FFE];
	_ =	sdelay $0x1  }
0x8a: {  	s1 =	srdreg.scid  }
0x8b: {  	s0 =	sand.u32 $0x1, s1  }
0x8c: {  	s17 =	sshll.u32 s0, $0xA;
	s2 =	sadd.s32 s3, s2  }
0x8d: {  	s2 =	sadd.s32 s2, s17  }
0x8e: {  	[smem:$0x3FBD] =	sst s2  }
0x8f: {  	_ = 	snop  }
0x90: {  	s2 =	sld [smem:$0x3FD0];
	(tm) =	ssettm $0x1  }
0x91: {  	s18 =	sld [smem:$0x3FFB];
	_ =	sdelay $0x3  }
0x92: {  	_ =	strace s18  }
0x93: {  	s3 =	sld [smem:$0x3FFC];
	_ =	sdelay $0x3  }
0x94: {  	_ =	strace s3  }
0x95: {  	s3 =	sld [smem:$0x3FFD];
	_ =	sdelay $0x3  }
0x96: {  	_ =	strace s3  }
0x97: {  	_ =	strace $0x8FFFFFFF  }
0x98: {  	s19 =	sld [smem:$0x3FDB];
	_ =	sdelay $0x1  }
0x99: {  	s4 =	simm.s32 $_scs_section_size  }
0x9a: {  	s5 =	simm.s32 $_size__tile_overlayer_lowered;
	s6 =	simm.s32 $_tile_overlayer_lowered  }
0x9b: {  	s22 =	simm.s32 $0x1BFF;
	s21 =	sshll.u32 s6, $0x1;
	s3 =	sadd.s32 s4, s19  }
0x9c: {  	s7 =	simm.s32 $0x0;
	s20 =	sshll.u32 s5, $0x1;
	s5 =	sadd.s32 s21, s3  }
0x9d: {  	[timem:s7], [sflag:s22] =	dma.local [hbm:s5], s20  }
0x9e: {  	_ =	swait.ge [sflag:s22], s20  }
0x9f: {  	s4 =	ssub.s32 $0x0, s20;
	[sflag:s22] =	ssyncset.done $0x0  }
0xa0: {  	[sflag:s22] =	ssyncadd.s32 s4;
	_ =	sdelay $0x1  }
0xa1: {  	s23 =	simm.s32 $0x1B8B  }
0xa2: {  	_ =	swait.ge [sflag:s23], $0x1  }
0xa3: {  	[sflag:s23] =	ssyncset.done $0x0  }
0xa4: {  	s25 =	simm.s32 $0x1B8E;
	s24 =	sld [smem:$0x3FFE];
	[sflag:s23] =	ssyncadd.s32 $0xFFFFFFFF  }
0xa5: {  	s26 =	simm.s32 $execute0_lowered;
	[smem:$0x3FD2] =	sst s25  }
0xa6: {  	s5 =	sshll.u32 s26, $0x1;
	_ =	strace $0x80000046;
	[dreg:$0x1] =	wrdreg $0xFFFFFFFF  }
0xa7: {  	s28 =	simm.s32 $_size_execute0_lowered;
	s3 =	sadd.s32 s3, s5;
	[dreg:$0x0] =	wrdreg $0x0  }
0xa8: {  	s5 =	sshll.u32 s28, $0x1;
	[dreg:$0x2] =	wrdreg s3  }
0xa9: {  	[dreg:$0x3] =	wrdreg s5  }
0xaa: {  	[dreg:$0x4] =	wrdreg $0xC0  }
0xab: {  	_ =	task [dreg:s7], $0x5FFFF  }
0xac: {  	[dreg:$0x1] =	wrdreg $0xFFFFFFFF  }
0xad: {  	[dreg:$0x0] =	wrdreg $0x60  }
0xae: {  	[dreg:$0x2] =	wrdreg s2  }
0xaf: {  	[dreg:$0x3] =	wrdreg s24  }
0xb0: {  	[dreg:$0x4] =	wrdreg $0xB0000  }
0xb1: {  	[dreg:$0x5] =	wrdreg $0x9  }
0xb2: {  	_ =	task.clear_ibuf [dreg:s7], $0x6FFFF;
	_ =	strace $0x90000046  }
0xb3: {  	s29 =	simm.s32 $0x9;
	_ =	strace $0x80000048  }
0xb4: {  	_ =	swait.ge [sflag:s29], $0x1  }
0xb5: {  	[sflag:s29] =	ssyncadd.s32 $0xFFFFFFFF  }
0xb6: {  	_ =	strace $0x90000048  }
0xb7: {  	_ =	sfence  }
0xb8: {  	s30 =	sld [smem:$0x0];
	_ =	sdelay $0x2  }
0xb9: {  	s31 =	sshll.u32 s1, $0xD;
	s1 =	sshrl.u32 s1, $0x2  }
0xba: {  	s3 =	sand.u32 $0x4000, s31;
	s1 =	sadd.s32 s1, s30  }
0xbb: {  	s0 =	sor.u32 s3, s0;
	s1 =	sshll.u32 s1, $0x11  }
0xbc: {  	s0 =	sor.u32 s1, s0  }
0xbd: {  	s0 =	sadd.s32 $0x8F2B, s0  }
0xbe: {  	[sflag:s0] =	ssyncadd.remote.s32 $0x1  }
0xbf: {  	_ =	sfence.sel $0xFFFF  }
0xc0: {  	[dreg:$0x0] =	wrdreg $0xFFFFFFFF;
	(pc) =	sbr.abs _section_cstart, $3  }
0xc1: {  	[dreg:$0x1] =	wrdreg $0xFFFFFFFF  }
0xc2: {  	_ =	task.clear_ibuf [dreg:s7], $0x2FFFF;
	_ =	strace $0x9FFFFFFF  }
0xc3: {  	(tm) =	ssettm $0x7FFFFFFF  }
tec
execute0_lowered:
.L_overlay_start_1:
0x0: {  	(tag) =	ssettag $0x1  }
0x1: {  	s15 =	stileid.u32  }
0x2: {  	s1 =	rddreg [dreg:$0x0];
	s8 =	smul.u32 $0x4F000, s15  }
0x3: {  	s0 =	rddreg [dreg:$0x1];
	s19 =	smul.u32 $0x28, s15  }
0x4: {  	s2 =	rddreg [dreg:$0x2];
	s28 =	smul.u32 $0x2780, s15  }
0x5: {  	s4 =	srdreg.scid;
	s3 =	simm.s32 $0x0;
	s16 =	smul.u32 $0x50, s15  }
0x6: {  	s4 =	sand.u32 $0x1, s4;
	[smem:$0x7FF] =	sst s3;
	s15 =	smul.u32 $0x500, s15  }
0x7: {  	s6 =	sadd.s32 $0x13200, s0;
	s10 =	sadd.s32 $0x13A00, s0;
	s5 =	smul.u32 $0x5000, s4  }
0x8: {  	s7 =	smul.u32 $0x27800, s4;
	_ =	strace $0x80000047;
	[dreg:$0xc] =	wrdreg s6  }
0x9: {  	s18 =	simm.s32 $0x3000;
	s9 =	smul.u32 $0x280, s4;
	[dreg:$0x4] =	wrdreg s10  }
0xa: {  	s4 =	ssub.s32 $0x2, s4;
	s6 =	simm.s32 $0x0;
	s10 =	simm.s32 $0x2F00  }
0xb: {  	s20 =	sshrl.u32 s8, $0x2;
	s11 =	sshrl.u32 s4, $0x1;
	s8 =	simm.s32 $0x2E00  }
0xc: {  	s12 =	sadd.s32 s5, s0;
	s5 =	sadd.s32 $0x4200, s0;
	s0 =	sadd.s32 s7, s0  }
0xd: {  	s21 =	sadd.s32 s20, s2;
	s22 =	sadd.s32 s19, s9;
	s4 =	ssub.s32 s4, s11  }
0xe: {  	s19 =	simm.s32 $0x3;
	s23 =	sadd.s32 $0x4000, s21;
	[dreg:$0x11] =	wrdreg s21  }
0xf: {  	s20 =	simm.s32 $0x2800;
	s24 =	sadd.s32 $0x8000, s21;
	[dreg:$0xd] =	wrdreg s23  }
0x10: {  	s9 =	simm.s32 $0x2E80;
	s25 =	sadd.s32 $0xC000, s21;
	[dreg:$0xe] =	wrdreg s24  }
0x11: {  	s11 =	simm.s32 $0x2F80;
	s26 =	sadd.s32 $0x10000, s21;
	[dreg:$0xf] =	wrdreg s25  }
0x12: {  	s7 =	sshll.u32 s22, $0x4;
	s4 =	smax.u32 s4, $0x1;
	[dreg:$0x10] =	wrdreg s26  }
0x13: {  	s12 =	sadd.s32 $0x9200, s12;
	s14 =	sadd.s32 s5, s7;
	[dreg:$0x8] =	wrdreg s4  }
0x14: {  	s29 =	sadd.s32 $0x63200, s0;
	s30 =	sadd.s32 s15, s12;
	[dreg:$0x5] =	wrdreg s14  }
0x15: {  	s0 =	sadd.s32 $0x14200, s0;
	s31 =	sadd.s32 s28, s29;
	[dreg:$0x9] =	wrdreg s30  }
0x16: {  	s22 =	simm.s32 $0x80;
	s0 =	sadd.s32 s28, s0;
	[dreg:$0xa] =	wrdreg s31  }
0x17: {  	s4 =	simm.s32 $0x7000;
	s7 =	sadd.s32 $0x100, s14;
	[dreg:$0xb] =	wrdreg s0  }
0x18: {  	s15 =	simm.s32 $0x0;
	s14 =	sadd.s32 $0x200, s14;
	[dreg:$0x6] =	wrdreg s7  }
0x19: {  	[dreg:$0x7] =	wrdreg s14;
	s7 =	simm.s32 $0x1;
	s14 =	simm.s32 $0x2  }
.LBB2_1:
0x1a: {  	s23 =	rddreg [dreg:$0xc]  }
0x1b: {  	[tilespmem:s18], [sflag:$0x3] =	stream.linear.gather [hbm4b:s23+s6], $0x4000, $0x38;
	[tilespmem:$0x1EC00] =	vst v63  }
0x1c: {  	_ =	swait.ge [sflag:s19], $0x4000  }
0x1d: {  	[sflag:s19] =	ssyncset.done $0x0  }
0x1e: {  	s3 =	rddreg [dreg:$0x11];
	[sflag:s19] =	ssyncadd.s32 $0xFFFFC000  }
0x1f: {  	[spmem:s3] =	stream.linear.scatter [tilespmem:s18], [sflag:$0x3], $0x4000, $0x38;
	[tilespmem:$0x1EC00] =	vst v63  }
0x20: {  	_ =	swait.ge [sflag:s19], $0x4000  }
0x21: {  	[sflag:s19] =	ssyncset.done $0x0  }
0x22: {  	s24 =	rddreg [dreg:$0xd];
	[sflag:s19] =	ssyncadd.s32 $0xFFFFC000  }
0x23: {  	[spmem:s24] =	stream.linear.scatter [tilespmem:s18], [sflag:$0x3], $0x4000, $0x38;
	[tilespmem:$0x1EC00] =	vst v63  }
0x24: {  	_ =	swait.ge [sflag:s19], $0x4000  }
0x25: {  	[sflag:s19] =	ssyncset.done $0x0  }
0x26: {  	s25 =	rddreg [dreg:$0xe];
	[sflag:s19] =	ssyncadd.s32 $0xFFFFC000  }
0x27: {  	[spmem:s25] =	stream.linear.scatter [tilespmem:s18], [sflag:$0x3], $0x4000, $0x38;
	[tilespmem:$0x1EC00] =	vst v63  }
0x28: {  	_ =	swait.ge [sflag:s19], $0x4000  }
0x29: {  	[sflag:s19] =	ssyncset.done $0x0  }
0x2a: {  	s13 =	rddreg [dreg:$0xf];
	[sflag:s19] =	ssyncadd.s32 $0xFFFFC000  }
0x2b: {  	[spmem:s13] =	stream.linear.scatter [tilespmem:s18], [sflag:$0x3], $0x4000, $0x38;
	[tilespmem:$0x1EC00] =	vst v63  }
0x2c: {  	_ =	swait.ge [sflag:s19], $0x4000  }
0x2d: {  	[sflag:s19] =	ssyncset.done $0x0  }
0x2e: {  	s21 =	rddreg [dreg:$0x10];
	[sflag:s19] =	ssyncadd.s32 $0xFFFFC000  }
0x2f: {  	[spmem:s21] =	stream.linear.scatter [tilespmem:s18], [sflag:$0x3], $0x3C00, $0x38;
	[tilespmem:$0x1EC00] =	vst v63  }
0x30: {  	_ =	swait.ge [sflag:s19], $0x3C00  }
0x31: {  	[sflag:s19] =	ssyncset.done $0x0  }
0x32: {  	[sflag:s19] =	ssyncadd.s32 $0xFFFFC400  }
0x33: {  	[bflag:$0x0] =	sbarrier.arrive $0xFFFF  }
0x34: {  	s0 =	rddreg [dreg:$0x4]  }
0x35: {  	[tilespmem:s18], [sflag:$0x3] =	stream.linear.gather [hbm4b:s0+s6], $0x4000, $0x38;
	[tilespmem:$0x1EC00] =	vst v63  }
0x36: {  	_ =	swait.ge [sflag:s19], $0x4000  }
0x37: {  	[sflag:s19] =	ssyncset.done $0x0  }
0x38: {  	s29 =	rddreg [dreg:$0x5];
	[sflag:s19] =	ssyncadd.s32 $0xFFFFC000  }
0x39: {  	[tilespmem:s20], [sflag:$0x3] =	stream.linear.gather [hbm4b:s29+s6], $0x800, $0x38;
	[tilespmem:$0x1EC00] =	vst v63  }
0x3a: {  	_ =	swait.ge [sflag:s19], $0x800  }
0x3b: {  	[sflag:s19] =	ssyncset.done $0x0  }
0x3c: {  	[sflag:s19] =	ssyncadd.s32 $0xFFFFF800  }
0x3d: {  	[spmem:s2] =	stream.indirect.scatter.add.f32 [tilespmem:s18], [sflag:$0x3], $0x80, s20, s22, $0xb8;
	[tilespmem:$0x1EC00] =	vst v63  }
0x3e: {  	_ =	swait.ge [sflag:s19], $0x4000  }
0x3f: {  	[sflag:s19] =	ssyncset.done $0x0  }
0x40: {  	s12 =	simm.s32 $0x2880;
	[sflag:s19] =	ssyncadd.s32 $0xFFFFC000  }
0x41: {  	[spmem:s2] =	stream.indirect.scatter.add.f32 [tilespmem:s18], [sflag:$0x3], $0x80, s12, s22, $0xb8;
	[tilespmem:$0x1EC00] =	vst v63  }
0x42: {  	_ =	swait.ge [sflag:s19], $0x4000  }
0x43: {  	[sflag:s19] =	ssyncset.done $0x0  }
0x44: {  	s17 =	simm.s32 $0x2900;
	[sflag:s19] =	ssyncadd.s32 $0xFFFFC000  }
0x45: {  	[spmem:s2] =	stream.indirect.scatter.add.f32 [tilespmem:s18], [sflag:$0x3], $0x80, s17, s22, $0xb8;
	[tilespmem:$0x1EC00] =	vst v63  }
0x46: {  	_ =	swait.ge [sflag:s19], $0x4000  }
0x47: {  	[sflag:s19] =	ssyncset.done $0x0  }
0x48: {  	s30 =	simm.s32 $0x2980;
	[sflag:s19] =	ssyncadd.s32 $0xFFFFC000  }
0x49: {  	[spmem:s2] =	stream.indirect.scatter.add.f32 [tilespmem:s18], [sflag:$0x3], $0x80, s30, s22, $0xb8;
	[tilespmem:$0x1EC00] =	vst v63  }
0x4a: {  	_ =	swait.ge [sflag:s19], $0x4000  }
0x4b: {  	[sflag:s19] =	ssyncset.done $0x0  }
0x4c: {  	s31 =	simm.s32 $0x2A00;
	[sflag:s19] =	ssyncadd.s32 $0xFFFFC000  }
0x4d: {  	[spmem:s2] =	stream.indirect.scatter.add.f32 [tilespmem:s18], [sflag:$0x3], $0x80, s31, s22, $0xb8;
	[tilespmem:$0x1EC00] =	vst v63  }
0x4e: {  	_ =	swait.ge [sflag:s19], $0x4000  }
0x4f: {  	[sflag:s19] =	ssyncset.done $0x0  }
0x50: {  	s26 =	simm.s32 $0x2A80;
	[sflag:s19] =	ssyncadd.s32 $0xFFFFC000  }
0x51: {  	[spmem:s2] =	stream.indirect.scatter.add.f32 [tilespmem:s18], [sflag:$0x3], $0x80, s26, s22, $0xb8;
	[tilespmem:$0x1EC00] =	vst v63  }
0x52: {  	_ =	swait.ge [sflag:s19], $0x4000  }
0x53: {  	[sflag:s19] =	ssyncset.done $0x0  }
0x54: {  	s28 =	simm.s32 $0x2B00;
	[sflag:s19] =	ssyncadd.s32 $0xFFFFC000  }
0x55: {  	[spmem:s2] =	stream.indirect.scatter.add.f32 [tilespmem:s18], [sflag:$0x3], $0x80, s28, s22, $0xb8;
	[tilespmem:$0x1EC00] =	vst v63  }
0x56: {  	_ =	swait.ge [sflag:s19], $0x4000  }
0x57: {  	[sflag:s19] =	ssyncset.done $0x0  }
0x58: {  	s26 =	simm.s32 $0x2B80;
	[sflag:s19] =	ssyncadd.s32 $0xFFFFC000  }
0x59: {  	[spmem:s2] =	stream.indirect.scatter.add.f32 [tilespmem:s18], [sflag:$0x3], $0x80, s26, s22, $0xb8;
	[tilespmem:$0x1EC00] =	vst v63  }
0x5a: {  	_ =	swait.ge [sflag:s19], $0x4000  }
0x5b: {  	[sflag:s19] =	ssyncset.done $0x0  }
0x5c: {  	s28 =	simm.s32 $0x2C00;
	[sflag:s19] =	ssyncadd.s32 $0xFFFFC000  }
0x5d: {  	[spmem:s2] =	stream.indirect.scatter.add.f32 [tilespmem:s18], [sflag:$0x3], $0x80, s28, s22, $0xb8;
	[tilespmem:$0x1EC00] =	vst v63  }
0x5e: {  	_ =	swait.ge [sflag:s19], $0x4000  }
0x5f: {  	[sflag:s19] =	ssyncset.done $0x0  }
0x60: {  	s29 =	simm.s32 $0x2C80;
	[sflag:s19] =	ssyncadd.s32 $0xFFFFC000  }
0x61: {  	[spmem:s2] =	stream.indirect.scatter.add.f32 [tilespmem:s18], [sflag:$0x3], $0x80, s29, s22, $0xb8;
	[tilespmem:$0x1EC00] =	vst v63  }
0x62: {  	_ =	swait.ge [sflag:s19], $0x4000  }
0x63: {  	[sflag:s19] =	ssyncset.done $0x0  }
0x64: {  	s30 =	simm.s32 $0x2D00;
	[sflag:s19] =	ssyncadd.s32 $0xFFFFC000  }
0x65: {  	[spmem:s2] =	stream.indirect.scatter.add.f32 [tilespmem:s18], [sflag:$0x3], $0x80, s30, s22, $0xb8;
	[tilespmem:$0x1EC00] =	vst v63  }
0x66: {  	_ =	swait.ge [sflag:s19], $0x4000  }
0x67: {  	[sflag:s19] =	ssyncset.done $0x0  }
0x68: {  	s31 =	simm.s32 $0x2D80;
	[sflag:s19] =	ssyncadd.s32 $0xFFFFC000  }
0x69: {  	[spmem:s2] =	stream.indirect.scatter.add.f32 [tilespmem:s18], [sflag:$0x3], $0x80, s31, s22, $0xb8;
	[tilespmem:$0x1EC00] =	vst v63  }
0x6a: {  	_ =	swait.ge [sflag:s19], $0x4000  }
0x6b: {  	[sflag:s19] =	ssyncset.done $0x0  }
0x6c: {  	[sflag:s19] =	ssyncadd.s32 $0xFFFFC000  }
0x6d: {  	[spmem:s2] =	stream.indirect.scatter.add.f32 [tilespmem:s18], [sflag:$0x3], $0x80, s8, s22, $0xb8;
	[tilespmem:$0x1EC00] =	vst v63  }
0x6e: {  	_ =	swait.ge [sflag:s19], $0x4000  }
0x6f: {  	[sflag:s19] =	ssyncset.done $0x0  }
0x70: {  	[sflag:s19] =	ssyncadd.s32 $0xFFFFC000  }
0x71: {  	[spmem:s2] =	stream.indirect.scatter.add.f32 [tilespmem:s18], [sflag:$0x3], $0x80, s9, s22, $0xb8;
	[tilespmem:$0x1EC00] =	vst v63  }
0x72: {  	_ =	swait.ge [sflag:s19], $0x4000  }
0x73: {  	[sflag:s19] =	ssyncset.done $0x0  }
0x74: {  	[sflag:s19] =	ssyncadd.s32 $0xFFFFC000  }
0x75: {  	[spmem:s2] =	stream.indirect.scatter.add.f32 [tilespmem:s18], [sflag:$0x3], $0x80, s10, s22, $0xb8;
	[tilespmem:$0x1EC00] =	vst v63  }
0x76: {  	_ =	swait.ge [sflag:s19], $0x4000  }
0x77: {  	[sflag:s19] =	ssyncset.done $0x0  }
0x78: {  	[sflag:s19] =	ssyncadd.s32 $0xFFFFC000  }
0x79: {  	[spmem:s2] =	stream.indirect.scatter.add.f32 [tilespmem:s18], [sflag:$0x3], $0x80, s11, s22, $0xb8;
	[tilespmem:$0x1EC00] =	vst v63  }
0x7a: {  	_ =	swait.ge [sflag:s19], $0x4000  }
0x7b: {  	[sflag:s19] =	ssyncset.done $0x0  }
0x7c: {  	s0 =	rddreg [dreg:$0x6];
	[sflag:s19] =	ssyncadd.s32 $0xFFFFC000  }
0x7d: {  	[tilespmem:s20], [sflag:$0x3] =	stream.linear.gather [hbm4b:s0+s6], $0x800, $0x38;
	[tilespmem:$0x1EC00] =	vst v63  }
0x7e: {  	_ =	swait.ge [sflag:s19], $0x800  }
0x7f: {  	[sflag:s19] =	ssyncset.done $0x0  }
0x80: {  	[sflag:s19] =	ssyncadd.s32 $0xFFFFF800  }
0x81: {  	[spmem:s2] =	stream.indirect.scatter.add.f32 [tilespmem:s18], [sflag:$0x3], $0x80, s20, s22, $0xb8;
	[tilespmem:$0x1EC00] =	vst v63  }
0x82: {  	_ =	swait.ge [sflag:s19], $0x4000  }
0x83: {  	[sflag:s19] =	ssyncset.done $0x0  }
0x84: {  	[sflag:s19] =	ssyncadd.s32 $0xFFFFC000  }
0x85: {  	[spmem:s2] =	stream.indirect.scatter.add.f32 [tilespmem:s18], [sflag:$0x3], $0x80, s12, s22, $0xb8;
	[tilespmem:$0x1EC00] =	vst v63  }
0x86: {  	_ =	swait.ge [sflag:s19], $0x4000  }
0x87: {  	[sflag:s19] =	ssyncset.done $0x0  }
0x88: {  	[sflag:s19] =	ssyncadd.s32 $0xFFFFC000  }
0x89: {  	[spmem:s2] =	stream.indirect.scatter.add.f32 [tilespmem:s18], [sflag:$0x3], $0x80, s17, s22, $0xb8;
	[tilespmem:$0x1EC00] =	vst v63  }
0x8a: {  	_ =	swait.ge [sflag:s19], $0x4000  }
0x8b: {  	[sflag:s19] =	ssyncset.done $0x0  }
0x8c: {  	s0 =	simm.s32 $0x2980;
	[sflag:s19] =	ssyncadd.s32 $0xFFFFC000  }
0x8d: {  	[spmem:s2] =	stream.indirect.scatter.add.f32 [tilespmem:s18], [sflag:$0x3], $0x80, s0, s22, $0xb8;
	[tilespmem:$0x1EC00] =	vst v63  }
0x8e: {  	_ =	swait.ge [sflag:s19], $0x4000  }
0x8f: {  	[sflag:s19] =	ssyncset.done $0x0  }
0x90: {  	s0 =	simm.s32 $0x2A00;
	[sflag:s19] =	ssyncadd.s32 $0xFFFFC000  }
0x91: {  	[spmem:s2] =	stream.indirect.scatter.add.f32 [tilespmem:s18], [sflag:$0x3], $0x80, s0, s22, $0xb8;
	[tilespmem:$0x1EC00] =	vst v63  }
0x92: {  	_ =	swait.ge [sflag:s19], $0x4000  }
0x93: {  	[sflag:s19] =	ssyncset.done $0x0  }
0x94: {  	s0 =	simm.s32 $0x2A80;
	[sflag:s19] =	ssyncadd.s32 $0xFFFFC000  }
0x95: {  	[spmem:s2] =	stream.indirect.scatter.add.f32 [tilespmem:s18], [sflag:$0x3], $0x80, s0, s22, $0xb8;
	[tilespmem:$0x1EC00] =	vst v63  }
0x96: {  	_ =	swait.ge [sflag:s19], $0x4000  }
0x97: {  	[sflag:s19] =	ssyncset.done $0x0  }
0x98: {  	s0 =	simm.s32 $0x2B00;
	[sflag:s19] =	ssyncadd.s32 $0xFFFFC000  }
0x99: {  	[spmem:s2] =	stream.indirect.scatter.add.f32 [tilespmem:s18], [sflag:$0x3], $0x80, s0, s22, $0xb8;
	[tilespmem:$0x1EC00] =	vst v63  }
0x9a: {  	_ =	swait.ge [sflag:s19], $0x4000  }
0x9b: {  	[sflag:s19] =	ssyncset.done $0x0  }
0x9c: {  	[sflag:s19] =	ssyncadd.s32 $0xFFFFC000  }
0x9d: {  	[spmem:s2] =	stream.indirect.scatter.add.f32 [tilespmem:s18], [sflag:$0x3], $0x80, s26, s22, $0xb8;
	[tilespmem:$0x1EC00] =	vst v63  }
0x9e: {  	_ =	swait.ge [sflag:s19], $0x4000  }
0x9f: {  	[sflag:s19] =	ssyncset.done $0x0  }
0xa0: {  	[sflag:s19] =	ssyncadd.s32 $0xFFFFC000  }
0xa1: {  	[spmem:s2] =	stream.indirect.scatter.add.f32 [tilespmem:s18], [sflag:$0x3], $0x80, s28, s22, $0xb8;
	[tilespmem:$0x1EC00] =	vst v63  }
0xa2: {  	_ =	swait.ge [sflag:s19], $0x4000  }
0xa3: {  	[sflag:s19] =	ssyncset.done $0x0  }
0xa4: {  	[sflag:s19] =	ssyncadd.s32 $0xFFFFC000  }
0xa5: {  	[spmem:s2] =	stream.indirect.scatter.add.f32 [tilespmem:s18], [sflag:$0x3], $0x80, s29, s22, $0xb8;
	[tilespmem:$0x1EC00] =	vst v63  }
0xa6: {  	_ =	swait.ge [sflag:s19], $0x4000  }
0xa7: {  	[sflag:s19] =	ssyncset.done $0x0  }
0xa8: {  	[sflag:s19] =	ssyncadd.s32 $0xFFFFC000  }
0xa9: {  	[spmem:s2] =	stream.indirect.scatter.add.f32 [tilespmem:s18], [sflag:$0x3], $0x80, s30, s22, $0xb8;
	[tilespmem:$0x1EC00] =	vst v63  }
0xaa: {  	_ =	swait.ge [sflag:s19], $0x4000  }
0xab: {  	[sflag:s19] =	ssyncset.done $0x0  }
0xac: {  	[sflag:s19] =	ssyncadd.s32 $0xFFFFC000  }
0xad: {  	[spmem:s2] =	stream.indirect.scatter.add.f32 [tilespmem:s18], [sflag:$0x3], $0x80, s31, s22, $0xb8;
	[tilespmem:$0x1EC00] =	vst v63  }
0xae: {  	_ =	swait.ge [sflag:s19], $0x4000  }
0xaf: {  	[sflag:s19] =	ssyncset.done $0x0  }
0xb0: {  	[sflag:s19] =	ssyncadd.s32 $0xFFFFC000  }
0xb1: {  	[spmem:s2] =	stream.indirect.scatter.add.f32 [tilespmem:s18], [sflag:$0x3], $0x80, s8, s22, $0xb8;
	[tilespmem:$0x1EC00] =	vst v63  }
0xb2: {  	_ =	swait.ge [sflag:s19], $0x4000  }
0xb3: {  	[sflag:s19] =	ssyncset.done $0x0  }
0xb4: {  	[sflag:s19] =	ssyncadd.s32 $0xFFFFC000  }
0xb5: {  	[spmem:s2] =	stream.indirect.scatter.add.f32 [tilespmem:s18], [sflag:$0x3], $0x80, s9, s22, $0xb8;
	[tilespmem:$0x1EC00] =	vst v63  }
0xb6: {  	_ =	swait.ge [sflag:s19], $0x4000  }
0xb7: {  	[sflag:s19] =	ssyncset.done $0x0  }
0xb8: {  	[sflag:s19] =	ssyncadd.s32 $0xFFFFC000  }
0xb9: {  	[spmem:s2] =	stream.indirect.scatter.add.f32 [tilespmem:s18], [sflag:$0x3], $0x80, s10, s22, $0xb8;
	[tilespmem:$0x1EC00] =	vst v63  }
0xba: {  	_ =	swait.ge [sflag:s19], $0x4000  }
0xbb: {  	[sflag:s19] =	ssyncset.done $0x0  }
0xbc: {  	[sflag:s19] =	ssyncadd.s32 $0xFFFFC000  }
0xbd: {  	[spmem:s2] =	stream.indirect.scatter.add.f32 [tilespmem:s18], [sflag:$0x3], $0x80, s11, s22, $0xb8;
	[tilespmem:$0x1EC00] =	vst v63  }
0xbe: {  	_ =	swait.ge [sflag:s19], $0x4000  }
0xbf: {  	[sflag:s19] =	ssyncset.done $0x0  }
0xc0: {  	s29 =	rddreg [dreg:$0x7];
	[sflag:s19] =	ssyncadd.s32 $0xFFFFC000  }
0xc1: {  	[tilespmem:s20], [sflag:$0x3] =	stream.linear.gather [hbm4b:s29+s6], $0x400, $0x38;
	[tilespmem:$0x1EC00] =	vst v63  }
0xc2: {  	_ =	swait.ge [sflag:s19], $0x400  }
0xc3: {  	[sflag:s19] =	ssyncset.done $0x0  }
0xc4: {  	[sflag:s19] =	ssyncadd.s32 $0xFFFFFC00  }
0xc5: {  	[spmem:s2] =	stream.indirect.scatter.add.f32 [tilespmem:s18], [sflag:$0x3], $0x80, s20, s22, $0xb8;
	[tilespmem:$0x1EC00] =	vst v63  }
0xc6: {  	_ =	swait.ge [sflag:s19], $0x4000  }
0xc7: {  	[sflag:s19] =	ssyncset.done $0x0  }
0xc8: {  	[sflag:s19] =	ssyncadd.s32 $0xFFFFC000  }
0xc9: {  	[spmem:s2] =	stream.indirect.scatter.add.f32 [tilespmem:s18], [sflag:$0x3], $0x80, s12, s22, $0xb8;
	[tilespmem:$0x1EC00] =	vst v63  }
0xca: {  	_ =	swait.ge [sflag:s19], $0x4000  }
0xcb: {  	[sflag:s19] =	ssyncset.done $0x0  }
0xcc: {  	[sflag:s19] =	ssyncadd.s32 $0xFFFFC000  }
0xcd: {  	[spmem:s2] =	stream.indirect.scatter.add.f32 [tilespmem:s18], [sflag:$0x3], $0x80, s17, s22, $0xb8;
	[tilespmem:$0x1EC00] =	vst v63  }
0xce: {  	_ =	swait.ge [sflag:s19], $0x4000  }
0xcf: {  	[sflag:s19] =	ssyncset.done $0x0  }
0xd0: {  	s30 =	simm.s32 $0x2980;
	[sflag:s19] =	ssyncadd.s32 $0xFFFFC000  }
0xd1: {  	[spmem:s2] =	stream.indirect.scatter.add.f32 [tilespmem:s18], [sflag:$0x3], $0x80, s30, s22, $0xb8;
	[tilespmem:$0x1EC00] =	vst v63  }
0xd2: {  	_ =	swait.ge [sflag:s19], $0x4000  }
0xd3: {  	[sflag:s19] =	ssyncset.done $0x0  }
0xd4: {  	s31 =	simm.s32 $0x2A00;
	[sflag:s19] =	ssyncadd.s32 $0xFFFFC000  }
0xd5: {  	[spmem:s2] =	stream.indirect.scatter.add.f32 [tilespmem:s18], [sflag:$0x3], $0x80, s31, s22, $0xb8;
	[tilespmem:$0x1EC00] =	vst v63  }
0xd6: {  	_ =	swait.ge [sflag:s19], $0x4000  }
0xd7: {  	[sflag:s19] =	ssyncset.done $0x0  }
0xd8: {  	s12 =	simm.s32 $0x2A80;
	[sflag:s19] =	ssyncadd.s32 $0xFFFFC000  }
0xd9: {  	[spmem:s2] =	stream.indirect.scatter.add.f32 [tilespmem:s18], [sflag:$0x3], $0x80, s12, s22, $0xb8;
	[tilespmem:$0x1EC00] =	vst v63  }
0xda: {  	_ =	swait.ge [sflag:s19], $0x4000  }
0xdb: {  	[sflag:s19] =	ssyncset.done $0x0  }
0xdc: {  	s17 =	simm.s32 $0x2B00;
	[sflag:s19] =	ssyncadd.s32 $0xFFFFC000  }
0xdd: {  	[spmem:s2] =	stream.indirect.scatter.add.f32 [tilespmem:s18], [sflag:$0x3], $0x80, s17, s22, $0xb8;
	[tilespmem:$0x1EC00] =	vst v63  }
0xde: {  	_ =	swait.ge [sflag:s19], $0x4000  }
0xdf: {  	[sflag:s19] =	ssyncset.done $0x0  }
0xe0: {  	[sflag:s19] =	ssyncadd.s32 $0xFFFFC000  }
0xe1: {  	[spmem:s2] =	stream.indirect.scatter.add.f32 [tilespmem:s18], [sflag:$0x3], $0x80, s26, s22, $0xb8;
	[tilespmem:$0x1EC00] =	vst v63  }
0xe2: {  	_ =	swait.ge [sflag:s19], $0x4000  }
0xe3: {  	[sflag:s19] =	ssyncset.done $0x0  }
0xe4: {  	s28 =	stileid.u32;
	[sflag:s19] =	ssyncadd.s32 $0xFFFFC000  }
0xe5: {  	s29 =	sshll.u32 s28, $0x6;
	[bflag:$0x0] =	sbarrier.arrive $0xFFFF  }
0xe6: {  	s12 =	sshrl.u32 s3, $0x3;
	s17 =	sor.u32 $0x1C03, s29;
	s30 =	rddreg [dreg:$0xa]  }
0xe7: {  	[hbm:s30], [sflag:s17] =	dma.local [spmem:s12], $0x2780  }
0xe8: {  	_ =	swait.ge [sflag:s19], $0x2780  }
0xe9: {  	[sflag:s19] =	ssyncset.done $0x0  }
0xea: {  	[sflag:s19] =	ssyncadd.s32 $0xFFFFD880  }
0xeb: {  	[bflag:$0x0] =	sbarrier.arrive $0xFFFF  }
0xec: {  	[tilespmem:s18], [sflag:$0x3] =	stream.linear.gather [hbm4b:s23+s6], $0x4000, $0x38;
	[tilespmem:$0x1EC00] =	vst v63  }
0xed: {  	_ =	swait.ge [sflag:s19], $0x4000  }
0xee: {  	[sflag:s19] =	ssyncset.done $0x0  }
0xef: {  	[sflag:s19] =	ssyncadd.s32 $0xFFFFC000  }
0xf0: {  	[spmem:s3] =	stream.linear.scatter [tilespmem:s18], [sflag:$0x3], $0x4000, $0x38;
	[tilespmem:$0x1EC00] =	vst v63  }
0xf1: {  	_ =	swait.ge [sflag:s19], $0x4000  }
0xf2: {  	[sflag:s19] =	ssyncset.done $0x0  }
0xf3: {  	[sflag:s19] =	ssyncadd.s32 $0xFFFFC000  }
0xf4: {  	[spmem:s24] =	stream.linear.scatter [tilespmem:s18], [sflag:$0x3], $0x4000, $0x38;
	[tilespmem:$0x1EC00] =	vst v63  }
0xf5: {  	_ =	swait.ge [sflag:s19], $0x4000  }
0xf6: {  	[sflag:s19] =	ssyncset.done $0x0  }
0xf7: {  	[sflag:s19] =	ssyncadd.s32 $0xFFFFC000  }
0xf8: {  	[spmem:s25] =	stream.linear.scatter [tilespmem:s18], [sflag:$0x3], $0x4000, $0x38;
	[tilespmem:$0x1EC00] =	vst v63  }
0xf9: {  	_ =	swait.ge [sflag:s19], $0x4000  }
0xfa: {  	[sflag:s19] =	ssyncset.done $0x0  }
0xfb: {  	[sflag:s19] =	ssyncadd.s32 $0xFFFFC000  }
0xfc: {  	[spmem:s13] =	stream.linear.scatter [tilespmem:s18], [sflag:$0x3], $0x4000, $0x38;
	[tilespmem:$0x1EC00] =	vst v63  }
0xfd: {  	_ =	swait.ge [sflag:s19], $0x4000  }
0xfe: {  	[sflag:s19] =	ssyncset.done $0x0  }
0xff: {  	[sflag:s19] =	ssyncadd.s32 $0xFFFFC000  }
0x100: {  	[spmem:s21] =	stream.linear.scatter [tilespmem:s18], [sflag:$0x3], $0x3C00, $0x38;
	[tilespmem:$0x1EC00] =	vst v63  }
0x101: {  	_ =	swait.ge [sflag:s19], $0x3C00  }
0x102: {  	[sflag:s19] =	ssyncset.done $0x0  }
0x103: {  	[sflag:s19] =	ssyncadd.s32 $0xFFFFC400  }
0x104: {  	[bflag:$0x0] =	sbarrier.arrive $0xFFFF  }
0x105: {  	s31 =	rddreg [dreg:$0x9]  }
0x106: {  	[tilespmem:s6], [sflag:$0x3] =	stream.linear.gather [hbm4b:s31+s6], $0x2800, $0x38;
	[tilespmem:$0x1EC00] =	vst v63  }
0x107: {  	_ =	swait.ge [sflag:s19], $0x2800  }
0x108: {  	[sflag:s19] =	ssyncset.done $0x0  }
0x109: {  	[sflag:s19] =	ssyncadd.s32 $0xFFFFD800  }
0x10a: {  	[tilespmem:s18], [sflag:$0x1] =	stream.indirect.gather [hbm4b:s1+s22], $0x80, s6, s22, $0xb8;
	[tilespmem:$0x1EC00] =	vst v63  }
0x10b: {  	s23 =	simm.s32 $0x0;
	s24 =	simm.s32 $0x0;
	s21 =	simm.s32 $0x0  }
0x10c: {  	[tilespmem:s4], [sflag:$0x2] =	stream.indirect.gather [hbm4b:s1+s22], $0x80, s22, s22, $0xb8;
	[tilespmem:$0x1EC00] =	vst v63  }
.LBB2_2:
0x10d: {  	s25 =	sshll.u32 s24, $0x4  }
0x10e: {  	s25 =	sadd.s32 s16, s25  }
0x10f: {  	s25 =	sshll.u32 s25, $0x4  }
0x110: {  	s26 =	simm.s32 $0x0;
	s25 =	sadd.s32 s5, s25  }
0x111: {  	[tilespmem:s20], [sflag:$0x3] =	stream.linear.gather [hbm4b:s25+s26], $0x800, $0x38;
	[tilespmem:$0x1EC00] =	vst v63  }
0x112: {  	_ =	swait.ge [sflag:s19], $0x800  }
0x113: {  	[sflag:s19] =	ssyncset.done $0x0  }
0x114: {  	[sflag:s19] =	ssyncadd.s32 $0xFFFFF800  }
0x115: {  	_ =	swait.ge [sflag:s7], $0x4000  }
0x116: {  	[sflag:s7] =	ssyncset.done $0x0  }
0x117: {  	s26 =	simm.s32 $0x2800;
	[sflag:s7] =	ssyncadd.s32 $0xFFFFC000  }
0x118: {  	[spmem:s2] =	stream.indirect.scatter.add.f32 [tilespmem:s18], [sflag:$0x3], $0x80, s26, s22, $0xb8;
	[tilespmem:$0x1EC00] =	vst v63  }
0x119: {  	p0 =	sgt.u32 s21, $0x4D;
	_ =	swait.ge [sflag:s19], $0x4000  }
0x11a: {  	s28 =	simm.s32 @!p0 $0x80;
	s25 =	sadd.s32 @!p0 $0x0, s23;
	[sflag:s19] =	ssyncset.done $0x0  }
0x11b: {  	s25 =	sadd.s32 @!p0 $0x100, s25;
	s26 =	simm.s32 @!p0 $0x3000;
	[sflag:s19] =	ssyncadd.s32 $0xFFFFC000  }
0x11c: {  	[tilespmem:s26], [sflag:$0x1] =	stream.indirect.gather @!p0 [hbm4b:s1+s28], $0x80, s25, s28, $0xb8;
	[tilespmem:$0x1EC00] =	vst v63  }
0x11d: {  	_ =	swait.ge [sflag:s14], $0x4000  }
0x11e: {  	[sflag:s14] =	ssyncset.done $0x0  }
0x11f: {  	s31 =	simm.s32 $0x2880;
	p1 =	sgt.u32 s21, $0x4C;
	[sflag:s14] =	ssyncadd.s32 $0xFFFFC000  }
0x120: {  	[spmem:s2] =	stream.indirect.scatter.add.f32 [tilespmem:s4], [sflag:$0x3], $0x80, s31, s22, $0xb8;
	[tilespmem:$0x1EC00] =	vst v63  }
0x121: {  	s29 =	sadd.s32 @!p1 $0x0, s23;
	s30 =	simm.s32 @!p1 $0x80;
	_ =	swait.ge [sflag:s19], $0x4000  }
0x122: {  	s29 =	sadd.s32 @!p1 $0x180, s29;
	s25 =	simm.s32 $0x400;
	[sflag:s19] =	ssyncset.done $0x0  }
0x123: {  	s26 =	sadd.s32 $0x2, s21;
	s28 =	simm.s32 @!p1 $0x7000;
	[sflag:s19] =	ssyncadd.s32 $0xFFFFC000  }
.LBB2_3:
0x124: {  	[tilespmem:s28], [sflag:$0x2] =	stream.indirect.gather @!p1 [hbm4b:s1+s30], $0x80, s29, s30, $0xb8;
	[tilespmem:$0x1EC00] =	vst v63  }
0x125: {  	s28 =	smov.u32 s25;
	s25 =	sadd.s32 $0x400, s25;
	_ =	swait.ge [sflag:s7], $0x4000  }
0x126: {  	s29 =	sshra.s32 s28, $0x2;
	p0 =	sne.s32 s25, $0x2000;
	[sflag:s7] =	ssyncset.done $0x0  }
0x127: {  	p1 =	sgt.u32 s26, $0x4D;
	s30 =	sadd.s32 $0x2800, s29;
	[sflag:s7] =	ssyncadd.s32 $0xFFFFC000  }
0x128: {  	[spmem:s2] =	stream.indirect.scatter.add.f32 [tilespmem:s18], [sflag:$0x3], $0x80, s30, s22, $0xb8;
	[tilespmem:$0x1EC00] =	vst v63  }
0x129: {  	s30 =	sshra.s32 @!p1 s28, $0x2;
	_ =	swait.ge [sflag:s19], $0x4000  }
0x12a: {  	s31 =	simm.s32 @!p1 $0x3000;
	s30 =	sadd.s32 @!p1 s30, s23;
	[sflag:s19] =	ssyncset.done $0x0  }
0x12b: {  	s0 =	simm.s32 @!p1 $0x80;
	s30 =	sadd.s32 @!p1 $0x100, s30;
	[sflag:s19] =	ssyncadd.s32 $0xFFFFC000  }
0x12c: {  	[tilespmem:s31], [sflag:$0x1] =	stream.indirect.gather @!p1 [hbm4b:s1+s0], $0x80, s30, s0, $0xb8;
	[tilespmem:$0x1EC00] =	vst v63  }
0x12d: {  	_ =	swait.ge [sflag:s14], $0x4000  }
0x12e: {  	p1 =	sgt.u32 s26, $0x4C;
	[sflag:s14] =	ssyncset.done $0x0  }
.Ltmp0:
0x12f: {  	s0 =	sadd.s32 $0x2880, s29;
	[sflag:s14] =	ssyncadd.s32 $0xFFFFC000;
	(pc) =	sbr.rel @p0 .LBB2_3-.Ltmp0, $4  }
0x130: {  	[spmem:s2] =	stream.indirect.scatter.add.f32 [tilespmem:s4], [sflag:$0x3], $0x80, s0, s22, $0xb8;
	[tilespmem:$0x1EC00] =	vst v63  }
0x131: {  	s26 =	sadd.s32 $0x2, s26;
	s0 =	sshra.s32 @!p1 s28, $0x2;
	_ =	swait.ge [sflag:s19], $0x4000  }
0x132: {  	s28 =	simm.s32 @!p1 $0x7000;
	s0 =	sadd.s32 @!p1 s0, s23;
	[sflag:s19] =	ssyncset.done $0x0  }
0x133: {  	s30 =	simm.s32 @!p1 $0x80;
	s29 =	sadd.s32 @!p1 $0x180, s0;
	[sflag:s19] =	ssyncadd.s32 $0xFFFFC000  }
0x134: {  	s24 =	sadd.s32 $0x1, s24  }
0x135: {  	p0 =	sne.s32 s24, $0x5  }
.Ltmp1:
0x136: {  	_ = 	snop;
	(pc) =	sbr.rel @p0 .LBB2_2-.Ltmp1, $3  }
0x137: {  	_ =	sdelay $0x1  }
0x138: {  	[tilespmem:s28], [sflag:$0x2] =	stream.indirect.gather @!p1 [hbm4b:s1+s30], $0x80, s29, s30, $0xb8;
	[tilespmem:$0x1EC00] =	vst v63  }
0x139: {  	s23 =	sadd.s32 $0x800, s23;
	s21 =	sadd.s32 $0x10, s21  }
0x13a: {  	[bflag:$0x0] =	sbarrier.arrive $0xFFFF  }
0x13b: {  	s0 =	rddreg [dreg:$0xb]  }
0x13c: {  	[hbm:s0], [sflag:s17] =	dma.local [spmem:s12], $0x2780  }
0x13d: {  	_ =	swait.ge [sflag:s19], $0x2780  }
0x13e: {  	s15 =	sadd.s32 $0x1, s15;
	s31 =	rddreg [dreg:$0x8]  }
0x13f: {  	p0 =	sne.s32 s15, s31  }
.Ltmp2:
0x140: {  	_ = 	snop;
	(pc) =	sbr.rel @p0 .LBB2_1-.Ltmp2, $3  }
0x141: {  	_ =	sdelay $0x1  }
0x142: {  	[sflag:s19] =	ssyncset.done $0x0  }
0x143: {  	[sflag:s19] =	ssyncadd.s32 $0xFFFFD880  }
0x144: {  	_ =	sfence.sel $0x180000  }
0x145: {  	[bflag:$0x0] =	sbarrier.arrive $0xFFFF  }
0x146: {  	_ =	strace $0x90000047  }
0x147: {  	s0 =	stileid.u32;
	[bflag:$0x2] =	sbarrier.arrive $0xFFFF  }
0x148: {  	p0 =	sne.s32 s0, $0x0;
	s0 =	rddreg [dreg:$0x3]  }
0x149: {  	s0 =	sadd.s32 @!p0 $0x100000, s0  }
0x14a: {  	[sflag:s0] =	ssyncadd.tile.s32 @!p0 $0x1;
	_ =	shalt  }
.Lfunc_end2:
_tile_overlayer_lowered:
.L_overlay_start_2:
0x14b: {  	(tag) =	ssettag $0x2  }
0x14c: {  	s0 =	rddreg [dreg:$0x0];
	s2 =	stileid.u32  }
0x14d: {  	s1 =	rddreg [dreg:$0x1];
	p0 =	sne.s32 s2, $0x0  }
0x14e: {  	s3 =	rddreg [dreg:$0x2];
	[bflag:$0x3] =	sbarrier.arrive $0xFFFF;
	s2 =	simm.s32 @!p0 $0x1C03  }
0x14f: {  	[timem:s3], [sflag:s2] =	dma.local @!p0 [hbm:s0], s1  }
0x150: {  	s0 =	simm.s32 @!p0 $0x3  }
0x151: {  	_ =	swait.ge @!p0 [sflag:s0], s1  }
0x152: {  	s1 =	ssub.s32 @!p0 $0x0, s1;
	[sflag:s0] =	ssyncset.done @!p0 $0x0  }
0x153: {  	[sflag:s0] =	ssyncadd.s32 @!p0 s1  }
0x154: {  	[bflag:$0x3] =	sbarrier.arrive $0xFFFF  }
0x155: {  	_ =	shalt  }

</sc_bundles>
